<compile_context>
chip_gen: v7x
topology: tpu7x:2x2x1
jax: 0.10.2.dev20260603
libtpu: 0.0.44.dev20260713+nightly
codegen_flags: <defaults>
</compile_context>

<pallas_src>
import functools

import jax
import jax.numpy as jnp
from jax import lax
from jax.experimental import pallas as pl
from jax.experimental.pallas import tpu as pltpu
from jax.experimental.pallas import tpu_sc as plsc

M = 1048576
D = 32
L = 16
B = 16384

_NC = 2
_NS = 16
_NW = _NC * _NS
_RW = M // _NW
_CH = 128
_NCHMAX = B // _CH
_LANES = 16

_GB_MEM = 8 * M
_GB_NODE = 8 * B


def _byteview(x, rows, cols):
    return (x.T.reshape(rows // 8, 8, cols // 128, 128)
            .transpose(0, 2, 1, 3).reshape(rows * cols))


def _unbyteview(flat, rows, cols):
    return (flat.reshape(rows // 8, cols // 128, 8, 128)
            .transpose(0, 2, 1, 3).reshape(rows, cols).T)


def _norm_body(x_ref, y_ref, lbs_out, lp_out, ent_out):
    x = x_ref[...]
    m = jnp.max(x, axis=0, keepdims=True)
    lse = jnp.log(jnp.sum(jnp.exp(x - m), axis=0, keepdims=True)) + m
    lbs = x - lse
    lbs_out[...] = lbs

    y = y_ref[...]
    my = jnp.max(y)
    ly = jnp.log(jnp.sum(jnp.exp(y - my))) + my
    lp = y - ly
    lp_out[...] = lp

    ent = -jnp.sum(jnp.exp(lbs) * lbs, axis=0, keepdims=True)
    ent_out[...] = jnp.sum(ent * jnp.exp(lp)).reshape(1, 1)


def _normalize(node_lbs, node_lp):
    lbs_t, lp_row, ent = pl.pallas_call(
        _norm_body,
        grid=(1,),
        in_specs=[
            pl.BlockSpec((D, B), lambda i: (0, 0)),
            pl.BlockSpec((1, B), lambda i: (0, 0)),
        ],
        out_specs=[
            pl.BlockSpec((D, B), lambda i: (0, 0)),
            pl.BlockSpec((1, B), lambda i: (0, 0)),
            pl.BlockSpec((1, 1), lambda i: (0, 0)),
        ],
        out_shape=[
            jax.ShapeDtypeStruct((D, B), jnp.float32),
            jax.ShapeDtypeStruct((1, B), jnp.float32),
            jax.ShapeDtypeStruct((1, 1), jnp.float32),
        ],
    )(node_lbs.T, node_lp.reshape(1, B))
    return lbs_t, lp_row, ent[0, 0]


_CG = 64


def _copy_body(a, b, c, d, oa, ob, oc, od):
    oa[...] = a[...]
    ob[...] = b[...]
    oc[...] = c[...]
    od[...] = d[...]


def _copy(lbs_bytes, mem_lp, seq_bytes, mem_slen):
    shapes = [(M * D // 128, 128), (8192, 128), (M * L // 128, 128), (8192, 128)]
    dts = [jnp.int32, jnp.int32, jnp.int32, jnp.int32]
    ins = (lbs_bytes.reshape(shapes[0]), mem_lp.reshape(shapes[1]),
           seq_bytes.reshape(shapes[2]), mem_slen.reshape(shapes[3]))
    specs = [pl.BlockSpec((s[0] // _CG, 128), lambda i: (i, 0)) for s in shapes]
    outs = pl.pallas_call(
        _copy_body,
        grid=(_CG,),
        in_specs=specs,
        out_specs=specs,
        out_shape=[jax.ShapeDtypeStruct(s, dt) for s, dt in zip(shapes, dts)],
        compiler_params=pltpu.CompilerParams(
            dimension_semantics=("arbitrary",),
        ),
    )(*ins)
    return (outs[0].reshape(M * D), outs[1].reshape(M),
            outs[2].reshape(M * L), outs[3].reshape(M))


_sc_mesh = plsc.VectorSubcoreMesh(core_axis_name="c", subcore_axis_name="s")


@functools.partial(
    pl.kernel,
    out_type=(),
    mesh=_sc_mesh,
    scratch_types=[
        pltpu.VMEM((B,), jnp.int32),
        pltpu.VMEM((_NCHMAX, _CH), jnp.int32),
        pltpu.VMEM((_NCHMAX, _CH), jnp.int32),
        pltpu.VMEM((_RW,), jnp.int32),
        pltpu.VMEM((_CH, 128), jnp.int32),
        pltpu.VMEM((_CH,), jnp.int32),
        pltpu.VMEM((D * _CH,), jnp.int32),
        pltpu.VMEM((L * _CH,), jnp.int32),
        pltpu.VMEM((D * _CH,), jnp.int32),
        pltpu.VMEM((L * _CH,), jnp.int32),
        pltpu.VMEM((_CH,), jnp.int32),
        pltpu.VMEM((_CH,), jnp.int32),
        pltpu.SemaphoreType.DMA,
        pltpu.SemaphoreType.DMA,
        pltpu.SemaphoreType.DMA,
        pltpu.SemaphoreType.DMA,
    ],
    compiler_params=pltpu.CompilerParams(needs_layout_passes=False,
                                         use_tc_tiling_on_sc=False),
)
def _sc_scatter(idx_hbm, stage_hbm,
                olbs, olp, oseq, oslen,
                idx_v, cidx_v, cpos_v, wm_v, rows_v, tdst_v,
                didxf, didxq,
                gf, gi, lp_ch, slen_ch, s0, s1, s2, s3):
    wid = lax.axis_index("s") * _NC + lax.axis_index("c")
    lo = wid * _RW
    hi = lo + _RW

    pltpu.sync_copy(idx_hbm, idx_v)

    def cbody(k, off):
        v = idx_v[pl.ds(k * _LANES, _LANES)]
        m = (v >= lo) & (v < hi)
        mi = m.astype(jnp.int32)
        c = plsc.cumsum(mi) - 1 + off
        pos = k * _LANES + lax.iota(jnp.int32, _LANES)
        plsc.store_scatter(cidx_v, [c >> 7, c & (_CH - 1)], v, mask=m)
        plsc.store_scatter(cpos_v, [c >> 7, c & (_CH - 1)], pos, mask=m)
        return off + jnp.sum(mi)

    n = lax.fori_loop(0, B // _LANES, cbody, jnp.int32(0))

    npad = ((n + _CH - 1) // _CH) * _CH
    lastv = idx_v[pl.ds(B - _LANES, _LANES)][_LANES - 1]

    def pbody(k, _):
        p = n + k * _LANES + lax.iota(jnp.int32, _LANES)
        m = p < npad
        plsc.store_scatter(cidx_v, [p >> 7, p & (_CH - 1)],
                           jnp.full((_LANES,), lastv, jnp.int32), mask=m)
        plsc.store_scatter(cpos_v, [p >> 7, p & (_CH - 1)],
                           jnp.full((_LANES,), B - 1, jnp.int32), mask=m)
        return 0

    lax.fori_loop(0, _CH // _LANES, pbody, 0)

    def winit(k, _):
        wm_v[pl.ds(k * _LANES, _LANES)] = jnp.full((_LANES,), -1, jnp.int32)
        return 0

    lax.fori_loop(0, _RW // _LANES, winit, 0)

    nv = (n + _LANES - 1) // _LANES
    lastv_vec = jnp.full((_LANES,), lastv, jnp.int32)

    def wpass(k, changed):
        row = k >> 3
        col = (k & 7) * _LANES
        v = cidx_v[row, pl.ds(col, _LANES)]
        p = cpos_v[row, pl.ds(col, _LANES)]
        mreal = (k * _LANES + lax.iota(jnp.int32, _LANES)) < n
        vl = jnp.where(mreal, v - lo, 0)
        w = plsc.load_gather(wm_v, [vl], mask=mreal)
        imp = mreal & (p > w)
        plsc.store_scatter(wm_v, [vl], p, mask=imp)
        return changed + jnp.sum(imp.astype(jnp.int32))

    lax.while_loop(
        lambda c: c > 0,
        lambda c: lax.fori_loop(0, nv, wpass, jnp.int32(0)),
        jnp.int32(1))

    def rwpass(k, _):
        row = k >> 3
        col = (k & 7) * _LANES
        v = cidx_v[row, pl.ds(col, _LANES)]
        p = cpos_v[row, pl.ds(col, _LANES)]
        mreal = (k * _LANES + lax.iota(jnp.int32, _LANES)) < n
        vl = jnp.where(mreal, v - lo, 0)
        w = plsc.load_gather(wm_v, [vl], mask=mreal)
        dead = mreal & (w != p)
        cidx_v[row, pl.ds(col, _LANES)] = jnp.where(dead, lastv_vec, v)
        cpos_v[row, pl.ds(col, _LANES)] = jnp.where(
            dead, jnp.full((_LANES,), B - 1, jnp.int32), p)
        return 0

    lax.fori_loop(0, nv, rwpass, 0)

    def chbody(ci, _):
        pos_r = cpos_v.at[ci]
        dst_r = cidx_v.at[ci]

        hrow = pltpu.async_copy(stage_hbm.at[pos_r], rows_v, s0)

        for j in range(_CH // _LANES):
            sl = pl.ds(j * _LANES, _LANES)
            q = dst_r[sl]
            tdst_v[sl] = ((q >> 7) << 10) + (q & 127)

        def fdst(d, _):
            gb = (d >> 3) * _GB_MEM + (d & 7) * 128
            for j in range(_CH // _LANES):
                sl = pl.ds(j * _LANES, _LANES)
                didxf[pl.ds(d * _CH + j * _LANES, _LANES)] = tdst_v[sl] + gb
            return 0

        lax.fori_loop(0, D, fdst, 0)

        def fdstq(d, _):
            gb = (d >> 3) * _GB_MEM + (d & 7) * 128
            for j in range(_CH // _LANES):
                sl = pl.ds(j * _LANES, _LANES)
                didxq[pl.ds(d * _CH + j * _LANES, _LANES)] = tdst_v[sl] + gb
            return 0

        lax.fori_loop(0, L, fdstq, 0)

        hrow.wait()

        def xpose(d, _):
            dcol = jnp.full((_LANES,), 0, jnp.int32) + d
            for j in range(_CH // _LANES):
                e = j * _LANES + lax.iota(jnp.int32, _LANES)
                gf[pl.ds(d * _CH + j * _LANES, _LANES)] = plsc.load_gather(
                    rows_v, [e, dcol])
            return 0

        lax.fori_loop(0, D, xpose, 0)

        def xposeq(d, _):
            dcol = jnp.full((_LANES,), D, jnp.int32) + d
            for j in range(_CH // _LANES):
                e = j * _LANES + lax.iota(jnp.int32, _LANES)
                gi[pl.ds(d * _CH + j * _LANES, _LANES)] = plsc.load_gather(
                    rows_v, [e, dcol])
            return 0

        lax.fori_loop(0, L, xposeq, 0)

        for j in range(_CH // _LANES):
            sl = pl.ds(j * _LANES, _LANES)
            e = j * _LANES + lax.iota(jnp.int32, _LANES)
            lp_ch[sl] = plsc.load_gather(
                rows_v, [e, jnp.full((_LANES,), D + L, jnp.int32)])
            slen_ch[sl] = plsc.load_gather(
                rows_v, [e, jnp.full((_LANES,), D + L + 1, jnp.int32)])

        shandles = [
            pltpu.async_copy(gf, olbs.at[didxf], s0),
            pltpu.async_copy(gi, oseq.at[didxq], s1),
            pltpu.async_copy(lp_ch, olp.at[dst_r], s2),
            pltpu.async_copy(slen_ch, oslen.at[dst_r], s3),
        ]
        for h in shandles:
            h.wait()
        return 0

    lax.fori_loop(0, npad // _CH, chbody, 0)


def kernel(mem_log_belief_states, mem_log_probabilities, mem_sequences,
           mem_sequence_lengths, write_idx, node_log_belief_states,
           node_log_probabilities, node_sequences, node_sequence_lengths):
    lbs_t, lp_row, avg_entropy = _normalize(node_log_belief_states,
                                            node_log_probabilities)
    stage = jnp.concatenate(
        [lax.bitcast_convert_type(lbs_t, jnp.int32),
         node_sequences.T,
         lax.bitcast_convert_type(lp_row, jnp.int32),
         node_sequence_lengths.reshape(1, B),
         jnp.zeros((128 - D - L - 2, B), jnp.int32)], axis=0).T
    clbs, clp, cseq, cslen = _copy(
        lax.bitcast_convert_type(_byteview(mem_log_belief_states, D, M),
                                 jnp.int32),
        lax.bitcast_convert_type(mem_log_probabilities, jnp.int32),
        _byteview(mem_sequences, L, M),
        mem_sequence_lengths)
    olbs = jax.new_ref(clbs)
    olp = jax.new_ref(clp)
    oseq = jax.new_ref(cseq)
    oslen = jax.new_ref(cslen)
    _sc_scatter(write_idx, stage, olbs, olp, oseq, oslen)
    return (_unbyteview(lax.bitcast_convert_type(olbs[...], jnp.float32),
                        D, M),
            lax.bitcast_convert_type(olp[...], jnp.float32),
            _unbyteview(oseq[...], L, M),
            oslen[...],
            avg_entropy)

# --- scband reference (transcript-rebuilt; emitter-appended) ---
"""Pipeline reference for scband-mixed-state-tree-generator-71966472012658 (READ-ONLY COPY).

The authoritative reference and input builder live on the scoring server;
editing this copy changes nothing except your own understanding.
"""

import jax, jax.numpy as jnp
import numpy as np

M = 1048576
D = 32
L = 16
B = 16384
VOCAB = 4


def setup_inputs(seed: int = 0) -> dict:
    key = jax.random.key(seed)
    ks = jax.random.split(key, 9)
    mem_log_belief_states = jax.random.normal(ks[0], (M, D), dtype=jnp.float32)
    mem_log_probabilities = jax.random.normal(ks[1], (M,), dtype=jnp.float32)
    mem_sequences = jnp.zeros((M, L), dtype=jnp.int32)
    mem_sequence_lengths = jnp.zeros((M,), dtype=jnp.int32)
    write_idx = jax.random.randint(ks[2], (B,), 0, M, dtype=jnp.int32)
    node_log_belief_states = jax.random.normal(ks[3], (B, D), dtype=jnp.float32)
    node_log_probabilities = jax.random.normal(ks[4], (B,), dtype=jnp.float32)
    node_sequences = jax.random.randint(ks[5], (B, L), 0, VOCAB, dtype=jnp.int32)
    node_sequence_lengths = jax.random.randint(ks[6], (B,), 0, L, dtype=jnp.int32)
    return {
        "mem_log_belief_states": mem_log_belief_states,
        "mem_log_probabilities": mem_log_probabilities,
        "mem_sequences": mem_sequences,
        "mem_sequence_lengths": mem_sequence_lengths,
        "write_idx": write_idx,
        "node_log_belief_states": node_log_belief_states,
        "node_log_probabilities": node_log_probabilities,
        "node_sequences": node_sequences,
        "node_sequence_lengths": node_sequence_lengths,
    }


def reference(mem_log_belief_states, mem_log_probabilities, mem_sequences,
              mem_sequence_lengths, write_idx, node_log_belief_states,
              node_log_probabilities, node_sequences, node_sequence_lengths):
    # Normalize raw node values into valid log distributions / log probabilities,
    # mirroring the log-space belief states used by MixedStateNode.
    lbs = jax.nn.log_softmax(node_log_belief_states, axis=-1)  # [B, D] log belief dists
    lp = jax.nn.log_softmax(node_log_probabilities)            # [B] log node probs (sum exp = 1)

    # TreeData.add, batched: scatter-overwrite the preallocated tree buffers
    # (sequences / sequence_lengths / log_belief_states / log_probabilities) at
    # the slots given by write_idx (the running `size` cursor for each node).
    new_lbs = mem_log_belief_states.at[write_idx].set(lbs)
    new_lp = mem_log_probabilities.at[write_idx].set(lp)
    new_seq = mem_sequences.at[write_idx].set(node_sequences)
    new_slen = mem_sequence_lengths.at[write_idx].set(node_sequence_lengths)

    # compute_average_entropy over the written frontier (myopic belief-state entropy):
    # entropies = vmap(entropy)(log_dists); sum(entropies * exp(log_probs))
    entropies = -jnp.sum(jnp.exp(lbs) * lbs, axis=-1)  # [B]
    avg_entropy = jnp.sum(entropies * jnp.exp(lp))

    return (new_lbs, new_lp, new_seq, new_slen, avg_entropy)

if __name__ == "__main__":
    import jax
    _d = setup_inputs()
    print(jax.jit(kernel)(*tuple(_d.values())))

</pallas_src>

<mosaic_0001>
#map = affine_map<(d0, d1) -> (0)>
#map1 = affine_map<(d0, d1) -> (0, 0)>
module attributes {stable_mosaic.version = 14 : i64} {
  func.func @new_body(%arg0: i32, %arg1: i32, %arg2: memref<16384xi32, #tpu.memory_space<hbm>>, %arg3: memref<16384x128xi32, #tpu.memory_space<hbm>>, %arg4: memref<33554432xi32, #tpu.memory_space<hbm>>, %arg5: memref<1048576xi32, #tpu.memory_space<hbm>>, %arg6: memref<16777216xi32, #tpu.memory_space<hbm>>, %arg7: memref<1048576xi32, #tpu.memory_space<hbm>>, %arg8: memref<33554432xi32, #tpu.memory_space<hbm>>, %arg9: memref<1048576xi32, #tpu.memory_space<hbm>>, %arg10: memref<16777216xi32, #tpu.memory_space<hbm>>, %arg11: memref<1048576xi32, #tpu.memory_space<hbm>>, %arg12: memref<16384xi32, #tpu.memory_space<vmem>>, %arg13: memref<128x128xi32, #tpu.memory_space<vmem>>, %arg14: memref<128x128xi32, #tpu.memory_space<vmem>>, %arg15: memref<32768xi32, #tpu.memory_space<vmem>>, %arg16: memref<128x128xi32, #tpu.memory_space<vmem>>, %arg17: memref<128xi32, #tpu.memory_space<vmem>>, %arg18: memref<4096xi32, #tpu.memory_space<vmem>>, %arg19: memref<2048xi32, #tpu.memory_space<vmem>>, %arg20: memref<4096xi32, #tpu.memory_space<vmem>>, %arg21: memref<2048xi32, #tpu.memory_space<vmem>>, %arg22: memref<128xi32, #tpu.memory_space<vmem>>, %arg23: memref<128xi32, #tpu.memory_space<vmem>>, %arg24: memref<!tpu.dma_semaphore, #tpu.memory_space<semaphore_mem>>, %arg25: memref<!tpu.dma_semaphore, #tpu.memory_space<semaphore_mem>>, %arg26: memref<!tpu.dma_semaphore, #tpu.memory_space<semaphore_mem>>, %arg27: memref<!tpu.dma_semaphore, #tpu.memory_space<semaphore_mem>>) attributes {dimension_semantics = [#tpu.dimension_semantics<core_parallel>, #tpu.dimension_semantics<subcore_parallel>], iteration_bounds = array<i64: 2, 16>, scalar_prefetch = 0 : i64, scratch_operands = 16 : i64, tpu.core_type = #tpu.core_type<sc_vector_subcore>, window_params = [{transform_indices = #map}, {transform_indices = #map1}, {transform_indices = #map}, {transform_indices = #map}, {transform_indices = #map}, {transform_indices = #map}, {transform_indices = #map}, {transform_indices = #map}, {transform_indices = #map}, {transform_indices = #map}]} {
    %mul3A = arith.constant 2 : i32
    %mul3A_0 = arith.muli %arg1, %mul3A : i32
    %add3A = arith.addi %mul3A_0, %arg0 : i32
    %mul3A_1 = arith.constant 32768 : i32
    %mul3A_2 = arith.muli %add3A, %mul3A_1 : i32
    %add3A_3 = arith.constant 32768 : i32
    %add3A_4 = arith.addi %mul3A_2, %add3A_3 : i32
    "tpu.region"() ({
      %run_scoped3A = tpu.sem_alloc : memref<!tpu.dma_semaphore, #tpu.memory_space<semaphore_mem>>
      tpu.enqueue_dma source(%arg2 : memref<16384xi32, #tpu.memory_space<hbm>>) target(%arg12 : memref<16384xi32, #tpu.memory_space<vmem>>) target_semaphore(%run_scoped3A : memref<!tpu.dma_semaphore, #tpu.memory_space<semaphore_mem>>)
      tpu.wait_dma2 semaphore(%run_scoped3A : memref<!tpu.dma_semaphore, #tpu.memory_space<semaphore_mem>>) src(%arg2 : memref<16384xi32, #tpu.memory_space<hbm>>) dst(%arg12 : memref<16384xi32, #tpu.memory_space<vmem>>)
      tpu.yield
    }) : () -> ()
    %scan3A = arith.constant 0 : i32
    %scan3A_5 = arith.constant 0 : i32
    %scan3A_6 = arith.constant 1024 : i32
    %scan3A_7 = arith.addi %scan3A_5, %scan3A_6 : i32
    %scan3A_8 = arith.constant 1 : i32
    %scan3A_9 = scf.for %scan3A_125 = %scan3A_5 to %scan3A_7 step %scan3A_8 iter_args(%scan3A_126 = %scan3A) -> (i32)  : i32 {
      %mul3A_127 = arith.constant 16 : i32
      %mul3A_128 = arith.muli %scan3A_125, %mul3A_127 : i32
      %get3A_129 = arith.index_cast %mul3A_128 : i32 to index
      %get3A_130 = tpu.vector_load %arg12[%get3A_129] {strides = array<i32>} : memref<16384xi32, #tpu.memory_space<vmem>>, vector<16xi32>,
      %ge3A = vector.broadcast %mul3A_2 : i32 to vector<16xi32>
      %ge3A_131 = arith.cmpi sge, %get3A_130, %ge3A : vector<16xi32>
      %lt3A = vector.broadcast %add3A_4 : i32 to vector<16xi32>
      %lt3A_132 = arith.cmpi slt, %get3A_130, %lt3A : vector<16xi32>
      %and3A_133 = arith.andi %ge3A_131, %lt3A_132 : vector<16xi1>
      %convert_element_type3A = arith.extui %and3A_133 : vector<16xi1> to vector<16xi32>
      %broadcast_in_dim3A_134 = arith.constant true
      %broadcast_in_dim3A_135 = vector.broadcast %broadcast_in_dim3A_134 : i1 to vector<16xi1>
      %masked_cumsum3A = tpu.scan <sum>, %convert_element_type3A masked %broadcast_in_dim3A_135 : vector<16xi32>, vector<16xi1> -> vector<16xi32>
      %sub3A_136 = arith.constant 1 : i32
      %sub3A_137 = vector.broadcast %sub3A_136 : i32 to vector<16xi32>
      %sub3A_138 = arith.subi %masked_cumsum3A, %sub3A_137 : vector<16xi32>
      %add3A_139 = vector.broadcast %scan3A_126 : i32 to vector<16xi32>
      %add3A_140 = arith.addi %sub3A_138, %add3A_139 : vector<16xi32>
      %mul3A_141 = arith.constant 16 : i32
      %mul3A_142 = arith.muli %scan3A_125, %mul3A_141 : i32
      %iota3A = tpu.iota {dimensions = array<i32: 0>} : vector<16xi32>
      %add3A_143 = vector.broadcast %mul3A_142 : i32 to vector<16xi32>
      %add3A_144 = arith.addi %add3A_143, %iota3A : vector<16xi32>
      %shift_right_arithmetic3A = arith.constant 7 : i32
      %shift_right_arithmetic3A_145 = vector.broadcast %shift_right_arithmetic3A : i32 to vector<16xi32>
      %shift_right_arithmetic3A_146 = arith.shrsi %add3A_140, %shift_right_arithmetic3A_145 : vector<16xi32>
      %and3A_147 = arith.constant 127 : i32
      %and3A_148 = vector.broadcast %and3A_147 : i32 to vector<16xi32>
      %and3A_149 = arith.andi %add3A_140, %and3A_148 : vector<16xi32>
      tpu.vector_store_idx %arg13[%shift_right_arithmetic3A_146, %and3A_149], %get3A_130 masked %and3A_133 : memref<128x128xi32, #tpu.memory_space<vmem>>[vector<16xi32>, vector<16xi32>], vector<16xi32>, vector<16xi1>
      %shift_right_arithmetic3A_150 = arith.constant 7 : i32
      %shift_right_arithmetic3A_151 = vector.broadcast %shift_right_arithmetic3A_150 : i32 to vector<16xi32>
      %shift_right_arithmetic3A_152 = arith.shrsi %add3A_140, %shift_right_arithmetic3A_151 : vector<16xi32>
      %and3A_153 = arith.constant 127 : i32
      %and3A_154 = vector.broadcast %and3A_153 : i32 to vector<16xi32>
      %and3A_155 = arith.andi %add3A_140, %and3A_154 : vector<16xi32>
      tpu.vector_store_idx %arg14[%shift_right_arithmetic3A_152, %and3A_155], %add3A_144 masked %and3A_133 : memref<128x128xi32, #tpu.memory_space<vmem>>[vector<16xi32>, vector<16xi32>], vector<16xi32>, vector<16xi1>
      %reduce_sum3A = arith.constant true
      %reduce_sum3A_156 = vector.broadcast %reduce_sum3A : i1 to vector<16xi1>
      %reduce_sum3A_157 = tpu.scan <sum>, %convert_element_type3A masked %reduce_sum3A_156 : vector<16xi32>, vector<16xi1> -> vector<16xi32>
      %reduce_sum3A_158 = vector.extract %reduce_sum3A_157[15] : i32 from vector<16xi32>
      %add3A_159 = arith.addi %scan3A_126, %reduce_sum3A_158 : i32
      scf.yield %add3A_159 : i32
    }
    %scan3A_10 = arith.constant 1024 : i32
    %add3A_11 = arith.constant 128 : i32
    %add3A_12 = arith.addi %scan3A_9, %add3A_11 : i32
    %sub3A = arith.constant 1 : i32
    %sub3A_13 = arith.subi %add3A_12, %sub3A : i32
    %jit3A = arith.constant 128 : i32
    %div3A = arith.divsi %sub3A_13, %jit3A : i32
    %sign3A = arith.constant 0 : i32
    %sign3A_14 = arith.cmpi sgt, %sub3A_13, %sign3A : i32
    %sign3A_15 = arith.extui %sign3A_14 : i1 to i32
    %sign3A_16 = arith.constant 0 : i32
    %sign3A_17 = arith.cmpi slt, %sub3A_13, %sign3A_16 : i32
    %sign3A_18 = arith.extui %sign3A_17 : i1 to i32
    %sign3A_19 = arith.subi %sign3A_15, %sign3A_18 : i32
    %sign3A_20 = arith.constant 0 : i32
    %sign3A_21 = arith.cmpi sgt, %jit3A, %sign3A_20 : i32
    %sign3A_22 = arith.extui %sign3A_21 : i1 to i32
    %sign3A_23 = arith.constant 0 : i32
    %sign3A_24 = arith.cmpi slt, %jit3A, %sign3A_23 : i32
    %sign3A_25 = arith.extui %sign3A_24 : i1 to i32
    %sign3A_26 = arith.subi %sign3A_22, %sign3A_25 : i32
    %ne3A = arith.cmpi ne, %sign3A_19, %sign3A_26 : i32
    %rem3A = arith.remsi %sub3A_13, %jit3A : i32
    %ne3A_27 = arith.constant 0 : i32
    %ne3A_28 = arith.cmpi ne, %rem3A, %ne3A_27 : i32
    %and3A = arith.andi %ne3A, %ne3A_28 : i1
    %sub3A_29 = arith.constant 1 : i32
    %sub3A_30 = arith.subi %div3A, %sub3A_29 : i32
    %select_n3A = arith.select %and3A, %sub3A_30, %div3A : i32
    %mul3A_31 = arith.constant 128 : i32
    %mul3A_32 = arith.muli %select_n3A, %mul3A_31 : i32
    %get3A = arith.constant 16368 : index
    %get3A_33 = tpu.vector_load %arg12[%get3A] {strides = array<i32>} : memref<16384xi32, #tpu.memory_space<vmem>>, vector<16xi32>,
    %slice3A = vector.extract_strided_slice %get3A_33 {offsets = [15], sizes = [1], strides = [1]} : vector<16xi32> to vector<1xi32>
    %squeeze3A = vector.extract %slice3A[0] : i32 from vector<1xi32>
    %scan3A_34 = arith.constant 0 : i32
    %scan3A_35 = arith.constant 0 : i32
    %scan3A_36 = arith.constant 8 : i32
    %scan3A_37 = arith.addi %scan3A_35, %scan3A_36 : i32
    %scan3A_38 = arith.constant 1 : i32
    %scan3A_39 = scf.for %scan3A_125 = %scan3A_35 to %scan3A_37 step %scan3A_38 iter_args(%scan3A_126 = %scan3A_34) -> (i32)  : i32 {
      %mul3A_127 = arith.constant 16 : i32
      %mul3A_128 = arith.muli %scan3A_125, %mul3A_127 : i32
      %add3A_129 = arith.addi %scan3A_9, %mul3A_128 : i32
      %iota3A = tpu.iota {dimensions = array<i32: 0>} : vector<16xi32>
      %add3A_130 = vector.broadcast %add3A_129 : i32 to vector<16xi32>
      %add3A_131 = arith.addi %add3A_130, %iota3A : vector<16xi32>
      %lt3A = vector.broadcast %mul3A_32 : i32 to vector<16xi32>
      %lt3A_132 = arith.cmpi slt, %add3A_131, %lt3A : vector<16xi32>
      %shift_right_arithmetic3A = arith.constant 7 : i32
      %shift_right_arithmetic3A_133 = vector.broadcast %shift_right_arithmetic3A : i32 to vector<16xi32>
      %shift_right_arithmetic3A_134 = arith.shrsi %add3A_131, %shift_right_arithmetic3A_133 : vector<16xi32>
      %and3A_135 = arith.constant 127 : i32
      %and3A_136 = vector.broadcast %and3A_135 : i32 to vector<16xi32>
      %and3A_137 = arith.andi %add3A_131, %and3A_136 : vector<16xi32>
      %broadcast_in_dim3A_138 = vector.broadcast %squeeze3A : i32 to vector<16xi32>
      tpu.vector_store_idx %arg13[%shift_right_arithmetic3A_134, %and3A_137], %broadcast_in_dim3A_138 masked %lt3A_132 : memref<128x128xi32, #tpu.memory_space<vmem>>[vector<16xi32>, vector<16xi32>], vector<16xi32>, vector<16xi1>
      %shift_right_arithmetic3A_139 = arith.constant 7 : i32
      %shift_right_arithmetic3A_140 = vector.broadcast %shift_right_arithmetic3A_139 : i32 to vector<16xi32>
      %shift_right_arithmetic3A_141 = arith.shrsi %add3A_131, %shift_right_arithmetic3A_140 : vector<16xi32>
      %and3A_142 = arith.constant 127 : i32
      %and3A_143 = vector.broadcast %and3A_142 : i32 to vector<16xi32>
      %and3A_144 = arith.andi %add3A_131, %and3A_143 : vector<16xi32>
      %broadcast_in_dim3A_145 = arith.constant 16383 : i32
      %broadcast_in_dim3A_146 = vector.broadcast %broadcast_in_dim3A_145 : i32 to vector<16xi32>
      tpu.vector_store_idx %arg14[%shift_right_arithmetic3A_141, %and3A_144], %broadcast_in_dim3A_146 masked %lt3A_132 : memref<128x128xi32, #tpu.memory_space<vmem>>[vector<16xi32>, vector<16xi32>], vector<16xi32>, vector<16xi1>
      %scan3A_147 = arith.constant 0 : i32
      scf.yield %scan3A_147 : i32
    }
    %scan3A_40 = arith.constant 8 : i32
    %scan3A_41 = arith.constant 0 : i32
    %scan3A_42 = arith.constant 0 : i32
    %scan3A_43 = arith.constant 2048 : i32
    %scan3A_44 = arith.addi %scan3A_42, %scan3A_43 : i32
    %scan3A_45 = arith.constant 1 : i32
    %scan3A_46 = scf.for %scan3A_125 = %scan3A_42 to %scan3A_44 step %scan3A_45 iter_args(%scan3A_126 = %scan3A_41) -> (i32)  : i32 {
      %broadcast_in_dim3A_127 = arith.constant -1 : i32
      %broadcast_in_dim3A_128 = vector.broadcast %broadcast_in_dim3A_127 : i32 to vector<16xi32>
      %mul3A_129 = arith.constant 16 : i32
      %mul3A_130 = arith.muli %scan3A_125, %mul3A_129 : i32
      %swap3A = arith.index_cast %mul3A_130 : i32 to index
      %swap3A_131 = tpu.vector_load %arg15[%swap3A] {strides = array<i32>} : memref<32768xi32, #tpu.memory_space<vmem>>, vector<16xi32>,
      tpu.vector_store %arg15[%swap3A], %broadcast_in_dim3A_128 {strides = array<i32>} : memref<32768xi32, #tpu.memory_space<vmem>>, vector<16xi32>,
      %scan3A_132 = arith.constant 0 : i32
      scf.yield %scan3A_132 : i32
    }
    %scan3A_47 = arith.constant 2048 : i32
    %add3A_48 = arith.constant 16 : i32
    %add3A_49 = arith.addi %scan3A_9, %add3A_48 : i32
    %sub3A_50 = arith.constant 1 : i32
    %sub3A_51 = arith.subi %add3A_49, %sub3A_50 : i32
    %jit3A_52 = arith.constant 16 : i32
    %div3A_53 = arith.divsi %sub3A_51, %jit3A_52 : i32
    %sign3A_54 = arith.constant 0 : i32
    %sign3A_55 = arith.cmpi sgt, %sub3A_51, %sign3A_54 : i32
    %sign3A_56 = arith.extui %sign3A_55 : i1 to i32
    %sign3A_57 = arith.constant 0 : i32
    %sign3A_58 = arith.cmpi slt, %sub3A_51, %sign3A_57 : i32
    %sign3A_59 = arith.extui %sign3A_58 : i1 to i32
    %sign3A_60 = arith.subi %sign3A_56, %sign3A_59 : i32
    %sign3A_61 = arith.constant 0 : i32
    %sign3A_62 = arith.cmpi sgt, %jit3A_52, %sign3A_61 : i32
    %sign3A_63 = arith.extui %sign3A_62 : i1 to i32
    %sign3A_64 = arith.constant 0 : i32
    %sign3A_65 = arith.cmpi slt, %jit3A_52, %sign3A_64 : i32
    %sign3A_66 = arith.extui %sign3A_65 : i1 to i32
    %sign3A_67 = arith.subi %sign3A_63, %sign3A_66 : i32
    %ne3A_68 = arith.cmpi ne, %sign3A_60, %sign3A_67 : i32
    %rem3A_69 = arith.remsi %sub3A_51, %jit3A_52 : i32
    %ne3A_70 = arith.constant 0 : i32
    %ne3A_71 = arith.cmpi ne, %rem3A_69, %ne3A_70 : i32
    %and3A_72 = arith.andi %ne3A_68, %ne3A_71 : i1
    %sub3A_73 = arith.constant 1 : i32
    %sub3A_74 = arith.subi %div3A_53, %sub3A_73 : i32
    %select_n3A_75 = arith.select %and3A_72, %sub3A_74, %div3A_53 : i32
    %broadcast_in_dim3A = vector.broadcast %squeeze3A : i32 to vector<16xi32>
    %while3A = arith.constant 1 : i32
    %while3A_76 = scf.while (%while3A_125 = %while3A) : (i32) -> i32 {
      %gt3A = arith.constant 0 : i32
      %gt3A_126 = arith.cmpi sgt, %while3A_125, %gt3A : i32
      scf.condition(%gt3A_126) %while3A_125 : i32
    } do {
    ^bb0(%while3A_125: i32):
      %while3A_126 = arith.constant 0 : i32
      %while3A_127 = arith.constant 0 : i32
      %while3A_128 = arith.subi %select_n3A_75, %while3A_126 : i32
      %while3A_129 = arith.addi %while3A_126, %while3A_128 : i32
      %while3A_130 = arith.constant 1 : i32
      %while3A_131 = arith.divsi %while3A_128, %while3A_130 : i32
      %while3A_132 = arith.muli %while3A_131, %while3A_130 : i32
      %while3A_133 = arith.addi %while3A_126, %while3A_132 : i32
      %while3A_134 = arith.constant 1 : i32
      %while3A_135 = scf.for %while3A_138 = %while3A_126 to %while3A_133 step %while3A_134 iter_args(%while3A_139 = %while3A_127) -> (i32)  : i32 {
        %shift_right_arithmetic3A = arith.constant 3 : i32
        %shift_right_arithmetic3A_140 = arith.shrsi %while3A_138, %shift_right_arithmetic3A : i32
        %and3A_141 = arith.constant 7 : i32
        %and3A_142 = arith.andi %while3A_138, %and3A_141 : i32
        %mul3A_143 = arith.constant 16 : i32
        %mul3A_144 = arith.muli %and3A_142, %mul3A_143 : i32
        %get3A_145 = arith.index_cast %shift_right_arithmetic3A_140 : i32 to index
        %get3A_146 = arith.index_cast %mul3A_144 : i32 to index
        %get3A_147 = tpu.vector_load %arg13[%get3A_145, %get3A_146] {strides = array<i32>} : memref<128x128xi32, #tpu.memory_space<vmem>>, vector<16xi32>,
        %get3A_148 = arith.index_cast %shift_right_arithmetic3A_140 : i32 to index
        %get3A_149 = arith.index_cast %mul3A_144 : i32 to index
        %get3A_150 = tpu.vector_load %arg14[%get3A_148, %get3A_149] {strides = array<i32>} : memref<128x128xi32, #tpu.memory_space<vmem>>, vector<16xi32>,
        %mul3A_151 = arith.constant 16 : i32
        %mul3A_152 = arith.muli %while3A_138, %mul3A_151 : i32
        %iota3A = tpu.iota {dimensions = array<i32: 0>} : vector<16xi32>
        %add3A_153 = vector.broadcast %mul3A_152 : i32 to vector<16xi32>
        %add3A_154 = arith.addi %add3A_153, %iota3A : vector<16xi32>
        %lt3A = vector.broadcast %scan3A_9 : i32 to vector<16xi32>
        %lt3A_155 = arith.cmpi slt, %add3A_154, %lt3A : vector<16xi32>
        %sub3A_156 = vector.broadcast %mul3A_2 : i32 to vector<16xi32>
        %sub3A_157 = arith.subi %get3A_147, %sub3A_156 : vector<16xi32>
        %jit3A_158 = arith.constant 0 : i32
        %broadcast_in_dim3A_159 = vector.broadcast %jit3A_158 : i32 to vector<16xi32>
        %select_n3A_160 = arith.select %lt3A_155, %sub3A_157, %broadcast_in_dim3A_159 : vector<16xi1>, vector<16xi32>
        %gather3A = tpu.vector_load_idx %arg15[%select_n3A_160] masked %lt3A_155 : memref<32768xi32, #tpu.memory_space<vmem>>[vector<16xi32>], vector<16xi32>, vector<16xi1>
        %gt3A = arith.cmpi sgt, %get3A_150, %gather3A : vector<16xi32>
        %and3A_161 = arith.andi %lt3A_155, %gt3A : vector<16xi1>
        tpu.vector_store_idx %arg15[%select_n3A_160], %get3A_150 masked %and3A_161 : memref<32768xi32, #tpu.memory_space<vmem>>[vector<16xi32>], vector<16xi32>, vector<16xi1>
        %convert_element_type3A = arith.extui %and3A_161 : vector<16xi1> to vector<16xi32>
        %reduce_sum3A = arith.constant true
        %reduce_sum3A_162 = vector.broadcast %reduce_sum3A : i1 to vector<16xi1>
        %reduce_sum3A_163 = tpu.scan <sum>, %convert_element_type3A masked %reduce_sum3A_162 : vector<16xi32>, vector<16xi1> -> vector<16xi32>
        %reduce_sum3A_164 = vector.extract %reduce_sum3A_163[15] : i32 from vector<16xi32>
        %add3A_165 = arith.addi %while3A_139, %reduce_sum3A_164 : i32
        scf.yield %add3A_165 : i32
      }
      %while3A_136 = arith.constant 1 : i32
      %while3A_137 = scf.for %while3A_138 = %while3A_133 to %while3A_129 step %while3A_136 iter_args(%while3A_139 = %while3A_135) -> (i32)  : i32 {
        %shift_right_arithmetic3A = arith.constant 3 : i32
        %shift_right_arithmetic3A_140 = arith.shrsi %while3A_138, %shift_right_arithmetic3A : i32
        %and3A_141 = arith.constant 7 : i32
        %and3A_142 = arith.andi %while3A_138, %and3A_141 : i32
        %mul3A_143 = arith.constant 16 : i32
        %mul3A_144 = arith.muli %and3A_142, %mul3A_143 : i32
        %get3A_145 = arith.index_cast %shift_right_arithmetic3A_140 : i32 to index
        %get3A_146 = arith.index_cast %mul3A_144 : i32 to index
        %get3A_147 = tpu.vector_load %arg13[%get3A_145, %get3A_146] {strides = array<i32>} : memref<128x128xi32, #tpu.memory_space<vmem>>, vector<16xi32>,
        %get3A_148 = arith.index_cast %shift_right_arithmetic3A_140 : i32 to index
        %get3A_149 = arith.index_cast %mul3A_144 : i32 to index
        %get3A_150 = tpu.vector_load %arg14[%get3A_148, %get3A_149] {strides = array<i32>} : memref<128x128xi32, #tpu.memory_space<vmem>>, vector<16xi32>,
        %mul3A_151 = arith.constant 16 : i32
        %mul3A_152 = arith.muli %while3A_138, %mul3A_151 : i32
        %iota3A = tpu.iota {dimensions = array<i32: 0>} : vector<16xi32>
        %add3A_153 = vector.broadcast %mul3A_152 : i32 to vector<16xi32>
        %add3A_154 = arith.addi %add3A_153, %iota3A : vector<16xi32>
        %lt3A = vector.broadcast %scan3A_9 : i32 to vector<16xi32>
        %lt3A_155 = arith.cmpi slt, %add3A_154, %lt3A : vector<16xi32>
        %sub3A_156 = vector.broadcast %mul3A_2 : i32 to vector<16xi32>
        %sub3A_157 = arith.subi %get3A_147, %sub3A_156 : vector<16xi32>
        %jit3A_158 = arith.constant 0 : i32
        %broadcast_in_dim3A_159 = vector.broadcast %jit3A_158 : i32 to vector<16xi32>
        %select_n3A_160 = arith.select %lt3A_155, %sub3A_157, %broadcast_in_dim3A_159 : vector<16xi1>, vector<16xi32>
        %gather3A = tpu.vector_load_idx %arg15[%select_n3A_160] masked %lt3A_155 : memref<32768xi32, #tpu.memory_space<vmem>>[vector<16xi32>], vector<16xi32>, vector<16xi1>
        %gt3A = arith.cmpi sgt, %get3A_150, %gather3A : vector<16xi32>
        %and3A_161 = arith.andi %lt3A_155, %gt3A : vector<16xi1>
        tpu.vector_store_idx %arg15[%select_n3A_160], %get3A_150 masked %and3A_161 : memref<32768xi32, #tpu.memory_space<vmem>>[vector<16xi32>], vector<16xi32>, vector<16xi1>
        %convert_element_type3A = arith.extui %and3A_161 : vector<16xi1> to vector<16xi32>
        %reduce_sum3A = arith.constant true
        %reduce_sum3A_162 = vector.broadcast %reduce_sum3A : i1 to vector<16xi1>
        %reduce_sum3A_163 = tpu.scan <sum>, %convert_element_type3A masked %reduce_sum3A_162 : vector<16xi32>, vector<16xi1> -> vector<16xi32>
        %reduce_sum3A_164 = vector.extract %reduce_sum3A_163[15] : i32 from vector<16xi32>
        %add3A_165 = arith.addi %while3A_139, %reduce_sum3A_164 : i32
        scf.yield %add3A_165 : i32
      }
      scf.yield %while3A_137 : i32
    }
    %while3A_77 = arith.constant 0 : i32
    %while3A_78 = arith.constant 0 : i32
    %while3A_79 = arith.subi %select_n3A_75, %while3A_77 : i32
    %while3A_80 = arith.addi %while3A_77, %while3A_79 : i32
    %while3A_81 = arith.constant 1 : i32
    %while3A_82 = arith.divsi %while3A_79, %while3A_81 : i32
    %while3A_83 = arith.muli %while3A_82, %while3A_81 : i32
    %while3A_84 = arith.addi %while3A_77, %while3A_83 : i32
    %while3A_85 = arith.constant 1 : i32
    %while3A_86 = scf.for %while3A_125 = %while3A_77 to %while3A_84 step %while3A_85 iter_args(%while3A_126 = %while3A_78) -> (i32)  : i32 {
      %shift_right_arithmetic3A = arith.constant 3 : i32
      %shift_right_arithmetic3A_127 = arith.shrsi %while3A_125, %shift_right_arithmetic3A : i32
      %and3A_128 = arith.constant 7 : i32
      %and3A_129 = arith.andi %while3A_125, %and3A_128 : i32
      %mul3A_130 = arith.constant 16 : i32
      %mul3A_131 = arith.muli %and3A_129, %mul3A_130 : i32
      %get3A_132 = arith.index_cast %shift_right_arithmetic3A_127 : i32 to index
      %get3A_133 = arith.index_cast %mul3A_131 : i32 to index
      %get3A_134 = tpu.vector_load %arg13[%get3A_132, %get3A_133] {strides = array<i32>} : memref<128x128xi32, #tpu.memory_space<vmem>>, vector<16xi32>,
      %get3A_135 = arith.index_cast %shift_right_arithmetic3A_127 : i32 to index
      %get3A_136 = arith.index_cast %mul3A_131 : i32 to index
      %get3A_137 = tpu.vector_load %arg14[%get3A_135, %get3A_136] {strides = array<i32>} : memref<128x128xi32, #tpu.memory_space<vmem>>, vector<16xi32>,
      %mul3A_138 = arith.constant 16 : i32
      %mul3A_139 = arith.muli %while3A_125, %mul3A_138 : i32
      %iota3A = tpu.iota {dimensions = array<i32: 0>} : vector<16xi32>
      %add3A_140 = vector.broadcast %mul3A_139 : i32 to vector<16xi32>
      %add3A_141 = arith.addi %add3A_140, %iota3A : vector<16xi32>
      %lt3A = vector.broadcast %scan3A_9 : i32 to vector<16xi32>
      %lt3A_142 = arith.cmpi slt, %add3A_141, %lt3A : vector<16xi32>
      %sub3A_143 = vector.broadcast %mul3A_2 : i32 to vector<16xi32>
      %sub3A_144 = arith.subi %get3A_134, %sub3A_143 : vector<16xi32>
      %jit3A_145 = arith.constant 0 : i32
      %broadcast_in_dim3A_146 = vector.broadcast %jit3A_145 : i32 to vector<16xi32>
      %select_n3A_147 = arith.select %lt3A_142, %sub3A_144, %broadcast_in_dim3A_146 : vector<16xi1>, vector<16xi32>
      %gather3A = tpu.vector_load_idx %arg15[%select_n3A_147] masked %lt3A_142 : memref<32768xi32, #tpu.memory_space<vmem>>[vector<16xi32>], vector<16xi32>, vector<16xi1>
      %ne3A_148 = arith.cmpi ne, %gather3A, %get3A_137 : vector<16xi32>
      %and3A_149 = arith.andi %lt3A_142, %ne3A_148 : vector<16xi1>
      %select_n3A_150 = arith.select %and3A_149, %broadcast_in_dim3A, %get3A_134 : vector<16xi1>, vector<16xi32>
      %swap3A = arith.index_cast %shift_right_arithmetic3A_127 : i32 to index
      %swap3A_151 = arith.index_cast %mul3A_131 : i32 to index
      %swap3A_152 = tpu.vector_load %arg13[%swap3A, %swap3A_151] {strides = array<i32>} : memref<128x128xi32, #tpu.memory_space<vmem>>, vector<16xi32>,
      tpu.vector_store %arg13[%swap3A, %swap3A_151], %select_n3A_150 {strides = array<i32>} : memref<128x128xi32, #tpu.memory_space<vmem>>, vector<16xi32>,
      %broadcast_in_dim3A_153 = arith.constant 16383 : i32
      %broadcast_in_dim3A_154 = vector.broadcast %broadcast_in_dim3A_153 : i32 to vector<16xi32>
      %select_n3A_155 = arith.select %and3A_149, %broadcast_in_dim3A_154, %get3A_137 : vector<16xi1>, vector<16xi32>
      %swap3A_156 = arith.index_cast %shift_right_arithmetic3A_127 : i32 to index
      %swap3A_157 = arith.index_cast %mul3A_131 : i32 to index
      %swap3A_158 = tpu.vector_load %arg14[%swap3A_156, %swap3A_157] {strides = array<i32>} : memref<128x128xi32, #tpu.memory_space<vmem>>, vector<16xi32>,
      tpu.vector_store %arg14[%swap3A_156, %swap3A_157], %select_n3A_155 {strides = array<i32>} : memref<128x128xi32, #tpu.memory_space<vmem>>, vector<16xi32>,
      %while3A_159 = arith.constant 0 : i32
      scf.yield %while3A_159 : i32
    }
    %while3A_87 = arith.constant 1 : i32
    %while3A_88 = scf.for %while3A_125 = %while3A_84 to %while3A_80 step %while3A_87 iter_args(%while3A_126 = %while3A_86) -> (i32)  : i32 {
      %shift_right_arithmetic3A = arith.constant 3 : i32
      %shift_right_arithmetic3A_127 = arith.shrsi %while3A_125, %shift_right_arithmetic3A : i32
      %and3A_128 = arith.constant 7 : i32
      %and3A_129 = arith.andi %while3A_125, %and3A_128 : i32
      %mul3A_130 = arith.constant 16 : i32
      %mul3A_131 = arith.muli %and3A_129, %mul3A_130 : i32
      %get3A_132 = arith.index_cast %shift_right_arithmetic3A_127 : i32 to index
      %get3A_133 = arith.index_cast %mul3A_131 : i32 to index
      %get3A_134 = tpu.vector_load %arg13[%get3A_132, %get3A_133] {strides = array<i32>} : memref<128x128xi32, #tpu.memory_space<vmem>>, vector<16xi32>,
      %get3A_135 = arith.index_cast %shift_right_arithmetic3A_127 : i32 to index
      %get3A_136 = arith.index_cast %mul3A_131 : i32 to index
      %get3A_137 = tpu.vector_load %arg14[%get3A_135, %get3A_136] {strides = array<i32>} : memref<128x128xi32, #tpu.memory_space<vmem>>, vector<16xi32>,
      %mul3A_138 = arith.constant 16 : i32
      %mul3A_139 = arith.muli %while3A_125, %mul3A_138 : i32
      %iota3A = tpu.iota {dimensions = array<i32: 0>} : vector<16xi32>
      %add3A_140 = vector.broadcast %mul3A_139 : i32 to vector<16xi32>
      %add3A_141 = arith.addi %add3A_140, %iota3A : vector<16xi32>
      %lt3A = vector.broadcast %scan3A_9 : i32 to vector<16xi32>
      %lt3A_142 = arith.cmpi slt, %add3A_141, %lt3A : vector<16xi32>
      %sub3A_143 = vector.broadcast %mul3A_2 : i32 to vector<16xi32>
      %sub3A_144 = arith.subi %get3A_134, %sub3A_143 : vector<16xi32>
      %jit3A_145 = arith.constant 0 : i32
      %broadcast_in_dim3A_146 = vector.broadcast %jit3A_145 : i32 to vector<16xi32>
      %select_n3A_147 = arith.select %lt3A_142, %sub3A_144, %broadcast_in_dim3A_146 : vector<16xi1>, vector<16xi32>
      %gather3A = tpu.vector_load_idx %arg15[%select_n3A_147] masked %lt3A_142 : memref<32768xi32, #tpu.memory_space<vmem>>[vector<16xi32>], vector<16xi32>, vector<16xi1>
      %ne3A_148 = arith.cmpi ne, %gather3A, %get3A_137 : vector<16xi32>
      %and3A_149 = arith.andi %lt3A_142, %ne3A_148 : vector<16xi1>
      %select_n3A_150 = arith.select %and3A_149, %broadcast_in_dim3A, %get3A_134 : vector<16xi1>, vector<16xi32>
      %swap3A = arith.index_cast %shift_right_arithmetic3A_127 : i32 to index
      %swap3A_151 = arith.index_cast %mul3A_131 : i32 to index
      %swap3A_152 = tpu.vector_load %arg13[%swap3A, %swap3A_151] {strides = array<i32>} : memref<128x128xi32, #tpu.memory_space<vmem>>, vector<16xi32>,
      tpu.vector_store %arg13[%swap3A, %swap3A_151], %select_n3A_150 {strides = array<i32>} : memref<128x128xi32, #tpu.memory_space<vmem>>, vector<16xi32>,
      %broadcast_in_dim3A_153 = arith.constant 16383 : i32
      %broadcast_in_dim3A_154 = vector.broadcast %broadcast_in_dim3A_153 : i32 to vector<16xi32>
      %select_n3A_155 = arith.select %and3A_149, %broadcast_in_dim3A_154, %get3A_137 : vector<16xi1>, vector<16xi32>
      %swap3A_156 = arith.index_cast %shift_right_arithmetic3A_127 : i32 to index
      %swap3A_157 = arith.index_cast %mul3A_131 : i32 to index
      %swap3A_158 = tpu.vector_load %arg14[%swap3A_156, %swap3A_157] {strides = array<i32>} : memref<128x128xi32, #tpu.memory_space<vmem>>, vector<16xi32>,
      tpu.vector_store %arg14[%swap3A_156, %swap3A_157], %select_n3A_155 {strides = array<i32>} : memref<128x128xi32, #tpu.memory_space<vmem>>, vector<16xi32>,
      %while3A_159 = arith.constant 0 : i32
      scf.yield %while3A_159 : i32
    }
    %jit3A_89 = arith.constant 128 : i32
    %div3A_90 = arith.divsi %mul3A_32, %jit3A_89 : i32
    %sign3A_91 = arith.constant 0 : i32
    %sign3A_92 = arith.cmpi sgt, %mul3A_32, %sign3A_91 : i32
    %sign3A_93 = arith.extui %sign3A_92 : i1 to i32
    %sign3A_94 = arith.constant 0 : i32
    %sign3A_95 = arith.cmpi slt, %mul3A_32, %sign3A_94 : i32
    %sign3A_96 = arith.extui %sign3A_95 : i1 to i32
    %sign3A_97 = arith.subi %sign3A_93, %sign3A_96 : i32
    %sign3A_98 = arith.constant 0 : i32
    %sign3A_99 = arith.cmpi sgt, %jit3A_89, %sign3A_98 : i32
    %sign3A_100 = arith.extui %sign3A_99 : i1 to i32
    %sign3A_101 = arith.constant 0 : i32
    %sign3A_102 = arith.cmpi slt, %jit3A_89, %sign3A_101 : i32
    %sign3A_103 = arith.extui %sign3A_102 : i1 to i32
    %sign3A_104 = arith.subi %sign3A_100, %sign3A_103 : i32
    %ne3A_105 = arith.cmpi ne, %sign3A_97, %sign3A_104 : i32
    %rem3A_106 = arith.remsi %mul3A_32, %jit3A_89 : i32
    %ne3A_107 = arith.constant 0 : i32
    %ne3A_108 = arith.cmpi ne, %rem3A_106, %ne3A_107 : i32
    %and3A_109 = arith.andi %ne3A_105, %ne3A_108 : i1
    %sub3A_110 = arith.constant 1 : i32
    %sub3A_111 = arith.subi %div3A_90, %sub3A_110 : i32
    %select_n3A_112 = arith.select %and3A_109, %sub3A_111, %div3A_90 : i32
    %while3A_113 = arith.constant 0 : i32
    %while3A_114 = arith.constant 0 : i32
    %while3A_115 = arith.subi %select_n3A_112, %while3A_113 : i32
    %while3A_116 = arith.addi %while3A_113, %while3A_115 : i32
    %while3A_117 = arith.constant 1 : i32
    %while3A_118 = arith.divsi %while3A_115, %while3A_117 : i32
    %while3A_119 = arith.muli %while3A_118, %while3A_117 : i32
    %while3A_120 = arith.addi %while3A_113, %while3A_119 : i32
    %while3A_121 = arith.constant 1 : i32
    %while3A_122 = scf.for %while3A_125 = %while3A_113 to %while3A_120 step %while3A_121 iter_args(%while3A_126 = %while3A_114) -> (i32)  : i32 {
      %dma_start3A = arith.constant 0 : i32
      %dma_start3A_127 = tpu.memref_slice %arg14[%while3A_125, %dma_start3A] : memref<128x128xi32, #tpu.memory_space<vmem>> -> memref<1x128xi32, #tpu.memory_space<vmem>>
      %dma_start3A_128 = tpu.memref_squeeze %dma_start3A_127 : memref<1x128xi32, #tpu.memory_space<vmem>> -> memref<128xi32, #tpu.memory_space<vmem>>
      %dma_start3A_129 = arith.constant 0 : i32
      %dma_start3A_130 = arith.constant 0 : i32
      %dma_start3A_131 = tpu.memref_slice %arg3[%dma_start3A_129, %dma_start3A_130] : memref<16384x128xi32, #tpu.memory_space<hbm>> -> memref<16384x128xi32, #tpu.memory_space<hbm>>
      tpu.enqueue_indirect_dma source(%dma_start3A_131 : memref<16384x128xi32, #tpu.memory_space<hbm>>) target(%arg16 : memref<128x128xi32, #tpu.memory_space<vmem>>) offsets(%dma_start3A_128 : memref<128xi32, #tpu.memory_space<vmem>>) semaphore(%arg24 : memref<!tpu.dma_semaphore, #tpu.memory_space<semaphore_mem>>)
      %get3A_132 = arith.constant 0 : i32
      %get3A_133 = tpu.memref_slice %arg13[%while3A_125, %get3A_132] : memref<128x128xi32, #tpu.memory_space<vmem>> -> memref<1x128xi32, #tpu.memory_space<vmem>>
      %get3A_134 = tpu.memref_squeeze %get3A_133 : memref<1x128xi32, #tpu.memory_space<vmem>> -> memref<128xi32, #tpu.memory_space<vmem>>
      %get3A_135 = arith.constant 0 : index
      %get3A_136 = tpu.vector_load %get3A_134[%get3A_135] {strides = array<i32>} : memref<128xi32, #tpu.memory_space<vmem>>, vector<16xi32>,
      %shift_right_arithmetic3A = arith.constant 7 : i32
      %shift_right_arithmetic3A_137 = vector.broadcast %shift_right_arithmetic3A : i32 to vector<16xi32>
      %shift_right_arithmetic3A_138 = arith.shrsi %get3A_136, %shift_right_arithmetic3A_137 : vector<16xi32>
      %shift_left3A = arith.constant 10 : i32
      %shift_left3A_139 = vector.broadcast %shift_left3A : i32 to vector<16xi32>
      %shift_left3A_140 = arith.shli %shift_right_arithmetic3A_138, %shift_left3A_139 : vector<16xi32>
      %and3A_141 = arith.constant 127 : i32
      %and3A_142 = vector.broadcast %and3A_141 : i32 to vector<16xi32>
      %and3A_143 = arith.andi %get3A_136, %and3A_142 : vector<16xi32>
      %add3A_144 = arith.addi %shift_left3A_140, %and3A_143 : vector<16xi32>
      %swap3A = arith.constant 0 : index
      %swap3A_145 = tpu.vector_load %arg17[%swap3A] {strides = array<i32>} : memref<128xi32, #tpu.memory_space<vmem>>, vector<16xi32>,
      tpu.vector_store %arg17[%swap3A], %add3A_144 {strides = array<i32>} : memref<128xi32, #tpu.memory_space<vmem>>, vector<16xi32>,
      %get3A_146 = arith.constant 0 : i32
      %get3A_147 = tpu.memref_slice %arg13[%while3A_125, %get3A_146] : memref<128x128xi32, #tpu.memory_space<vmem>> -> memref<1x128xi32, #tpu.memory_space<vmem>>
      %get3A_148 = tpu.memref_squeeze %get3A_147 : memref<1x128xi32, #tpu.memory_space<vmem>> -> memref<128xi32, #tpu.memory_space<vmem>>
      %get3A_149 = arith.constant 16 : index
      %get3A_150 = tpu.vector_load %get3A_148[%get3A_149] {strides = array<i32>} : memref<128xi32, #tpu.memory_space<vmem>>, vector<16xi32>,
      %shift_right_arithmetic3A_151 = arith.constant 7 : i32
      %shift_right_arithmetic3A_152 = vector.broadcast %shift_right_arithmetic3A_151 : i32 to vector<16xi32>
      %shift_right_arithmetic3A_153 = arith.shrsi %get3A_150, %shift_right_arithmetic3A_152 : vector<16xi32>
      %shift_left3A_154 = arith.constant 10 : i32
      %shift_left3A_155 = vector.broadcast %shift_left3A_154 : i32 to vector<16xi32>
      %shift_left3A_156 = arith.shli %shift_right_arithmetic3A_153, %shift_left3A_155 : vector<16xi32>
      %and3A_157 = arith.constant 127 : i32
      %and3A_158 = vector.broadcast %and3A_157 : i32 to vector<16xi32>
      %and3A_159 = arith.andi %get3A_150, %and3A_158 : vector<16xi32>
      %add3A_160 = arith.addi %shift_left3A_156, %and3A_159 : vector<16xi32>
      %swap3A_161 = arith.constant 16 : index
      %swap3A_162 = tpu.vector_load %arg17[%swap3A_161] {strides = array<i32>} : memref<128xi32, #tpu.memory_space<vmem>>, vector<16xi32>,
      tpu.vector_store %arg17[%swap3A_161], %add3A_160 {strides = array<i32>} : memref<128xi32, #tpu.memory_space<vmem>>, vector<16xi32>,
      %get3A_163 = arith.constant 0 : i32
      %get3A_164 = tpu.memref_slice %arg13[%while3A_125, %get3A_163] : memref<128x128xi32, #tpu.memory_space<vmem>> -> memref<1x128xi32, #tpu.memory_space<vmem>>
      %get3A_165 = tpu.memref_squeeze %get3A_164 : memref<1x128xi32, #tpu.memory_space<vmem>> -> memref<128xi32, #tpu.memory_space<vmem>>
      %get3A_166 = arith.constant 32 : index
      %get3A_167 = tpu.vector_load %get3A_165[%get3A_166] {strides = array<i32>} : memref<128xi32, #tpu.memory_space<vmem>>, vector<16xi32>,
      %shift_right_arithmetic3A_168 = arith.constant 7 : i32
      %shift_right_arithmetic3A_169 = vector.broadcast %shift_right_arithmetic3A_168 : i32 to vector<16xi32>
      %shift_right_arithmetic3A_170 = arith.shrsi %get3A_167, %shift_right_arithmetic3A_169 : vector<16xi32>
      %shift_left3A_171 = arith.constant 10 : i32
      %shift_left3A_172 = vector.broadcast %shift_left3A_171 : i32 to vector<16xi32>
      %shift_left3A_173 = arith.shli %shift_right_arithmetic3A_170, %shift_left3A_172 : vector<16xi32>
      %and3A_174 = arith.constant 127 : i32
      %and3A_175 = vector.broadcast %and3A_174 : i32 to vector<16xi32>
      %and3A_176 = arith.andi %get3A_167, %and3A_175 : vector<16xi32>
      %add3A_177 = arith.addi %shift_left3A_173, %and3A_176 : vector<16xi32>
      %swap3A_178 = arith.constant 32 : index
      %swap3A_179 = tpu.vector_load %arg17[%swap3A_178] {strides = array<i32>} : memref<128xi32, #tpu.memory_space<vmem>>, vector<16xi32>,
      tpu.vector_store %arg17[%swap3A_178], %add3A_177 {strides = array<i32>} : memref<128xi32, #tpu.memory_space<vmem>>, vector<16xi32>,
      %get3A_180 = arith.constant 0 : i32
      %get3A_181 = tpu.memref_slice %arg13[%while3A_125, %get3A_180] : memref<128x128xi32, #tpu.memory_space<vmem>> -> memref<1x128xi32, #tpu.memory_space<vmem>>
      %get3A_182 = tpu.memref_squeeze %get3A_181 : memref<1x128xi32, #tpu.memory_space<vmem>> -> memref<128xi32, #tpu.memory_space<vmem>>
      %get3A_183 = arith.constant 48 : index
      %get3A_184 = tpu.vector_load %get3A_182[%get3A_183] {strides = array<i32>} : memref<128xi32, #tpu.memory_space<vmem>>, vector<16xi32>,
      %shift_right_arithmetic3A_185 = arith.constant 7 : i32
      %shift_right_arithmetic3A_186 = vector.broadcast %shift_right_arithmetic3A_185 : i32 to vector<16xi32>
      %shift_right_arithmetic3A_187 = arith.shrsi %get3A_184, %shift_right_arithmetic3A_186 : vector<16xi32>
      %shift_left3A_188 = arith.constant 10 : i32
      %shift_left3A_189 = vector.broadcast %shift_left3A_188 : i32 to vector<16xi32>
      %shift_left3A_190 = arith.shli %shift_right_arithmetic3A_187, %shift_left3A_189 : vector<16xi32>
      %and3A_191 = arith.constant 127 : i32
      %and3A_192 = vector.broadcast %and3A_191 : i32 to vector<16xi32>
      %and3A_193 = arith.andi %get3A_184, %and3A_192 : vector<16xi32>
      %add3A_194 = arith.addi %shift_left3A_190, %and3A_193 : vector<16xi32>
      %swap3A_195 = arith.constant 48 : index
      %swap3A_196 = tpu.vector_load %arg17[%swap3A_195] {strides = array<i32>} : memref<128xi32, #tpu.memory_space<vmem>>, vector<16xi32>,
      tpu.vector_store %arg17[%swap3A_195], %add3A_194 {strides = array<i32>} : memref<128xi32, #tpu.memory_space<vmem>>, vector<16xi32>,
      %get3A_197 = arith.constant 0 : i32
      %get3A_198 = tpu.memref_slice %arg13[%while3A_125, %get3A_197] : memref<128x128xi32, #tpu.memory_space<vmem>> -> memref<1x128xi32, #tpu.memory_space<vmem>>
      %get3A_199 = tpu.memref_squeeze %get3A_198 : memref<1x128xi32, #tpu.memory_space<vmem>> -> memref<128xi32, #tpu.memory_space<vmem>>
      %get3A_200 = arith.constant 64 : index
      %get3A_201 = tpu.vector_load %get3A_199[%get3A_200] {strides = array<i32>} : memref<128xi32, #tpu.memory_space<vmem>>, vector<16xi32>,
      %shift_right_arithmetic3A_202 = arith.constant 7 : i32
      %shift_right_arithmetic3A_203 = vector.broadcast %shift_right_arithmetic3A_202 : i32 to vector<16xi32>
      %shift_right_arithmetic3A_204 = arith.shrsi %get3A_201, %shift_right_arithmetic3A_203 : vector<16xi32>
      %shift_left3A_205 = arith.constant 10 : i32
      %shift_left3A_206 = vector.broadcast %shift_left3A_205 : i32 to vector<16xi32>
      %shift_left3A_207 = arith.shli %shift_right_arithmetic3A_204, %shift_left3A_206 : vector<16xi32>
      %and3A_208 = arith.constant 127 : i32
      %and3A_209 = vector.broadcast %and3A_208 : i32 to vector<16xi32>
      %and3A_210 = arith.andi %get3A_201, %and3A_209 : vector<16xi32>
      %add3A_211 = arith.addi %shift_left3A_207, %and3A_210 : vector<16xi32>
      %swap3A_212 = arith.constant 64 : index
      %swap3A_213 = tpu.vector_load %arg17[%swap3A_212] {strides = array<i32>} : memref<128xi32, #tpu.memory_space<vmem>>, vector<16xi32>,
      tpu.vector_store %arg17[%swap3A_212], %add3A_211 {strides = array<i32>} : memref<128xi32, #tpu.memory_space<vmem>>, vector<16xi32>,
      %get3A_214 = arith.constant 0 : i32
      %get3A_215 = tpu.memref_slice %arg13[%while3A_125, %get3A_214] : memref<128x128xi32, #tpu.memory_space<vmem>> -> memref<1x128xi32, #tpu.memory_space<vmem>>
      %get3A_216 = tpu.memref_squeeze %get3A_215 : memref<1x128xi32, #tpu.memory_space<vmem>> -> memref<128xi32, #tpu.memory_space<vmem>>
      %get3A_217 = arith.constant 80 : index
      %get3A_218 = tpu.vector_load %get3A_216[%get3A_217] {strides = array<i32>} : memref<128xi32, #tpu.memory_space<vmem>>, vector<16xi32>,
      %shift_right_arithmetic3A_219 = arith.constant 7 : i32
      %shift_right_arithmetic3A_220 = vector.broadcast %shift_right_arithmetic3A_219 : i32 to vector<16xi32>
      %shift_right_arithmetic3A_221 = arith.shrsi %get3A_218, %shift_right_arithmetic3A_220 : vector<16xi32>
      %shift_left3A_222 = arith.constant 10 : i32
      %shift_left3A_223 = vector.broadcast %shift_left3A_222 : i32 to vector<16xi32>
      %shift_left3A_224 = arith.shli %shift_right_arithmetic3A_221, %shift_left3A_223 : vector<16xi32>
      %and3A_225 = arith.constant 127 : i32
      %and3A_226 = vector.broadcast %and3A_225 : i32 to vector<16xi32>
      %and3A_227 = arith.andi %get3A_218, %and3A_226 : vector<16xi32>
      %add3A_228 = arith.addi %shift_left3A_224, %and3A_227 : vector<16xi32>
      %swap3A_229 = arith.constant 80 : index
      %swap3A_230 = tpu.vector_load %arg17[%swap3A_229] {strides = array<i32>} : memref<128xi32, #tpu.memory_space<vmem>>, vector<16xi32>,
      tpu.vector_store %arg17[%swap3A_229], %add3A_228 {strides = array<i32>} : memref<128xi32, #tpu.memory_space<vmem>>, vector<16xi32>,
      %get3A_231 = arith.constant 0 : i32
      %get3A_232 = tpu.memref_slice %arg13[%while3A_125, %get3A_231] : memref<128x128xi32, #tpu.memory_space<vmem>> -> memref<1x128xi32, #tpu.memory_space<vmem>>
      %get3A_233 = tpu.memref_squeeze %get3A_232 : memref<1x128xi32, #tpu.memory_space<vmem>> -> memref<128xi32, #tpu.memory_space<vmem>>
      %get3A_234 = arith.constant 96 : index
      %get3A_235 = tpu.vector_load %get3A_233[%get3A_234] {strides = array<i32>} : memref<128xi32, #tpu.memory_space<vmem>>, vector<16xi32>,
      %shift_right_arithmetic3A_236 = arith.constant 7 : i32
      %shift_right_arithmetic3A_237 = vector.broadcast %shift_right_arithmetic3A_236 : i32 to vector<16xi32>
      %shift_right_arithmetic3A_238 = arith.shrsi %get3A_235, %shift_right_arithmetic3A_237 : vector<16xi32>
      %shift_left3A_239 = arith.constant 10 : i32
      %shift_left3A_240 = vector.broadcast %shift_left3A_239 : i32 to vector<16xi32>
      %shift_left3A_241 = arith.shli %shift_right_arithmetic3A_238, %shift_left3A_240 : vector<16xi32>
      %and3A_242 = arith.constant 127 : i32
      %and3A_243 = vector.broadcast %and3A_242 : i32 to vector<16xi32>
      %and3A_244 = arith.andi %get3A_235, %and3A_243 : vector<16xi32>
      %add3A_245 = arith.addi %shift_left3A_241, %and3A_244 : vector<16xi32>
      %swap3A_246 = arith.constant 96 : index
      %swap3A_247 = tpu.vector_load %arg17[%swap3A_246] {strides = array<i32>} : memref<128xi32, #tpu.memory_space<vmem>>, vector<16xi32>,
      tpu.vector_store %arg17[%swap3A_246], %add3A_245 {strides = array<i32>} : memref<128xi32, #tpu.memory_space<vmem>>, vector<16xi32>,
      %get3A_248 = arith.constant 0 : i32
      %get3A_249 = tpu.memref_slice %arg13[%while3A_125, %get3A_248] : memref<128x128xi32, #tpu.memory_space<vmem>> -> memref<1x128xi32, #tpu.memory_space<vmem>>
      %get3A_250 = tpu.memref_squeeze %get3A_249 : memref<1x128xi32, #tpu.memory_space<vmem>> -> memref<128xi32, #tpu.memory_space<vmem>>
      %get3A_251 = arith.constant 112 : index
      %get3A_252 = tpu.vector_load %get3A_250[%get3A_251] {strides = array<i32>} : memref<128xi32, #tpu.memory_space<vmem>>, vector<16xi32>,
      %shift_right_arithmetic3A_253 = arith.constant 7 : i32
      %shift_right_arithmetic3A_254 = vector.broadcast %shift_right_arithmetic3A_253 : i32 to vector<16xi32>
      %shift_right_arithmetic3A_255 = arith.shrsi %get3A_252, %shift_right_arithmetic3A_254 : vector<16xi32>
      %shift_left3A_256 = arith.constant 10 : i32
      %shift_left3A_257 = vector.broadcast %shift_left3A_256 : i32 to vector<16xi32>
      %shift_left3A_258 = arith.shli %shift_right_arithmetic3A_255, %shift_left3A_257 : vector<16xi32>
      %and3A_259 = arith.constant 127 : i32
      %and3A_260 = vector.broadcast %and3A_259 : i32 to vector<16xi32>
      %and3A_261 = arith.andi %get3A_252, %and3A_260 : vector<16xi32>
      %add3A_262 = arith.addi %shift_left3A_258, %and3A_261 : vector<16xi32>
      %swap3A_263 = arith.constant 112 : index
      %swap3A_264 = tpu.vector_load %arg17[%swap3A_263] {strides = array<i32>} : memref<128xi32, #tpu.memory_space<vmem>>, vector<16xi32>,
      tpu.vector_store %arg17[%swap3A_263], %add3A_262 {strides = array<i32>} : memref<128xi32, #tpu.memory_space<vmem>>, vector<16xi32>,
      %scan3A_265 = arith.constant 0 : i32
      %scan3A_266 = arith.constant 0 : i32
      %scan3A_267 = arith.constant 32 : i32
      %scan3A_268 = arith.addi %scan3A_266, %scan3A_267 : i32
      %scan3A_269 = arith.constant 1 : i32
      %scan3A_270 = scf.for %scan3A_437 = %scan3A_266 to %scan3A_268 step %scan3A_269 iter_args(%scan3A_438 = %scan3A_265) -> (i32)  : i32 {
        %shift_right_arithmetic3A_439 = arith.constant 3 : i32
        %shift_right_arithmetic3A_440 = arith.shrsi %scan3A_437, %shift_right_arithmetic3A_439 : i32
        %mul3A_441 = arith.constant 8388608 : i32
        %mul3A_442 = arith.muli %shift_right_arithmetic3A_440, %mul3A_441 : i32
        %and3A_443 = arith.constant 7 : i32
        %and3A_444 = arith.andi %scan3A_437, %and3A_443 : i32
        %mul3A_445 = arith.constant 128 : i32
        %mul3A_446 = arith.muli %and3A_444, %mul3A_445 : i32
        %add3A_447 = arith.addi %mul3A_442, %mul3A_446 : i32
        %get3A_448 = arith.constant 0 : index
        %get3A_449 = tpu.vector_load %arg17[%get3A_448] {strides = array<i32>} : memref<128xi32, #tpu.memory_space<vmem>>, vector<16xi32>,
        %add3A_450 = vector.broadcast %add3A_447 : i32 to vector<16xi32>
        %add3A_451 = arith.addi %get3A_449, %add3A_450 : vector<16xi32>
        %mul3A_452 = arith.constant 128 : i32
        %mul3A_453 = arith.muli %scan3A_437, %mul3A_452 : i32
        %add3A_454 = arith.constant 0 : i32
        %add3A_455 = arith.addi %mul3A_453, %add3A_454 : i32
        %swap3A_456 = arith.index_cast %add3A_455 : i32 to index
        %swap3A_457 = tpu.vector_load %arg18[%swap3A_456] {strides = array<i32>} : memref<4096xi32, #tpu.memory_space<vmem>>, vector<16xi32>,
        tpu.vector_store %arg18[%swap3A_456], %add3A_451 {strides = array<i32>} : memref<4096xi32, #tpu.memory_space<vmem>>, vector<16xi32>,
        %get3A_458 = arith.constant 16 : index
        %get3A_459 = tpu.vector_load %arg17[%get3A_458] {strides = array<i32>} : memref<128xi32, #tpu.memory_space<vmem>>, vector<16xi32>,
        %add3A_460 = vector.broadcast %add3A_447 : i32 to vector<16xi32>
        %add3A_461 = arith.addi %get3A_459, %add3A_460 : vector<16xi32>
        %mul3A_462 = arith.constant 128 : i32
        %mul3A_463 = arith.muli %scan3A_437, %mul3A_462 : i32
        %add3A_464 = arith.constant 16 : i32
        %add3A_465 = arith.addi %mul3A_463, %add3A_464 : i32
        %swap3A_466 = arith.index_cast %add3A_465 : i32 to index
        %swap3A_467 = tpu.vector_load %arg18[%swap3A_466] {strides = array<i32>} : memref<4096xi32, #tpu.memory_space<vmem>>, vector<16xi32>,
        tpu.vector_store %arg18[%swap3A_466], %add3A_461 {strides = array<i32>} : memref<4096xi32, #tpu.memory_space<vmem>>, vector<16xi32>,
        %get3A_468 = arith.constant 32 : index
        %get3A_469 = tpu.vector_load %arg17[%get3A_468] {strides = array<i32>} : memref<128xi32, #tpu.memory_space<vmem>>, vector<16xi32>,
        %add3A_470 = vector.broadcast %add3A_447 : i32 to vector<16xi32>
        %add3A_471 = arith.addi %get3A_469, %add3A_470 : vector<16xi32>
        %mul3A_472 = arith.constant 128 : i32
        %mul3A_473 = arith.muli %scan3A_437, %mul3A_472 : i32
        %add3A_474 = arith.constant 32 : i32
        %add3A_475 = arith.addi %mul3A_473, %add3A_474 : i32
        %swap3A_476 = arith.index_cast %add3A_475 : i32 to index
        %swap3A_477 = tpu.vector_load %arg18[%swap3A_476] {strides = array<i32>} : memref<4096xi32, #tpu.memory_space<vmem>>, vector<16xi32>,
        tpu.vector_store %arg18[%swap3A_476], %add3A_471 {strides = array<i32>} : memref<4096xi32, #tpu.memory_space<vmem>>, vector<16xi32>,
        %get3A_478 = arith.constant 48 : index
        %get3A_479 = tpu.vector_load %arg17[%get3A_478] {strides = array<i32>} : memref<128xi32, #tpu.memory_space<vmem>>, vector<16xi32>,
        %add3A_480 = vector.broadcast %add3A_447 : i32 to vector<16xi32>
        %add3A_481 = arith.addi %get3A_479, %add3A_480 : vector<16xi32>
        %mul3A_482 = arith.constant 128 : i32
        %mul3A_483 = arith.muli %scan3A_437, %mul3A_482 : i32
        %add3A_484 = arith.constant 48 : i32
        %add3A_485 = arith.addi %mul3A_483, %add3A_484 : i32
        %swap3A_486 = arith.index_cast %add3A_485 : i32 to index
        %swap3A_487 = tpu.vector_load %arg18[%swap3A_486] {strides = array<i32>} : memref<4096xi32, #tpu.memory_space<vmem>>, vector<16xi32>,
        tpu.vector_store %arg18[%swap3A_486], %add3A_481 {strides = array<i32>} : memref<4096xi32, #tpu.memory_space<vmem>>, vector<16xi32>,
        %get3A_488 = arith.constant 64 : index
        %get3A_489 = tpu.vector_load %arg17[%get3A_488] {strides = array<i32>} : memref<128xi32, #tpu.memory_space<vmem>>, vector<16xi32>,
        %add3A_490 = vector.broadcast %add3A_447 : i32 to vector<16xi32>
        %add3A_491 = arith.addi %get3A_489, %add3A_490 : vector<16xi32>
        %mul3A_492 = arith.constant 128 : i32
        %mul3A_493 = arith.muli %scan3A_437, %mul3A_492 : i32
        %add3A_494 = arith.constant 64 : i32
        %add3A_495 = arith.addi %mul3A_493, %add3A_494 : i32
        %swap3A_496 = arith.index_cast %add3A_495 : i32 to index
        %swap3A_497 = tpu.vector_load %arg18[%swap3A_496] {strides = array<i32>} : memref<4096xi32, #tpu.memory_space<vmem>>, vector<16xi32>,
        tpu.vector_store %arg18[%swap3A_496], %add3A_491 {strides = array<i32>} : memref<4096xi32, #tpu.memory_space<vmem>>, vector<16xi32>,
        %get3A_498 = arith.constant 80 : index
        %get3A_499 = tpu.vector_load %arg17[%get3A_498] {strides = array<i32>} : memref<128xi32, #tpu.memory_space<vmem>>, vector<16xi32>,
        %add3A_500 = vector.broadcast %add3A_447 : i32 to vector<16xi32>
        %add3A_501 = arith.addi %get3A_499, %add3A_500 : vector<16xi32>
        %mul3A_502 = arith.constant 128 : i32
        %mul3A_503 = arith.muli %scan3A_437, %mul3A_502 : i32
        %add3A_504 = arith.constant 80 : i32
        %add3A_505 = arith.addi %mul3A_503, %add3A_504 : i32
        %swap3A_506 = arith.index_cast %add3A_505 : i32 to index
        %swap3A_507 = tpu.vector_load %arg18[%swap3A_506] {strides = array<i32>} : memref<4096xi32, #tpu.memory_space<vmem>>, vector<16xi32>,
        tpu.vector_store %arg18[%swap3A_506], %add3A_501 {strides = array<i32>} : memref<4096xi32, #tpu.memory_space<vmem>>, vector<16xi32>,
        %get3A_508 = arith.constant 96 : index
        %get3A_509 = tpu.vector_load %arg17[%get3A_508] {strides = array<i32>} : memref<128xi32, #tpu.memory_space<vmem>>, vector<16xi32>,
        %add3A_510 = vector.broadcast %add3A_447 : i32 to vector<16xi32>
        %add3A_511 = arith.addi %get3A_509, %add3A_510 : vector<16xi32>
        %mul3A_512 = arith.constant 128 : i32
        %mul3A_513 = arith.muli %scan3A_437, %mul3A_512 : i32
        %add3A_514 = arith.constant 96 : i32
        %add3A_515 = arith.addi %mul3A_513, %add3A_514 : i32
        %swap3A_516 = arith.index_cast %add3A_515 : i32 to index
        %swap3A_517 = tpu.vector_load %arg18[%swap3A_516] {strides = array<i32>} : memref<4096xi32, #tpu.memory_space<vmem>>, vector<16xi32>,
        tpu.vector_store %arg18[%swap3A_516], %add3A_511 {strides = array<i32>} : memref<4096xi32, #tpu.memory_space<vmem>>, vector<16xi32>,
        %get3A_518 = arith.constant 112 : index
        %get3A_519 = tpu.vector_load %arg17[%get3A_518] {strides = array<i32>} : memref<128xi32, #tpu.memory_space<vmem>>, vector<16xi32>,
        %add3A_520 = vector.broadcast %add3A_447 : i32 to vector<16xi32>
        %add3A_521 = arith.addi %get3A_519, %add3A_520 : vector<16xi32>
        %mul3A_522 = arith.constant 128 : i32
        %mul3A_523 = arith.muli %scan3A_437, %mul3A_522 : i32
        %add3A_524 = arith.constant 112 : i32
        %add3A_525 = arith.addi %mul3A_523, %add3A_524 : i32
        %swap3A_526 = arith.index_cast %add3A_525 : i32 to index
        %swap3A_527 = tpu.vector_load %arg18[%swap3A_526] {strides = array<i32>} : memref<4096xi32, #tpu.memory_space<vmem>>, vector<16xi32>,
        tpu.vector_store %arg18[%swap3A_526], %add3A_521 {strides = array<i32>} : memref<4096xi32, #tpu.memory_space<vmem>>, vector<16xi32>,
        %scan3A_528 = arith.constant 0 : i32
        scf.yield %scan3A_528 : i32
      }
      %scan3A_271 = arith.constant 32 : i32
      %scan3A_272 = arith.constant 0 : i32
      %scan3A_273 = arith.constant 0 : i32
      %scan3A_274 = arith.constant 16 : i32
      %scan3A_275 = arith.addi %scan3A_273, %scan3A_274 : i32
      %scan3A_276 = arith.constant 1 : i32
      %scan3A_277 = scf.for %scan3A_437 = %scan3A_273 to %scan3A_275 step %scan3A_276 iter_args(%scan3A_438 = %scan3A_272) -> (i32)  : i32 {
        %shift_right_arithmetic3A_439 = arith.constant 3 : i32
        %shift_right_arithmetic3A_440 = arith.shrsi %scan3A_437, %shift_right_arithmetic3A_439 : i32
        %mul3A_441 = arith.constant 8388608 : i32
        %mul3A_442 = arith.muli %shift_right_arithmetic3A_440, %mul3A_441 : i32
        %and3A_443 = arith.constant 7 : i32
        %and3A_444 = arith.andi %scan3A_437, %and3A_443 : i32
        %mul3A_445 = arith.constant 128 : i32
        %mul3A_446 = arith.muli %and3A_444, %mul3A_445 : i32
        %add3A_447 = arith.addi %mul3A_442, %mul3A_446 : i32
        %get3A_448 = arith.constant 0 : index
        %get3A_449 = tpu.vector_load %arg17[%get3A_448] {strides = array<i32>} : memref<128xi32, #tpu.memory_space<vmem>>, vector<16xi32>,
        %add3A_450 = vector.broadcast %add3A_447 : i32 to vector<16xi32>
        %add3A_451 = arith.addi %get3A_449, %add3A_450 : vector<16xi32>
        %mul3A_452 = arith.constant 128 : i32
        %mul3A_453 = arith.muli %scan3A_437, %mul3A_452 : i32
        %add3A_454 = arith.constant 0 : i32
        %add3A_455 = arith.addi %mul3A_453, %add3A_454 : i32
        %swap3A_456 = arith.index_cast %add3A_455 : i32 to index
        %swap3A_457 = tpu.vector_load %arg19[%swap3A_456] {strides = array<i32>} : memref<2048xi32, #tpu.memory_space<vmem>>, vector<16xi32>,
        tpu.vector_store %arg19[%swap3A_456], %add3A_451 {strides = array<i32>} : memref<2048xi32, #tpu.memory_space<vmem>>, vector<16xi32>,
        %get3A_458 = arith.constant 16 : index
        %get3A_459 = tpu.vector_load %arg17[%get3A_458] {strides = array<i32>} : memref<128xi32, #tpu.memory_space<vmem>>, vector<16xi32>,
        %add3A_460 = vector.broadcast %add3A_447 : i32 to vector<16xi32>
        %add3A_461 = arith.addi %get3A_459, %add3A_460 : vector<16xi32>
        %mul3A_462 = arith.constant 128 : i32
        %mul3A_463 = arith.muli %scan3A_437, %mul3A_462 : i32
        %add3A_464 = arith.constant 16 : i32
        %add3A_465 = arith.addi %mul3A_463, %add3A_464 : i32
        %swap3A_466 = arith.index_cast %add3A_465 : i32 to index
        %swap3A_467 = tpu.vector_load %arg19[%swap3A_466] {strides = array<i32>} : memref<2048xi32, #tpu.memory_space<vmem>>, vector<16xi32>,
        tpu.vector_store %arg19[%swap3A_466], %add3A_461 {strides = array<i32>} : memref<2048xi32, #tpu.memory_space<vmem>>, vector<16xi32>,
        %get3A_468 = arith.constant 32 : index
        %get3A_469 = tpu.vector_load %arg17[%get3A_468] {strides = array<i32>} : memref<128xi32, #tpu.memory_space<vmem>>, vector<16xi32>,
        %add3A_470 = vector.broadcast %add3A_447 : i32 to vector<16xi32>
        %add3A_471 = arith.addi %get3A_469, %add3A_470 : vector<16xi32>
        %mul3A_472 = arith.constant 128 : i32
        %mul3A_473 = arith.muli %scan3A_437, %mul3A_472 : i32
        %add3A_474 = arith.constant 32 : i32
        %add3A_475 = arith.addi %mul3A_473, %add3A_474 : i32
        %swap3A_476 = arith.index_cast %add3A_475 : i32 to index
        %swap3A_477 = tpu.vector_load %arg19[%swap3A_476] {strides = array<i32>} : memref<2048xi32, #tpu.memory_space<vmem>>, vector<16xi32>,
        tpu.vector_store %arg19[%swap3A_476], %add3A_471 {strides = array<i32>} : memref<2048xi32, #tpu.memory_space<vmem>>, vector<16xi32>,
        %get3A_478 = arith.constant 48 : index
        %get3A_479 = tpu.vector_load %arg17[%get3A_478] {strides = array<i32>} : memref<128xi32, #tpu.memory_space<vmem>>, vector<16xi32>,
        %add3A_480 = vector.broadcast %add3A_447 : i32 to vector<16xi32>
        %add3A_481 = arith.addi %get3A_479, %add3A_480 : vector<16xi32>
        %mul3A_482 = arith.constant 128 : i32
        %mul3A_483 = arith.muli %scan3A_437, %mul3A_482 : i32
        %add3A_484 = arith.constant 48 : i32
        %add3A_485 = arith.addi %mul3A_483, %add3A_484 : i32
        %swap3A_486 = arith.index_cast %add3A_485 : i32 to index
        %swap3A_487 = tpu.vector_load %arg19[%swap3A_486] {strides = array<i32>} : memref<2048xi32, #tpu.memory_space<vmem>>, vector<16xi32>,
        tpu.vector_store %arg19[%swap3A_486], %add3A_481 {strides = array<i32>} : memref<2048xi32, #tpu.memory_space<vmem>>, vector<16xi32>,
        %get3A_488 = arith.constant 64 : index
        %get3A_489 = tpu.vector_load %arg17[%get3A_488] {strides = array<i32>} : memref<128xi32, #tpu.memory_space<vmem>>, vector<16xi32>,
        %add3A_490 = vector.broadcast %add3A_447 : i32 to vector<16xi32>
        %add3A_491 = arith.addi %get3A_489, %add3A_490 : vector<16xi32>
        %mul3A_492 = arith.constant 128 : i32
        %mul3A_493 = arith.muli %scan3A_437, %mul3A_492 : i32
        %add3A_494 = arith.constant 64 : i32
        %add3A_495 = arith.addi %mul3A_493, %add3A_494 : i32
        %swap3A_496 = arith.index_cast %add3A_495 : i32 to index
        %swap3A_497 = tpu.vector_load %arg19[%swap3A_496] {strides = array<i32>} : memref<2048xi32, #tpu.memory_space<vmem>>, vector<16xi32>,
        tpu.vector_store %arg19[%swap3A_496], %add3A_491 {strides = array<i32>} : memref<2048xi32, #tpu.memory_space<vmem>>, vector<16xi32>,
        %get3A_498 = arith.constant 80 : index
        %get3A_499 = tpu.vector_load %arg17[%get3A_498] {strides = array<i32>} : memref<128xi32, #tpu.memory_space<vmem>>, vector<16xi32>,
        %add3A_500 = vector.broadcast %add3A_447 : i32 to vector<16xi32>
        %add3A_501 = arith.addi %get3A_499, %add3A_500 : vector<16xi32>
        %mul3A_502 = arith.constant 128 : i32
        %mul3A_503 = arith.muli %scan3A_437, %mul3A_502 : i32
        %add3A_504 = arith.constant 80 : i32
        %add3A_505 = arith.addi %mul3A_503, %add3A_504 : i32
        %swap3A_506 = arith.index_cast %add3A_505 : i32 to index
        %swap3A_507 = tpu.vector_load %arg19[%swap3A_506] {strides = array<i32>} : memref<2048xi32, #tpu.memory_space<vmem>>, vector<16xi32>,
        tpu.vector_store %arg19[%swap3A_506], %add3A_501 {strides = array<i32>} : memref<2048xi32, #tpu.memory_space<vmem>>, vector<16xi32>,
        %get3A_508 = arith.constant 96 : index
        %get3A_509 = tpu.vector_load %arg17[%get3A_508] {strides = array<i32>} : memref<128xi32, #tpu.memory_space<vmem>>, vector<16xi32>,
        %add3A_510 = vector.broadcast %add3A_447 : i32 to vector<16xi32>
        %add3A_511 = arith.addi %get3A_509, %add3A_510 : vector<16xi32>
        %mul3A_512 = arith.constant 128 : i32
        %mul3A_513 = arith.muli %scan3A_437, %mul3A_512 : i32
        %add3A_514 = arith.constant 96 : i32
        %add3A_515 = arith.addi %mul3A_513, %add3A_514 : i32
        %swap3A_516 = arith.index_cast %add3A_515 : i32 to index
        %swap3A_517 = tpu.vector_load %arg19[%swap3A_516] {strides = array<i32>} : memref<2048xi32, #tpu.memory_space<vmem>>, vector<16xi32>,
        tpu.vector_store %arg19[%swap3A_516], %add3A_511 {strides = array<i32>} : memref<2048xi32, #tpu.memory_space<vmem>>, vector<16xi32>,
        %get3A_518 = arith.constant 112 : index
        %get3A_519 = tpu.vector_load %arg17[%get3A_518] {strides = array<i32>} : memref<128xi32, #tpu.memory_space<vmem>>, vector<16xi32>,
        %add3A_520 = vector.broadcast %add3A_447 : i32 to vector<16xi32>
        %add3A_521 = arith.addi %get3A_519, %add3A_520 : vector<16xi32>
        %mul3A_522 = arith.constant 128 : i32
        %mul3A_523 = arith.muli %scan3A_437, %mul3A_522 : i32
        %add3A_524 = arith.constant 112 : i32
        %add3A_525 = arith.addi %mul3A_523, %add3A_524 : i32
        %swap3A_526 = arith.index_cast %add3A_525 : i32 to index
        %swap3A_527 = tpu.vector_load %arg19[%swap3A_526] {strides = array<i32>} : memref<2048xi32, #tpu.memory_space<vmem>>, vector<16xi32>,
        tpu.vector_store %arg19[%swap3A_526], %add3A_521 {strides = array<i32>} : memref<2048xi32, #tpu.memory_space<vmem>>, vector<16xi32>,
        %scan3A_528 = arith.constant 0 : i32
        scf.yield %scan3A_528 : i32
      }
      %scan3A_278 = arith.constant 16 : i32
      %dma_wait3A = arith.constant 0 : i32
      %dma_wait3A_279 = tpu.memref_slice %arg14[%while3A_125, %dma_wait3A] : memref<128x128xi32, #tpu.memory_space<vmem>> -> memref<1x128xi32, #tpu.memory_space<vmem>>
      %dma_wait3A_280 = tpu.memref_squeeze %dma_wait3A_279 : memref<1x128xi32, #tpu.memory_space<vmem>> -> memref<128xi32, #tpu.memory_space<vmem>>
      %dma_wait3A_281 = arith.constant 0 : i32
      %dma_wait3A_282 = arith.constant 0 : i32
      %dma_wait3A_283 = tpu.memref_slice %arg3[%dma_wait3A_281, %dma_wait3A_282] : memref<16384x128xi32, #tpu.memory_space<hbm>> -> memref<16384x128xi32, #tpu.memory_space<hbm>>
      tpu.wait_indirect_dma semaphore(%arg24 : memref<!tpu.dma_semaphore, #tpu.memory_space<semaphore_mem>>) src(%dma_wait3A_283 : memref<16384x128xi32, #tpu.memory_space<hbm>>) dst(%arg16 : memref<128x128xi32, #tpu.memory_space<vmem>>)
      %scan3A_284 = arith.constant 0 : i32
      %scan3A_285 = arith.constant 0 : i32
      %scan3A_286 = arith.constant 32 : i32
      %scan3A_287 = arith.addi %scan3A_285, %scan3A_286 : i32
      %scan3A_288 = arith.constant 1 : i32
      %scan3A_289 = scf.for %scan3A_437 = %scan3A_285 to %scan3A_287 step %scan3A_288 iter_args(%scan3A_438 = %scan3A_284) -> (i32)  : i32 {
        %broadcast_in_dim3A_439 = arith.constant 0 : i32
        %broadcast_in_dim3A_440 = vector.broadcast %broadcast_in_dim3A_439 : i32 to vector<16xi32>
        %add3A_441 = vector.broadcast %scan3A_437 : i32 to vector<16xi32>
        %add3A_442 = arith.addi %broadcast_in_dim3A_440, %add3A_441 : vector<16xi32>
        %iota3A_443 = tpu.iota {dimensions = array<i32: 0>} : vector<16xi32>
        %add3A_444 = arith.constant 0 : i32
        %add3A_445 = vector.broadcast %add3A_444 : i32 to vector<16xi32>
        %add3A_446 = arith.addi %add3A_445, %iota3A_443 : vector<16xi32>
        %gather3A_447 = tpu.vector_load_idx %arg16[%add3A_446, %add3A_442] : memref<128x128xi32, #tpu.memory_space<vmem>>[vector<16xi32>, vector<16xi32>], vector<16xi32>,
        %mul3A_448 = arith.constant 128 : i32
        %mul3A_449 = arith.muli %scan3A_437, %mul3A_448 : i32
        %add3A_450 = arith.constant 0 : i32
        %add3A_451 = arith.addi %mul3A_449, %add3A_450 : i32
        %swap3A_452 = arith.index_cast %add3A_451 : i32 to index
        %swap3A_453 = tpu.vector_load %arg20[%swap3A_452] {strides = array<i32>} : memref<4096xi32, #tpu.memory_space<vmem>>, vector<16xi32>,
        tpu.vector_store %arg20[%swap3A_452], %gather3A_447 {strides = array<i32>} : memref<4096xi32, #tpu.memory_space<vmem>>, vector<16xi32>,
        %iota3A_454 = tpu.iota {dimensions = array<i32: 0>} : vector<16xi32>
        %add3A_455 = arith.constant 16 : i32
        %add3A_456 = vector.broadcast %add3A_455 : i32 to vector<16xi32>
        %add3A_457 = arith.addi %add3A_456, %iota3A_454 : vector<16xi32>
        %gather3A_458 = tpu.vector_load_idx %arg16[%add3A_457, %add3A_442] : memref<128x128xi32, #tpu.memory_space<vmem>>[vector<16xi32>, vector<16xi32>], vector<16xi32>,
        %mul3A_459 = arith.constant 128 : i32
        %mul3A_460 = arith.muli %scan3A_437, %mul3A_459 : i32
        %add3A_461 = arith.constant 16 : i32
        %add3A_462 = arith.addi %mul3A_460, %add3A_461 : i32
        %swap3A_463 = arith.index_cast %add3A_462 : i32 to index
        %swap3A_464 = tpu.vector_load %arg20[%swap3A_463] {strides = array<i32>} : memref<4096xi32, #tpu.memory_space<vmem>>, vector<16xi32>,
        tpu.vector_store %arg20[%swap3A_463], %gather3A_458 {strides = array<i32>} : memref<4096xi32, #tpu.memory_space<vmem>>, vector<16xi32>,
        %iota3A_465 = tpu.iota {dimensions = array<i32: 0>} : vector<16xi32>
        %add3A_466 = arith.constant 32 : i32
        %add3A_467 = vector.broadcast %add3A_466 : i32 to vector<16xi32>
        %add3A_468 = arith.addi %add3A_467, %iota3A_465 : vector<16xi32>
        %gather3A_469 = tpu.vector_load_idx %arg16[%add3A_468, %add3A_442] : memref<128x128xi32, #tpu.memory_space<vmem>>[vector<16xi32>, vector<16xi32>], vector<16xi32>,
        %mul3A_470 = arith.constant 128 : i32
        %mul3A_471 = arith.muli %scan3A_437, %mul3A_470 : i32
        %add3A_472 = arith.constant 32 : i32
        %add3A_473 = arith.addi %mul3A_471, %add3A_472 : i32
        %swap3A_474 = arith.index_cast %add3A_473 : i32 to index
        %swap3A_475 = tpu.vector_load %arg20[%swap3A_474] {strides = array<i32>} : memref<4096xi32, #tpu.memory_space<vmem>>, vector<16xi32>,
        tpu.vector_store %arg20[%swap3A_474], %gather3A_469 {strides = array<i32>} : memref<4096xi32, #tpu.memory_space<vmem>>, vector<16xi32>,
        %iota3A_476 = tpu.iota {dimensions = array<i32: 0>} : vector<16xi32>
        %add3A_477 = arith.constant 48 : i32
        %add3A_478 = vector.broadcast %add3A_477 : i32 to vector<16xi32>
        %add3A_479 = arith.addi %add3A_478, %iota3A_476 : vector<16xi32>
        %gather3A_480 = tpu.vector_load_idx %arg16[%add3A_479, %add3A_442] : memref<128x128xi32, #tpu.memory_space<vmem>>[vector<16xi32>, vector<16xi32>], vector<16xi32>,
        %mul3A_481 = arith.constant 128 : i32
        %mul3A_482 = arith.muli %scan3A_437, %mul3A_481 : i32
        %add3A_483 = arith.constant 48 : i32
        %add3A_484 = arith.addi %mul3A_482, %add3A_483 : i32
        %swap3A_485 = arith.index_cast %add3A_484 : i32 to index
        %swap3A_486 = tpu.vector_load %arg20[%swap3A_485] {strides = array<i32>} : memref<4096xi32, #tpu.memory_space<vmem>>, vector<16xi32>,
        tpu.vector_store %arg20[%swap3A_485], %gather3A_480 {strides = array<i32>} : memref<4096xi32, #tpu.memory_space<vmem>>, vector<16xi32>,
        %iota3A_487 = tpu.iota {dimensions = array<i32: 0>} : vector<16xi32>
        %add3A_488 = arith.constant 64 : i32
        %add3A_489 = vector.broadcast %add3A_488 : i32 to vector<16xi32>
        %add3A_490 = arith.addi %add3A_489, %iota3A_487 : vector<16xi32>
        %gather3A_491 = tpu.vector_load_idx %arg16[%add3A_490, %add3A_442] : memref<128x128xi32, #tpu.memory_space<vmem>>[vector<16xi32>, vector<16xi32>], vector<16xi32>,
        %mul3A_492 = arith.constant 128 : i32
        %mul3A_493 = arith.muli %scan3A_437, %mul3A_492 : i32
        %add3A_494 = arith.constant 64 : i32
        %add3A_495 = arith.addi %mul3A_493, %add3A_494 : i32
        %swap3A_496 = arith.index_cast %add3A_495 : i32 to index
        %swap3A_497 = tpu.vector_load %arg20[%swap3A_496] {strides = array<i32>} : memref<4096xi32, #tpu.memory_space<vmem>>, vector<16xi32>,
        tpu.vector_store %arg20[%swap3A_496], %gather3A_491 {strides = array<i32>} : memref<4096xi32, #tpu.memory_space<vmem>>, vector<16xi32>,
        %iota3A_498 = tpu.iota {dimensions = array<i32: 0>} : vector<16xi32>
        %add3A_499 = arith.constant 80 : i32
        %add3A_500 = vector.broadcast %add3A_499 : i32 to vector<16xi32>
        %add3A_501 = arith.addi %add3A_500, %iota3A_498 : vector<16xi32>
        %gather3A_502 = tpu.vector_load_idx %arg16[%add3A_501, %add3A_442] : memref<128x128xi32, #tpu.memory_space<vmem>>[vector<16xi32>, vector<16xi32>], vector<16xi32>,
        %mul3A_503 = arith.constant 128 : i32
        %mul3A_504 = arith.muli %scan3A_437, %mul3A_503 : i32
        %add3A_505 = arith.constant 80 : i32
        %add3A_506 = arith.addi %mul3A_504, %add3A_505 : i32
        %swap3A_507 = arith.index_cast %add3A_506 : i32 to index
        %swap3A_508 = tpu.vector_load %arg20[%swap3A_507] {strides = array<i32>} : memref<4096xi32, #tpu.memory_space<vmem>>, vector<16xi32>,
        tpu.vector_store %arg20[%swap3A_507], %gather3A_502 {strides = array<i32>} : memref<4096xi32, #tpu.memory_space<vmem>>, vector<16xi32>,
        %iota3A_509 = tpu.iota {dimensions = array<i32: 0>} : vector<16xi32>
        %add3A_510 = arith.constant 96 : i32
        %add3A_511 = vector.broadcast %add3A_510 : i32 to vector<16xi32>
        %add3A_512 = arith.addi %add3A_511, %iota3A_509 : vector<16xi32>
        %gather3A_513 = tpu.vector_load_idx %arg16[%add3A_512, %add3A_442] : memref<128x128xi32, #tpu.memory_space<vmem>>[vector<16xi32>, vector<16xi32>], vector<16xi32>,
        %mul3A_514 = arith.constant 128 : i32
        %mul3A_515 = arith.muli %scan3A_437, %mul3A_514 : i32
        %add3A_516 = arith.constant 96 : i32
        %add3A_517 = arith.addi %mul3A_515, %add3A_516 : i32
        %swap3A_518 = arith.index_cast %add3A_517 : i32 to index
        %swap3A_519 = tpu.vector_load %arg20[%swap3A_518] {strides = array<i32>} : memref<4096xi32, #tpu.memory_space<vmem>>, vector<16xi32>,
        tpu.vector_store %arg20[%swap3A_518], %gather3A_513 {strides = array<i32>} : memref<4096xi32, #tpu.memory_space<vmem>>, vector<16xi32>,
        %iota3A_520 = tpu.iota {dimensions = array<i32: 0>} : vector<16xi32>
        %add3A_521 = arith.constant 112 : i32
        %add3A_522 = vector.broadcast %add3A_521 : i32 to vector<16xi32>
        %add3A_523 = arith.addi %add3A_522, %iota3A_520 : vector<16xi32>
        %gather3A_524 = tpu.vector_load_idx %arg16[%add3A_523, %add3A_442] : memref<128x128xi32, #tpu.memory_space<vmem>>[vector<16xi32>, vector<16xi32>], vector<16xi32>,
        %mul3A_525 = arith.constant 128 : i32
        %mul3A_526 = arith.muli %scan3A_437, %mul3A_525 : i32
        %add3A_527 = arith.constant 112 : i32
        %add3A_528 = arith.addi %mul3A_526, %add3A_527 : i32
        %swap3A_529 = arith.index_cast %add3A_528 : i32 to index
        %swap3A_530 = tpu.vector_load %arg20[%swap3A_529] {strides = array<i32>} : memref<4096xi32, #tpu.memory_space<vmem>>, vector<16xi32>,
        tpu.vector_store %arg20[%swap3A_529], %gather3A_524 {strides = array<i32>} : memref<4096xi32, #tpu.memory_space<vmem>>, vector<16xi32>,
        %scan3A_531 = arith.constant 0 : i32
        scf.yield %scan3A_531 : i32
      }
      %scan3A_290 = arith.constant 32 : i32
      %scan3A_291 = arith.constant 0 : i32
      %scan3A_292 = arith.constant 0 : i32
      %scan3A_293 = arith.constant 16 : i32
      %scan3A_294 = arith.addi %scan3A_292, %scan3A_293 : i32
      %scan3A_295 = arith.constant 1 : i32
      %scan3A_296 = scf.for %scan3A_437 = %scan3A_292 to %scan3A_294 step %scan3A_295 iter_args(%scan3A_438 = %scan3A_291) -> (i32)  : i32 {
        %broadcast_in_dim3A_439 = arith.constant 32 : i32
        %broadcast_in_dim3A_440 = vector.broadcast %broadcast_in_dim3A_439 : i32 to vector<16xi32>
        %add3A_441 = vector.broadcast %scan3A_437 : i32 to vector<16xi32>
        %add3A_442 = arith.addi %broadcast_in_dim3A_440, %add3A_441 : vector<16xi32>
        %iota3A_443 = tpu.iota {dimensions = array<i32: 0>} : vector<16xi32>
        %add3A_444 = arith.constant 0 : i32
        %add3A_445 = vector.broadcast %add3A_444 : i32 to vector<16xi32>
        %add3A_446 = arith.addi %add3A_445, %iota3A_443 : vector<16xi32>
        %gather3A_447 = tpu.vector_load_idx %arg16[%add3A_446, %add3A_442] : memref<128x128xi32, #tpu.memory_space<vmem>>[vector<16xi32>, vector<16xi32>], vector<16xi32>,
        %mul3A_448 = arith.constant 128 : i32
        %mul3A_449 = arith.muli %scan3A_437, %mul3A_448 : i32
        %add3A_450 = arith.constant 0 : i32
        %add3A_451 = arith.addi %mul3A_449, %add3A_450 : i32
        %swap3A_452 = arith.index_cast %add3A_451 : i32 to index
        %swap3A_453 = tpu.vector_load %arg21[%swap3A_452] {strides = array<i32>} : memref<2048xi32, #tpu.memory_space<vmem>>, vector<16xi32>,
        tpu.vector_store %arg21[%swap3A_452], %gather3A_447 {strides = array<i32>} : memref<2048xi32, #tpu.memory_space<vmem>>, vector<16xi32>,
        %iota3A_454 = tpu.iota {dimensions = array<i32: 0>} : vector<16xi32>
        %add3A_455 = arith.constant 16 : i32
        %add3A_456 = vector.broadcast %add3A_455 : i32 to vector<16xi32>
        %add3A_457 = arith.addi %add3A_456, %iota3A_454 : vector<16xi32>
        %gather3A_458 = tpu.vector_load_idx %arg16[%add3A_457, %add3A_442] : memref<128x128xi32, #tpu.memory_space<vmem>>[vector<16xi32>, vector<16xi32>], vector<16xi32>,
        %mul3A_459 = arith.constant 128 : i32
        %mul3A_460 = arith.muli %scan3A_437, %mul3A_459 : i32
        %add3A_461 = arith.constant 16 : i32
        %add3A_462 = arith.addi %mul3A_460, %add3A_461 : i32
        %swap3A_463 = arith.index_cast %add3A_462 : i32 to index
        %swap3A_464 = tpu.vector_load %arg21[%swap3A_463] {strides = array<i32>} : memref<2048xi32, #tpu.memory_space<vmem>>, vector<16xi32>,
        tpu.vector_store %arg21[%swap3A_463], %gather3A_458 {strides = array<i32>} : memref<2048xi32, #tpu.memory_space<vmem>>, vector<16xi32>,
        %iota3A_465 = tpu.iota {dimensions = array<i32: 0>} : vector<16xi32>
        %add3A_466 = arith.constant 32 : i32
        %add3A_467 = vector.broadcast %add3A_466 : i32 to vector<16xi32>
        %add3A_468 = arith.addi %add3A_467, %iota3A_465 : vector<16xi32>
        %gather3A_469 = tpu.vector_load_idx %arg16[%add3A_468, %add3A_442] : memref<128x128xi32, #tpu.memory_space<vmem>>[vector<16xi32>, vector<16xi32>], vector<16xi32>,
        %mul3A_470 = arith.constant 128 : i32
        %mul3A_471 = arith.muli %scan3A_437, %mul3A_470 : i32
        %add3A_472 = arith.constant 32 : i32
        %add3A_473 = arith.addi %mul3A_471, %add3A_472 : i32
        %swap3A_474 = arith.index_cast %add3A_473 : i32 to index
        %swap3A_475 = tpu.vector_load %arg21[%swap3A_474] {strides = array<i32>} : memref<2048xi32, #tpu.memory_space<vmem>>, vector<16xi32>,
        tpu.vector_store %arg21[%swap3A_474], %gather3A_469 {strides = array<i32>} : memref<2048xi32, #tpu.memory_space<vmem>>, vector<16xi32>,
        %iota3A_476 = tpu.iota {dimensions = array<i32: 0>} : vector<16xi32>
        %add3A_477 = arith.constant 48 : i32
        %add3A_478 = vector.broadcast %add3A_477 : i32 to vector<16xi32>
        %add3A_479 = arith.addi %add3A_478, %iota3A_476 : vector<16xi32>
        %gather3A_480 = tpu.vector_load_idx %arg16[%add3A_479, %add3A_442] : memref<128x128xi32, #tpu.memory_space<vmem>>[vector<16xi32>, vector<16xi32>], vector<16xi32>,
        %mul3A_481 = arith.constant 128 : i32
        %mul3A_482 = arith.muli %scan3A_437, %mul3A_481 : i32
        %add3A_483 = arith.constant 48 : i32
        %add3A_484 = arith.addi %mul3A_482, %add3A_483 : i32
        %swap3A_485 = arith.index_cast %add3A_484 : i32 to index
        %swap3A_486 = tpu.vector_load %arg21[%swap3A_485] {strides = array<i32>} : memref<2048xi32, #tpu.memory_space<vmem>>, vector<16xi32>,
        tpu.vector_store %arg21[%swap3A_485], %gather3A_480 {strides = array<i32>} : memref<2048xi32, #tpu.memory_space<vmem>>, vector<16xi32>,
        %iota3A_487 = tpu.iota {dimensions = array<i32: 0>} : vector<16xi32>
        %add3A_488 = arith.constant 64 : i32
        %add3A_489 = vector.broadcast %add3A_488 : i32 to vector<16xi32>
        %add3A_490 = arith.addi %add3A_489, %iota3A_487 : vector<16xi32>
        %gather3A_491 = tpu.vector_load_idx %arg16[%add3A_490, %add3A_442] : memref<128x128xi32, #tpu.memory_space<vmem>>[vector<16xi32>, vector<16xi32>], vector<16xi32>,
        %mul3A_492 = arith.constant 128 : i32
        %mul3A_493 = arith.muli %scan3A_437, %mul3A_492 : i32
        %add3A_494 = arith.constant 64 : i32
        %add3A_495 = arith.addi %mul3A_493, %add3A_494 : i32
        %swap3A_496 = arith.index_cast %add3A_495 : i32 to index
        %swap3A_497 = tpu.vector_load %arg21[%swap3A_496] {strides = array<i32>} : memref<2048xi32, #tpu.memory_space<vmem>>, vector<16xi32>,
        tpu.vector_store %arg21[%swap3A_496], %gather3A_491 {strides = array<i32>} : memref<2048xi32, #tpu.memory_space<vmem>>, vector<16xi32>,
        %iota3A_498 = tpu.iota {dimensions = array<i32: 0>} : vector<16xi32>
        %add3A_499 = arith.constant 80 : i32
        %add3A_500 = vector.broadcast %add3A_499 : i32 to vector<16xi32>
        %add3A_501 = arith.addi %add3A_500, %iota3A_498 : vector<16xi32>
        %gather3A_502 = tpu.vector_load_idx %arg16[%add3A_501, %add3A_442] : memref<128x128xi32, #tpu.memory_space<vmem>>[vector<16xi32>, vector<16xi32>], vector<16xi32>,
        %mul3A_503 = arith.constant 128 : i32
        %mul3A_504 = arith.muli %scan3A_437, %mul3A_503 : i32
        %add3A_505 = arith.constant 80 : i32
        %add3A_506 = arith.addi %mul3A_504, %add3A_505 : i32
        %swap3A_507 = arith.index_cast %add3A_506 : i32 to index
        %swap3A_508 = tpu.vector_load %arg21[%swap3A_507] {strides = array<i32>} : memref<2048xi32, #tpu.memory_space<vmem>>, vector<16xi32>,
        tpu.vector_store %arg21[%swap3A_507], %gather3A_502 {strides = array<i32>} : memref<2048xi32, #tpu.memory_space<vmem>>, vector<16xi32>,
        %iota3A_509 = tpu.iota {dimensions = array<i32: 0>} : vector<16xi32>
        %add3A_510 = arith.constant 96 : i32
        %add3A_511 = vector.broadcast %add3A_510 : i32 to vector<16xi32>
        %add3A_512 = arith.addi %add3A_511, %iota3A_509 : vector<16xi32>
        %gather3A_513 = tpu.vector_load_idx %arg16[%add3A_512, %add3A_442] : memref<128x128xi32, #tpu.memory_space<vmem>>[vector<16xi32>, vector<16xi32>], vector<16xi32>,
        %mul3A_514 = arith.constant 128 : i32
        %mul3A_515 = arith.muli %scan3A_437, %mul3A_514 : i32
        %add3A_516 = arith.constant 96 : i32
        %add3A_517 = arith.addi %mul3A_515, %add3A_516 : i32
        %swap3A_518 = arith.index_cast %add3A_517 : i32 to index
        %swap3A_519 = tpu.vector_load %arg21[%swap3A_518] {strides = array<i32>} : memref<2048xi32, #tpu.memory_space<vmem>>, vector<16xi32>,
        tpu.vector_store %arg21[%swap3A_518], %gather3A_513 {strides = array<i32>} : memref<2048xi32, #tpu.memory_space<vmem>>, vector<16xi32>,
        %iota3A_520 = tpu.iota {dimensions = array<i32: 0>} : vector<16xi32>
        %add3A_521 = arith.constant 112 : i32
        %add3A_522 = vector.broadcast %add3A_521 : i32 to vector<16xi32>
        %add3A_523 = arith.addi %add3A_522, %iota3A_520 : vector<16xi32>
        %gather3A_524 = tpu.vector_load_idx %arg16[%add3A_523, %add3A_442] : memref<128x128xi32, #tpu.memory_space<vmem>>[vector<16xi32>, vector<16xi32>], vector<16xi32>,
        %mul3A_525 = arith.constant 128 : i32
        %mul3A_526 = arith.muli %scan3A_437, %mul3A_525 : i32
        %add3A_527 = arith.constant 112 : i32
        %add3A_528 = arith.addi %mul3A_526, %add3A_527 : i32
        %swap3A_529 = arith.index_cast %add3A_528 : i32 to index
        %swap3A_530 = tpu.vector_load %arg21[%swap3A_529] {strides = array<i32>} : memref<2048xi32, #tpu.memory_space<vmem>>, vector<16xi32>,
        tpu.vector_store %arg21[%swap3A_529], %gather3A_524 {strides = array<i32>} : memref<2048xi32, #tpu.memory_space<vmem>>, vector<16xi32>,
        %scan3A_531 = arith.constant 0 : i32
        scf.yield %scan3A_531 : i32
      }
      %scan3A_297 = arith.constant 16 : i32
      %iota3A = tpu.iota {dimensions = array<i32: 0>} : vector<16xi32>
      %add3A_298 = arith.constant 0 : i32
      %add3A_299 = vector.broadcast %add3A_298 : i32 to vector<16xi32>
      %add3A_300 = arith.addi %add3A_299, %iota3A : vector<16xi32>
      %broadcast_in_dim3A_301 = arith.constant 48 : i32
      %broadcast_in_dim3A_302 = vector.broadcast %broadcast_in_dim3A_301 : i32 to vector<16xi32>
      %gather3A = tpu.vector_load_idx %arg16[%add3A_300, %broadcast_in_dim3A_302] : memref<128x128xi32, #tpu.memory_space<vmem>>[vector<16xi32>, vector<16xi32>], vector<16xi32>,
      %swap3A_303 = arith.constant 0 : index
      %swap3A_304 = tpu.vector_load %arg22[%swap3A_303] {strides = array<i32>} : memref<128xi32, #tpu.memory_space<vmem>>, vector<16xi32>,
      tpu.vector_store %arg22[%swap3A_303], %gather3A {strides = array<i32>} : memref<128xi32, #tpu.memory_space<vmem>>, vector<16xi32>,
      %broadcast_in_dim3A_305 = arith.constant 49 : i32
      %broadcast_in_dim3A_306 = vector.broadcast %broadcast_in_dim3A_305 : i32 to vector<16xi32>
      %gather3A_307 = tpu.vector_load_idx %arg16[%add3A_300, %broadcast_in_dim3A_306] : memref<128x128xi32, #tpu.memory_space<vmem>>[vector<16xi32>, vector<16xi32>], vector<16xi32>,
      %swap3A_308 = arith.constant 0 : index
      %swap3A_309 = tpu.vector_load %arg23[%swap3A_308] {strides = array<i32>} : memref<128xi32, #tpu.memory_space<vmem>>, vector<16xi32>,
      tpu.vector_store %arg23[%swap3A_308], %gather3A_307 {strides = array<i32>} : memref<128xi32, #tpu.memory_space<vmem>>, vector<16xi32>,
      %iota3A_310 = tpu.iota {dimensions = array<i32: 0>} : vector<16xi32>
      %add3A_311 = arith.constant 16 : i32
      %add3A_312 = vector.broadcast %add3A_311 : i32 to vector<16xi32>
      %add3A_313 = arith.addi %add3A_312, %iota3A_310 : vector<16xi32>
      %broadcast_in_dim3A_314 = arith.constant 48 : i32
      %broadcast_in_dim3A_315 = vector.broadcast %broadcast_in_dim3A_314 : i32 to vector<16xi32>
      %gather3A_316 = tpu.vector_load_idx %arg16[%add3A_313, %broadcast_in_dim3A_315] : memref<128x128xi32, #tpu.memory_space<vmem>>[vector<16xi32>, vector<16xi32>], vector<16xi32>,
      %swap3A_317 = arith.constant 16 : index
      %swap3A_318 = tpu.vector_load %arg22[%swap3A_317] {strides = array<i32>} : memref<128xi32, #tpu.memory_space<vmem>>, vector<16xi32>,
      tpu.vector_store %arg22[%swap3A_317], %gather3A_316 {strides = array<i32>} : memref<128xi32, #tpu.memory_space<vmem>>, vector<16xi32>,
      %broadcast_in_dim3A_319 = arith.constant 49 : i32
      %broadcast_in_dim3A_320 = vector.broadcast %broadcast_in_dim3A_319 : i32 to vector<16xi32>
      %gather3A_321 = tpu.vector_load_idx %arg16[%add3A_313, %broadcast_in_dim3A_320] : memref<128x128xi32, #tpu.memory_space<vmem>>[vector<16xi32>, vector<16xi32>], vector<16xi32>,
      %swap3A_322 = arith.constant 16 : index
      %swap3A_323 = tpu.vector_load %arg23[%swap3A_322] {strides = array<i32>} : memref<128xi32, #tpu.memory_space<vmem>>, vector<16xi32>,
      tpu.vector_store %arg23[%swap3A_322], %gather3A_321 {strides = array<i32>} : memref<128xi32, #tpu.memory_space<vmem>>, vector<16xi32>,
      %iota3A_324 = tpu.iota {dimensions = array<i32: 0>} : vector<16xi32>
      %add3A_325 = arith.constant 32 : i32
      %add3A_326 = vector.broadcast %add3A_325 : i32 to vector<16xi32>
      %add3A_327 = arith.addi %add3A_326, %iota3A_324 : vector<16xi32>
      %broadcast_in_dim3A_328 = arith.constant 48 : i32
      %broadcast_in_dim3A_329 = vector.broadcast %broadcast_in_dim3A_328 : i32 to vector<16xi32>
      %gather3A_330 = tpu.vector_load_idx %arg16[%add3A_327, %broadcast_in_dim3A_329] : memref<128x128xi32, #tpu.memory_space<vmem>>[vector<16xi32>, vector<16xi32>], vector<16xi32>,
      %swap3A_331 = arith.constant 32 : index
      %swap3A_332 = tpu.vector_load %arg22[%swap3A_331] {strides = array<i32>} : memref<128xi32, #tpu.memory_space<vmem>>, vector<16xi32>,
      tpu.vector_store %arg22[%swap3A_331], %gather3A_330 {strides = array<i32>} : memref<128xi32, #tpu.memory_space<vmem>>, vector<16xi32>,
      %broadcast_in_dim3A_333 = arith.constant 49 : i32
      %broadcast_in_dim3A_334 = vector.broadcast %broadcast_in_dim3A_333 : i32 to vector<16xi32>
      %gather3A_335 = tpu.vector_load_idx %arg16[%add3A_327, %broadcast_in_dim3A_334] : memref<128x128xi32, #tpu.memory_space<vmem>>[vector<16xi32>, vector<16xi32>], vector<16xi32>,
      %swap3A_336 = arith.constant 32 : index
      %swap3A_337 = tpu.vector_load %arg23[%swap3A_336] {strides = array<i32>} : memref<128xi32, #tpu.memory_space<vmem>>, vector<16xi32>,
      tpu.vector_store %arg23[%swap3A_336], %gather3A_335 {strides = array<i32>} : memref<128xi32, #tpu.memory_space<vmem>>, vector<16xi32>,
      %iota3A_338 = tpu.iota {dimensions = array<i32: 0>} : vector<16xi32>
      %add3A_339 = arith.constant 48 : i32
      %add3A_340 = vector.broadcast %add3A_339 : i32 to vector<16xi32>
      %add3A_341 = arith.addi %add3A_340, %iota3A_338 : vector<16xi32>
      %broadcast_in_dim3A_342 = arith.constant 48 : i32
      %broadcast_in_dim3A_343 = vector.broadcast %broadcast_in_dim3A_342 : i32 to vector<16xi32>
      %gather3A_344 = tpu.vector_load_idx %arg16[%add3A_341, %broadcast_in_dim3A_343] : memref<128x128xi32, #tpu.memory_space<vmem>>[vector<16xi32>, vector<16xi32>], vector<16xi32>,
      %swap3A_345 = arith.constant 48 : index
      %swap3A_346 = tpu.vector_load %arg22[%swap3A_345] {strides = array<i32>} : memref<128xi32, #tpu.memory_space<vmem>>, vector<16xi32>,
      tpu.vector_store %arg22[%swap3A_345], %gather3A_344 {strides = array<i32>} : memref<128xi32, #tpu.memory_space<vmem>>, vector<16xi32>,
      %broadcast_in_dim3A_347 = arith.constant 49 : i32
      %broadcast_in_dim3A_348 = vector.broadcast %broadcast_in_dim3A_347 : i32 to vector<16xi32>
      %gather3A_349 = tpu.vector_load_idx %arg16[%add3A_341, %broadcast_in_dim3A_348] : memref<128x128xi32, #tpu.memory_space<vmem>>[vector<16xi32>, vector<16xi32>], vector<16xi32>,
      %swap3A_350 = arith.constant 48 : index
      %swap3A_351 = tpu.vector_load %arg23[%swap3A_350] {strides = array<i32>} : memref<128xi32, #tpu.memory_space<vmem>>, vector<16xi32>,
      tpu.vector_store %arg23[%swap3A_350], %gather3A_349 {strides = array<i32>} : memref<128xi32, #tpu.memory_space<vmem>>, vector<16xi32>,
      %iota3A_352 = tpu.iota {dimensions = array<i32: 0>} : vector<16xi32>
      %add3A_353 = arith.constant 64 : i32
      %add3A_354 = vector.broadcast %add3A_353 : i32 to vector<16xi32>
      %add3A_355 = arith.addi %add3A_354, %iota3A_352 : vector<16xi32>
      %broadcast_in_dim3A_356 = arith.constant 48 : i32
      %broadcast_in_dim3A_357 = vector.broadcast %broadcast_in_dim3A_356 : i32 to vector<16xi32>
      %gather3A_358 = tpu.vector_load_idx %arg16[%add3A_355, %broadcast_in_dim3A_357] : memref<128x128xi32, #tpu.memory_space<vmem>>[vector<16xi32>, vector<16xi32>], vector<16xi32>,
      %swap3A_359 = arith.constant 64 : index
      %swap3A_360 = tpu.vector_load %arg22[%swap3A_359] {strides = array<i32>} : memref<128xi32, #tpu.memory_space<vmem>>, vector<16xi32>,
      tpu.vector_store %arg22[%swap3A_359], %gather3A_358 {strides = array<i32>} : memref<128xi32, #tpu.memory_space<vmem>>, vector<16xi32>,
      %broadcast_in_dim3A_361 = arith.constant 49 : i32
      %broadcast_in_dim3A_362 = vector.broadcast %broadcast_in_dim3A_361 : i32 to vector<16xi32>
      %gather3A_363 = tpu.vector_load_idx %arg16[%add3A_355, %broadcast_in_dim3A_362] : memref<128x128xi32, #tpu.memory_space<vmem>>[vector<16xi32>, vector<16xi32>], vector<16xi32>,
      %swap3A_364 = arith.constant 64 : index
      %swap3A_365 = tpu.vector_load %arg23[%swap3A_364] {strides = array<i32>} : memref<128xi32, #tpu.memory_space<vmem>>, vector<16xi32>,
      tpu.vector_store %arg23[%swap3A_364], %gather3A_363 {strides = array<i32>} : memref<128xi32, #tpu.memory_space<vmem>>, vector<16xi32>,
      %iota3A_366 = tpu.iota {dimensions = array<i32: 0>} : vector<16xi32>
      %add3A_367 = arith.constant 80 : i32
      %add3A_368 = vector.broadcast %add3A_367 : i32 to vector<16xi32>
      %add3A_369 = arith.addi %add3A_368, %iota3A_366 : vector<16xi32>
      %broadcast_in_dim3A_370 = arith.constant 48 : i32
      %broadcast_in_dim3A_371 = vector.broadcast %broadcast_in_dim3A_370 : i32 to vector<16xi32>
      %gather3A_372 = tpu.vector_load_idx %arg16[%add3A_369, %broadcast_in_dim3A_371] : memref<128x128xi32, #tpu.memory_space<vmem>>[vector<16xi32>, vector<16xi32>], vector<16xi32>,
      %swap3A_373 = arith.constant 80 : index
      %swap3A_374 = tpu.vector_load %arg22[%swap3A_373] {strides = array<i32>} : memref<128xi32, #tpu.memory_space<vmem>>, vector<16xi32>,
      tpu.vector_store %arg22[%swap3A_373], %gather3A_372 {strides = array<i32>} : memref<128xi32, #tpu.memory_space<vmem>>, vector<16xi32>,
      %broadcast_in_dim3A_375 = arith.constant 49 : i32
      %broadcast_in_dim3A_376 = vector.broadcast %broadcast_in_dim3A_375 : i32 to vector<16xi32>
      %gather3A_377 = tpu.vector_load_idx %arg16[%add3A_369, %broadcast_in_dim3A_376] : memref<128x128xi32, #tpu.memory_space<vmem>>[vector<16xi32>, vector<16xi32>], vector<16xi32>,
      %swap3A_378 = arith.constant 80 : index
      %swap3A_379 = tpu.vector_load %arg23[%swap3A_378] {strides = array<i32>} : memref<128xi32, #tpu.memory_space<vmem>>, vector<16xi32>,
      tpu.vector_store %arg23[%swap3A_378], %gather3A_377 {strides = array<i32>} : memref<128xi32, #tpu.memory_space<vmem>>, vector<16xi32>,
      %iota3A_380 = tpu.iota {dimensions = array<i32: 0>} : vector<16xi32>
      %add3A_381 = arith.constant 96 : i32
      %add3A_382 = vector.broadcast %add3A_381 : i32 to vector<16xi32>
      %add3A_383 = arith.addi %add3A_382, %iota3A_380 : vector<16xi32>
      %broadcast_in_dim3A_384 = arith.constant 48 : i32
      %broadcast_in_dim3A_385 = vector.broadcast %broadcast_in_dim3A_384 : i32 to vector<16xi32>
      %gather3A_386 = tpu.vector_load_idx %arg16[%add3A_383, %broadcast_in_dim3A_385] : memref<128x128xi32, #tpu.memory_space<vmem>>[vector<16xi32>, vector<16xi32>], vector<16xi32>,
      %swap3A_387 = arith.constant 96 : index
      %swap3A_388 = tpu.vector_load %arg22[%swap3A_387] {strides = array<i32>} : memref<128xi32, #tpu.memory_space<vmem>>, vector<16xi32>,
      tpu.vector_store %arg22[%swap3A_387], %gather3A_386 {strides = array<i32>} : memref<128xi32, #tpu.memory_space<vmem>>, vector<16xi32>,
      %broadcast_in_dim3A_389 = arith.constant 49 : i32
      %broadcast_in_dim3A_390 = vector.broadcast %broadcast_in_dim3A_389 : i32 to vector<16xi32>
      %gather3A_391 = tpu.vector_load_idx %arg16[%add3A_383, %broadcast_in_dim3A_390] : memref<128x128xi32, #tpu.memory_space<vmem>>[vector<16xi32>, vector<16xi32>], vector<16xi32>,
      %swap3A_392 = arith.constant 96 : index
      %swap3A_393 = tpu.vector_load %arg23[%swap3A_392] {strides = array<i32>} : memref<128xi32, #tpu.memory_space<vmem>>, vector<16xi32>,
      tpu.vector_store %arg23[%swap3A_392], %gather3A_391 {strides = array<i32>} : memref<128xi32, #tpu.memory_space<vmem>>, vector<16xi32>,
      %iota3A_394 = tpu.iota {dimensions = array<i32: 0>} : vector<16xi32>
      %add3A_395 = arith.constant 112 : i32
      %add3A_396 = vector.broadcast %add3A_395 : i32 to vector<16xi32>
      %add3A_397 = arith.addi %add3A_396, %iota3A_394 : vector<16xi32>
      %broadcast_in_dim3A_398 = arith.constant 48 : i32
      %broadcast_in_dim3A_399 = vector.broadcast %broadcast_in_dim3A_398 : i32 to vector<16xi32>
      %gather3A_400 = tpu.vector_load_idx %arg16[%add3A_397, %broadcast_in_dim3A_399] : memref<128x128xi32, #tpu.memory_space<vmem>>[vector<16xi32>, vector<16xi32>], vector<16xi32>,
      %swap3A_401 = arith.constant 112 : index
      %swap3A_402 = tpu.vector_load %arg22[%swap3A_401] {strides = array<i32>} : memref<128xi32, #tpu.memory_space<vmem>>, vector<16xi32>,
      tpu.vector_store %arg22[%swap3A_401], %gather3A_400 {strides = array<i32>} : memref<128xi32, #tpu.memory_space<vmem>>, vector<16xi32>,
      %broadcast_in_dim3A_403 = arith.constant 49 : i32
      %broadcast_in_dim3A_404 = vector.broadcast %broadcast_in_dim3A_403 : i32 to vector<16xi32>
      %gather3A_405 = tpu.vector_load_idx %arg16[%add3A_397, %broadcast_in_dim3A_404] : memref<128x128xi32, #tpu.memory_space<vmem>>[vector<16xi32>, vector<16xi32>], vector<16xi32>,
      %swap3A_406 = arith.constant 112 : index
      %swap3A_407 = tpu.vector_load %arg23[%swap3A_406] {strides = array<i32>} : memref<128xi32, #tpu.memory_space<vmem>>, vector<16xi32>,
      tpu.vector_store %arg23[%swap3A_406], %gather3A_405 {strides = array<i32>} : memref<128xi32, #tpu.memory_space<vmem>>, vector<16xi32>,
      %dma_start3A_408 = arith.constant 0 : i32
      %dma_start3A_409 = tpu.memref_slice %arg4[%dma_start3A_408] : memref<33554432xi32, #tpu.memory_space<hbm>> -> memref<33554432xi32, #tpu.memory_space<hbm>>
      tpu.enqueue_indirect_dma source(%arg20 : memref<4096xi32, #tpu.memory_space<vmem>>) target(%dma_start3A_409 : memref<33554432xi32, #tpu.memory_space<hbm>>) offsets(%arg18 : memref<4096xi32, #tpu.memory_space<vmem>>) semaphore(%arg24 : memref<!tpu.dma_semaphore, #tpu.memory_space<semaphore_mem>>)
      %dma_start3A_410 = arith.constant 0 : i32
      %dma_start3A_411 = tpu.memref_slice %arg6[%dma_start3A_410] : memref<16777216xi32, #tpu.memory_space<hbm>> -> memref<16777216xi32, #tpu.memory_space<hbm>>
      tpu.enqueue_indirect_dma source(%arg21 : memref<2048xi32, #tpu.memory_space<vmem>>) target(%dma_start3A_411 : memref<16777216xi32, #tpu.memory_space<hbm>>) offsets(%arg19 : memref<2048xi32, #tpu.memory_space<vmem>>) semaphore(%arg25 : memref<!tpu.dma_semaphore, #tpu.memory_space<semaphore_mem>>)
      %dma_start3A_412 = arith.constant 0 : i32
      %dma_start3A_413 = tpu.memref_slice %arg13[%while3A_125, %dma_start3A_412] : memref<128x128xi32, #tpu.memory_space<vmem>> -> memref<1x128xi32, #tpu.memory_space<vmem>>
      %dma_start3A_414 = tpu.memref_squeeze %dma_start3A_413 : memref<1x128xi32, #tpu.memory_space<vmem>> -> memref<128xi32, #tpu.memory_space<vmem>>
      %dma_start3A_415 = arith.constant 0 : i32
      %dma_start3A_416 = tpu.memref_slice %arg5[%dma_start3A_415] : memref<1048576xi32, #tpu.memory_space<hbm>> -> memref<1048576xi32, #tpu.memory_space<hbm>>
      tpu.enqueue_indirect_dma source(%arg22 : memref<128xi32, #tpu.memory_space<vmem>>) target(%dma_start3A_416 : memref<1048576xi32, #tpu.memory_space<hbm>>) offsets(%dma_start3A_414 : memref<128xi32, #tpu.memory_space<vmem>>) semaphore(%arg26 : memref<!tpu.dma_semaphore, #tpu.memory_space<semaphore_mem>>)
      %dma_start3A_417 = arith.constant 0 : i32
      %dma_start3A_418 = tpu.memref_slice %arg13[%while3A_125, %dma_start3A_417] : memref<128x128xi32, #tpu.memory_space<vmem>> -> memref<1x128xi32, #tpu.memory_space<vmem>>
      %dma_start3A_419 = tpu.memref_squeeze %dma_start3A_418 : memref<1x128xi32, #tpu.memory_space<vmem>> -> memref<128xi32, #tpu.memory_space<vmem>>
      %dma_start3A_420 = arith.constant 0 : i32
      %dma_start3A_421 = tpu.memref_slice %arg7[%dma_start3A_420] : memref<1048576xi32, #tpu.memory_space<hbm>> -> memref<1048576xi32, #tpu.memory_space<hbm>>
      tpu.enqueue_indirect_dma source(%arg23 : memref<128xi32, #tpu.memory_space<vmem>>) target(%dma_start3A_421 : memref<1048576xi32, #tpu.memory_space<hbm>>) offsets(%dma_start3A_419 : memref<128xi32, #tpu.memory_space<vmem>>) semaphore(%arg27 : memref<!tpu.dma_semaphore, #tpu.memory_space<semaphore_mem>>)
      %dma_wait3A_422 = arith.constant 0 : i32
      %dma_wait3A_423 = tpu.memref_slice %arg4[%dma_wait3A_422] : memref<33554432xi32, #tpu.memory_space<hbm>> -> memref<33554432xi32, #tpu.memory_space<hbm>>
      tpu.wait_indirect_dma semaphore(%arg24 : memref<!tpu.dma_semaphore, #tpu.memory_space<semaphore_mem>>) src(%arg20 : memref<4096xi32, #tpu.memory_space<vmem>>) dst(%dma_wait3A_423 : memref<33554432xi32, #tpu.memory_space<hbm>>)
      %dma_wait3A_424 = arith.constant 0 : i32
      %dma_wait3A_425 = tpu.memref_slice %arg6[%dma_wait3A_424] : memref<16777216xi32, #tpu.memory_space<hbm>> -> memref<16777216xi32, #tpu.memory_space<hbm>>
      tpu.wait_indirect_dma semaphore(%arg25 : memref<!tpu.dma_semaphore, #tpu.memory_space<semaphore_mem>>) src(%arg21 : memref<2048xi32, #tpu.memory_space<vmem>>) dst(%dma_wait3A_425 : memref<16777216xi32, #tpu.memory_space<hbm>>)
      %dma_wait3A_426 = arith.constant 0 : i32
      %dma_wait3A_427 = tpu.memref_slice %arg13[%while3A_125, %dma_wait3A_426] : memref<128x128xi32, #tpu.memory_space<vmem>> -> memref<1x128xi32, #tpu.memory_space<vmem>>
      %dma_wait3A_428 = tpu.memref_squeeze %dma_wait3A_427 : memref<1x128xi32, #tpu.memory_space<vmem>> -> memref<128xi32, #tpu.memory_space<vmem>>
      %dma_wait3A_429 = arith.constant 0 : i32
      %dma_wait3A_430 = tpu.memref_slice %arg5[%dma_wait3A_429] : memref<1048576xi32, #tpu.memory_space<hbm>> -> memref<1048576xi32, #tpu.memory_space<hbm>>
      tpu.wait_indirect_dma semaphore(%arg26 : memref<!tpu.dma_semaphore, #tpu.memory_space<semaphore_mem>>) src(%arg22 : memref<128xi32, #tpu.memory_space<vmem>>) dst(%dma_wait3A_430 : memref<1048576xi32, #tpu.memory_space<hbm>>)
      %dma_wait3A_431 = arith.constant 0 : i32
      %dma_wait3A_432 = tpu.memref_slice %arg13[%while3A_125, %dma_wait3A_431] : memref<128x128xi32, #tpu.memory_space<vmem>> -> memref<1x128xi32, #tpu.memory_space<vmem>>
      %dma_wait3A_433 = tpu.memref_squeeze %dma_wait3A_432 : memref<1x128xi32, #tpu.memory_space<vmem>> -> memref<128xi32, #tpu.memory_space<vmem>>
      %dma_wait3A_434 = arith.constant 0 : i32
      %dma_wait3A_435 = tpu.memref_slice %arg7[%dma_wait3A_434] : memref<1048576xi32, #tpu.memory_space<hbm>> -> memref<1048576xi32, #tpu.memory_space<hbm>>
      tpu.wait_indirect_dma semaphore(%arg27 : memref<!tpu.dma_semaphore, #tpu.memory_space<semaphore_mem>>) src(%arg23 : memref<128xi32, #tpu.memory_space<vmem>>) dst(%dma_wait3A_435 : memref<1048576xi32, #tpu.memory_space<hbm>>)
      %while3A_436 = arith.constant 0 : i32
      scf.yield %while3A_436 : i32
    }
    %while3A_123 = arith.constant 1 : i32
    %while3A_124 = scf.for %while3A_125 = %while3A_120 to %while3A_116 step %while3A_123 iter_args(%while3A_126 = %while3A_122) -> (i32)  : i32 {
      %dma_start3A = arith.constant 0 : i32
      %dma_start3A_127 = tpu.memref_slice %arg14[%while3A_125, %dma_start3A] : memref<128x128xi32, #tpu.memory_space<vmem>> -> memref<1x128xi32, #tpu.memory_space<vmem>>
      %dma_start3A_128 = tpu.memref_squeeze %dma_start3A_127 : memref<1x128xi32, #tpu.memory_space<vmem>> -> memref<128xi32, #tpu.memory_space<vmem>>
      %dma_start3A_129 = arith.constant 0 : i32
      %dma_start3A_130 = arith.constant 0 : i32
      %dma_start3A_131 = tpu.memref_slice %arg3[%dma_start3A_129, %dma_start3A_130] : memref<16384x128xi32, #tpu.memory_space<hbm>> -> memref<16384x128xi32, #tpu.memory_space<hbm>>
      tpu.enqueue_indirect_dma source(%dma_start3A_131 : memref<16384x128xi32, #tpu.memory_space<hbm>>) target(%arg16 : memref<128x128xi32, #tpu.memory_space<vmem>>) offsets(%dma_start3A_128 : memref<128xi32, #tpu.memory_space<vmem>>) semaphore(%arg24 : memref<!tpu.dma_semaphore, #tpu.memory_space<semaphore_mem>>)
      %get3A_132 = arith.constant 0 : i32
      %get3A_133 = tpu.memref_slice %arg13[%while3A_125, %get3A_132] : memref<128x128xi32, #tpu.memory_space<vmem>> -> memref<1x128xi32, #tpu.memory_space<vmem>>
      %get3A_134 = tpu.memref_squeeze %get3A_133 : memref<1x128xi32, #tpu.memory_space<vmem>> -> memref<128xi32, #tpu.memory_space<vmem>>
      %get3A_135 = arith.constant 0 : index
      %get3A_136 = tpu.vector_load %get3A_134[%get3A_135] {strides = array<i32>} : memref<128xi32, #tpu.memory_space<vmem>>, vector<16xi32>,
      %shift_right_arithmetic3A = arith.constant 7 : i32
      %shift_right_arithmetic3A_137 = vector.broadcast %shift_right_arithmetic3A : i32 to vector<16xi32>
      %shift_right_arithmetic3A_138 = arith.shrsi %get3A_136, %shift_right_arithmetic3A_137 : vector<16xi32>
      %shift_left3A = arith.constant 10 : i32
      %shift_left3A_139 = vector.broadcast %shift_left3A : i32 to vector<16xi32>
      %shift_left3A_140 = arith.shli %shift_right_arithmetic3A_138, %shift_left3A_139 : vector<16xi32>
      %and3A_141 = arith.constant 127 : i32
      %and3A_142 = vector.broadcast %and3A_141 : i32 to vector<16xi32>
      %and3A_143 = arith.andi %get3A_136, %and3A_142 : vector<16xi32>
      %add3A_144 = arith.addi %shift_left3A_140, %and3A_143 : vector<16xi32>
      %swap3A = arith.constant 0 : index
      %swap3A_145 = tpu.vector_load %arg17[%swap3A] {strides = array<i32>} : memref<128xi32, #tpu.memory_space<vmem>>, vector<16xi32>,
      tpu.vector_store %arg17[%swap3A], %add3A_144 {strides = array<i32>} : memref<128xi32, #tpu.memory_space<vmem>>, vector<16xi32>,
      %get3A_146 = arith.constant 0 : i32
      %get3A_147 = tpu.memref_slice %arg13[%while3A_125, %get3A_146] : memref<128x128xi32, #tpu.memory_space<vmem>> -> memref<1x128xi32, #tpu.memory_space<vmem>>
      %get3A_148 = tpu.memref_squeeze %get3A_147 : memref<1x128xi32, #tpu.memory_space<vmem>> -> memref<128xi32, #tpu.memory_space<vmem>>
      %get3A_149 = arith.constant 16 : index
      %get3A_150 = tpu.vector_load %get3A_148[%get3A_149] {strides = array<i32>} : memref<128xi32, #tpu.memory_space<vmem>>, vector<16xi32>,
      %shift_right_arithmetic3A_151 = arith.constant 7 : i32
      %shift_right_arithmetic3A_152 = vector.broadcast %shift_right_arithmetic3A_151 : i32 to vector<16xi32>
      %shift_right_arithmetic3A_153 = arith.shrsi %get3A_150, %shift_right_arithmetic3A_152 : vector<16xi32>
      %shift_left3A_154 = arith.constant 10 : i32
      %shift_left3A_155 = vector.broadcast %shift_left3A_154 : i32 to vector<16xi32>
      %shift_left3A_156 = arith.shli %shift_right_arithmetic3A_153, %shift_left3A_155 : vector<16xi32>
      %and3A_157 = arith.constant 127 : i32
      %and3A_158 = vector.broadcast %and3A_157 : i32 to vector<16xi32>
      %and3A_159 = arith.andi %get3A_150, %and3A_158 : vector<16xi32>
      %add3A_160 = arith.addi %shift_left3A_156, %and3A_159 : vector<16xi32>
      %swap3A_161 = arith.constant 16 : index
      %swap3A_162 = tpu.vector_load %arg17[%swap3A_161] {strides = array<i32>} : memref<128xi32, #tpu.memory_space<vmem>>, vector<16xi32>,
      tpu.vector_store %arg17[%swap3A_161], %add3A_160 {strides = array<i32>} : memref<128xi32, #tpu.memory_space<vmem>>, vector<16xi32>,
      %get3A_163 = arith.constant 0 : i32
      %get3A_164 = tpu.memref_slice %arg13[%while3A_125, %get3A_163] : memref<128x128xi32, #tpu.memory_space<vmem>> -> memref<1x128xi32, #tpu.memory_space<vmem>>
      %get3A_165 = tpu.memref_squeeze %get3A_164 : memref<1x128xi32, #tpu.memory_space<vmem>> -> memref<128xi32, #tpu.memory_space<vmem>>
      %get3A_166 = arith.constant 32 : index
      %get3A_167 = tpu.vector_load %get3A_165[%get3A_166] {strides = array<i32>} : memref<128xi32, #tpu.memory_space<vmem>>, vector<16xi32>,
      %shift_right_arithmetic3A_168 = arith.constant 7 : i32
      %shift_right_arithmetic3A_169 = vector.broadcast %shift_right_arithmetic3A_168 : i32 to vector<16xi32>
      %shift_right_arithmetic3A_170 = arith.shrsi %get3A_167, %shift_right_arithmetic3A_169 : vector<16xi32>
      %shift_left3A_171 = arith.constant 10 : i32
      %shift_left3A_172 = vector.broadcast %shift_left3A_171 : i32 to vector<16xi32>
      %shift_left3A_173 = arith.shli %shift_right_arithmetic3A_170, %shift_left3A_172 : vector<16xi32>
      %and3A_174 = arith.constant 127 : i32
      %and3A_175 = vector.broadcast %and3A_174 : i32 to vector<16xi32>
      %and3A_176 = arith.andi %get3A_167, %and3A_175 : vector<16xi32>
      %add3A_177 = arith.addi %shift_left3A_173, %and3A_176 : vector<16xi32>
      %swap3A_178 = arith.constant 32 : index
      %swap3A_179 = tpu.vector_load %arg17[%swap3A_178] {strides = array<i32>} : memref<128xi32, #tpu.memory_space<vmem>>, vector<16xi32>,
      tpu.vector_store %arg17[%swap3A_178], %add3A_177 {strides = array<i32>} : memref<128xi32, #tpu.memory_space<vmem>>, vector<16xi32>,
      %get3A_180 = arith.constant 0 : i32
      %get3A_181 = tpu.memref_slice %arg13[%while3A_125, %get3A_180] : memref<128x128xi32, #tpu.memory_space<vmem>> -> memref<1x128xi32, #tpu.memory_space<vmem>>
      %get3A_182 = tpu.memref_squeeze %get3A_181 : memref<1x128xi32, #tpu.memory_space<vmem>> -> memref<128xi32, #tpu.memory_space<vmem>>
      %get3A_183 = arith.constant 48 : index
      %get3A_184 = tpu.vector_load %get3A_182[%get3A_183] {strides = array<i32>} : memref<128xi32, #tpu.memory_space<vmem>>, vector<16xi32>,
      %shift_right_arithmetic3A_185 = arith.constant 7 : i32
      %shift_right_arithmetic3A_186 = vector.broadcast %shift_right_arithmetic3A_185 : i32 to vector<16xi32>
      %shift_right_arithmetic3A_187 = arith.shrsi %get3A_184, %shift_right_arithmetic3A_186 : vector<16xi32>
      %shift_left3A_188 = arith.constant 10 : i32
      %shift_left3A_189 = vector.broadcast %shift_left3A_188 : i32 to vector<16xi32>
      %shift_left3A_190 = arith.shli %shift_right_arithmetic3A_187, %shift_left3A_189 : vector<16xi32>
      %and3A_191 = arith.constant 127 : i32
      %and3A_192 = vector.broadcast %and3A_191 : i32 to vector<16xi32>
      %and3A_193 = arith.andi %get3A_184, %and3A_192 : vector<16xi32>
      %add3A_194 = arith.addi %shift_left3A_190, %and3A_193 : vector<16xi32>
      %swap3A_195 = arith.constant 48 : index
      %swap3A_196 = tpu.vector_load %arg17[%swap3A_195] {strides = array<i32>} : memref<128xi32, #tpu.memory_space<vmem>>, vector<16xi32>,
      tpu.vector_store %arg17[%swap3A_195], %add3A_194 {strides = array<i32>} : memref<128xi32, #tpu.memory_space<vmem>>, vector<16xi32>,
      %get3A_197 = arith.constant 0 : i32
      %get3A_198 = tpu.memref_slice %arg13[%while3A_125, %get3A_197] : memref<128x128xi32, #tpu.memory_space<vmem>> -> memref<1x128xi32, #tpu.memory_space<vmem>>
      %get3A_199 = tpu.memref_squeeze %get3A_198 : memref<1x128xi32, #tpu.memory_space<vmem>> -> memref<128xi32, #tpu.memory_space<vmem>>
      %get3A_200 = arith.constant 64 : index
      %get3A_201 = tpu.vector_load %get3A_199[%get3A_200] {strides = array<i32>} : memref<128xi32, #tpu.memory_space<vmem>>, vector<16xi32>,
      %shift_right_arithmetic3A_202 = arith.constant 7 : i32
      %shift_right_arithmetic3A_203 = vector.broadcast %shift_right_arithmetic3A_202 : i32 to vector<16xi32>
      %shift_right_arithmetic3A_204 = arith.shrsi %get3A_201, %shift_right_arithmetic3A_203 : vector<16xi32>
      %shift_left3A_205 = arith.constant 10 : i32
      %shift_left3A_206 = vector.broadcast %shift_left3A_205 : i32 to vector<16xi32>
      %shift_left3A_207 = arith.shli %shift_right_arithmetic3A_204, %shift_left3A_206 : vector<16xi32>
      %and3A_208 = arith.constant 127 : i32
      %and3A_209 = vector.broadcast %and3A_208 : i32 to vector<16xi32>
      %and3A_210 = arith.andi %get3A_201, %and3A_209 : vector<16xi32>
      %add3A_211 = arith.addi %shift_left3A_207, %and3A_210 : vector<16xi32>
      %swap3A_212 = arith.constant 64 : index
      %swap3A_213 = tpu.vector_load %arg17[%swap3A_212] {strides = array<i32>} : memref<128xi32, #tpu.memory_space<vmem>>, vector<16xi32>,
      tpu.vector_store %arg17[%swap3A_212], %add3A_211 {strides = array<i32>} : memref<128xi32, #tpu.memory_space<vmem>>, vector<16xi32>,
      %get3A_214 = arith.constant 0 : i32
      %get3A_215 = tpu.memref_slice %arg13[%while3A_125, %get3A_214] : memref<128x128xi32, #tpu.memory_space<vmem>> -> memref<1x128xi32, #tpu.memory_space<vmem>>
      %get3A_216 = tpu.memref_squeeze %get3A_215 : memref<1x128xi32, #tpu.memory_space<vmem>> -> memref<128xi32, #tpu.memory_space<vmem>>
      %get3A_217 = arith.constant 80 : index
      %get3A_218 = tpu.vector_load %get3A_216[%get3A_217] {strides = array<i32>} : memref<128xi32, #tpu.memory_space<vmem>>, vector<16xi32>,
      %shift_right_arithmetic3A_219 = arith.constant 7 : i32
      %shift_right_arithmetic3A_220 = vector.broadcast %shift_right_arithmetic3A_219 : i32 to vector<16xi32>
      %shift_right_arithmetic3A_221 = arith.shrsi %get3A_218, %shift_right_arithmetic3A_220 : vector<16xi32>
      %shift_left3A_222 = arith.constant 10 : i32
      %shift_left3A_223 = vector.broadcast %shift_left3A_222 : i32 to vector<16xi32>
      %shift_left3A_224 = arith.shli %shift_right_arithmetic3A_221, %shift_left3A_223 : vector<16xi32>
      %and3A_225 = arith.constant 127 : i32
      %and3A_226 = vector.broadcast %and3A_225 : i32 to vector<16xi32>
      %and3A_227 = arith.andi %get3A_218, %and3A_226 : vector<16xi32>
      %add3A_228 = arith.addi %shift_left3A_224, %and3A_227 : vector<16xi32>
      %swap3A_229 = arith.constant 80 : index
      %swap3A_230 = tpu.vector_load %arg17[%swap3A_229] {strides = array<i32>} : memref<128xi32, #tpu.memory_space<vmem>>, vector<16xi32>,
      tpu.vector_store %arg17[%swap3A_229], %add3A_228 {strides = array<i32>} : memref<128xi32, #tpu.memory_space<vmem>>, vector<16xi32>,
      %get3A_231 = arith.constant 0 : i32
      %get3A_232 = tpu.memref_slice %arg13[%while3A_125, %get3A_231] : memref<128x128xi32, #tpu.memory_space<vmem>> -> memref<1x128xi32, #tpu.memory_space<vmem>>
      %get3A_233 = tpu.memref_squeeze %get3A_232 : memref<1x128xi32, #tpu.memory_space<vmem>> -> memref<128xi32, #tpu.memory_space<vmem>>
      %get3A_234 = arith.constant 96 : index
      %get3A_235 = tpu.vector_load %get3A_233[%get3A_234] {strides = array<i32>} : memref<128xi32, #tpu.memory_space<vmem>>, vector<16xi32>,
      %shift_right_arithmetic3A_236 = arith.constant 7 : i32
      %shift_right_arithmetic3A_237 = vector.broadcast %shift_right_arithmetic3A_236 : i32 to vector<16xi32>
      %shift_right_arithmetic3A_238 = arith.shrsi %get3A_235, %shift_right_arithmetic3A_237 : vector<16xi32>
      %shift_left3A_239 = arith.constant 10 : i32
      %shift_left3A_240 = vector.broadcast %shift_left3A_239 : i32 to vector<16xi32>
      %shift_left3A_241 = arith.shli %shift_right_arithmetic3A_238, %shift_left3A_240 : vector<16xi32>
      %and3A_242 = arith.constant 127 : i32
      %and3A_243 = vector.broadcast %and3A_242 : i32 to vector<16xi32>
      %and3A_244 = arith.andi %get3A_235, %and3A_243 : vector<16xi32>
      %add3A_245 = arith.addi %shift_left3A_241, %and3A_244 : vector<16xi32>
      %swap3A_246 = arith.constant 96 : index
      %swap3A_247 = tpu.vector_load %arg17[%swap3A_246] {strides = array<i32>} : memref<128xi32, #tpu.memory_space<vmem>>, vector<16xi32>,
      tpu.vector_store %arg17[%swap3A_246], %add3A_245 {strides = array<i32>} : memref<128xi32, #tpu.memory_space<vmem>>, vector<16xi32>,
      %get3A_248 = arith.constant 0 : i32
      %get3A_249 = tpu.memref_slice %arg13[%while3A_125, %get3A_248] : memref<128x128xi32, #tpu.memory_space<vmem>> -> memref<1x128xi32, #tpu.memory_space<vmem>>
      %get3A_250 = tpu.memref_squeeze %get3A_249 : memref<1x128xi32, #tpu.memory_space<vmem>> -> memref<128xi32, #tpu.memory_space<vmem>>
      %get3A_251 = arith.constant 112 : index
      %get3A_252 = tpu.vector_load %get3A_250[%get3A_251] {strides = array<i32>} : memref<128xi32, #tpu.memory_space<vmem>>, vector<16xi32>,
      %shift_right_arithmetic3A_253 = arith.constant 7 : i32
      %shift_right_arithmetic3A_254 = vector.broadcast %shift_right_arithmetic3A_253 : i32 to vector<16xi32>
      %shift_right_arithmetic3A_255 = arith.shrsi %get3A_252, %shift_right_arithmetic3A_254 : vector<16xi32>
      %shift_left3A_256 = arith.constant 10 : i32
      %shift_left3A_257 = vector.broadcast %shift_left3A_256 : i32 to vector<16xi32>
      %shift_left3A_258 = arith.shli %shift_right_arithmetic3A_255, %shift_left3A_257 : vector<16xi32>
      %and3A_259 = arith.constant 127 : i32
      %and3A_260 = vector.broadcast %and3A_259 : i32 to vector<16xi32>
      %and3A_261 = arith.andi %get3A_252, %and3A_260 : vector<16xi32>
      %add3A_262 = arith.addi %shift_left3A_258, %and3A_261 : vector<16xi32>
      %swap3A_263 = arith.constant 112 : index
      %swap3A_264 = tpu.vector_load %arg17[%swap3A_263] {strides = array<i32>} : memref<128xi32, #tpu.memory_space<vmem>>, vector<16xi32>,
      tpu.vector_store %arg17[%swap3A_263], %add3A_262 {strides = array<i32>} : memref<128xi32, #tpu.memory_space<vmem>>, vector<16xi32>,
      %scan3A_265 = arith.constant 0 : i32
      %scan3A_266 = arith.constant 0 : i32
      %scan3A_267 = arith.constant 32 : i32
      %scan3A_268 = arith.addi %scan3A_266, %scan3A_267 : i32
      %scan3A_269 = arith.constant 1 : i32
      %scan3A_270 = scf.for %scan3A_437 = %scan3A_266 to %scan3A_268 step %scan3A_269 iter_args(%scan3A_438 = %scan3A_265) -> (i32)  : i32 {
        %shift_right_arithmetic3A_439 = arith.constant 3 : i32
        %shift_right_arithmetic3A_440 = arith.shrsi %scan3A_437, %shift_right_arithmetic3A_439 : i32
        %mul3A_441 = arith.constant 8388608 : i32
        %mul3A_442 = arith.muli %shift_right_arithmetic3A_440, %mul3A_441 : i32
        %and3A_443 = arith.constant 7 : i32
        %and3A_444 = arith.andi %scan3A_437, %and3A_443 : i32
        %mul3A_445 = arith.constant 128 : i32
        %mul3A_446 = arith.muli %and3A_444, %mul3A_445 : i32
        %add3A_447 = arith.addi %mul3A_442, %mul3A_446 : i32
        %get3A_448 = arith.constant 0 : index
        %get3A_449 = tpu.vector_load %arg17[%get3A_448] {strides = array<i32>} : memref<128xi32, #tpu.memory_space<vmem>>, vector<16xi32>,
        %add3A_450 = vector.broadcast %add3A_447 : i32 to vector<16xi32>
        %add3A_451 = arith.addi %get3A_449, %add3A_450 : vector<16xi32>
        %mul3A_452 = arith.constant 128 : i32
        %mul3A_453 = arith.muli %scan3A_437, %mul3A_452 : i32
        %add3A_454 = arith.constant 0 : i32
        %add3A_455 = arith.addi %mul3A_453, %add3A_454 : i32
        %swap3A_456 = arith.index_cast %add3A_455 : i32 to index
        %swap3A_457 = tpu.vector_load %arg18[%swap3A_456] {strides = array<i32>} : memref<4096xi32, #tpu.memory_space<vmem>>, vector<16xi32>,
        tpu.vector_store %arg18[%swap3A_456], %add3A_451 {strides = array<i32>} : memref<4096xi32, #tpu.memory_space<vmem>>, vector<16xi32>,
        %get3A_458 = arith.constant 16 : index
        %get3A_459 = tpu.vector_load %arg17[%get3A_458] {strides = array<i32>} : memref<128xi32, #tpu.memory_space<vmem>>, vector<16xi32>,
        %add3A_460 = vector.broadcast %add3A_447 : i32 to vector<16xi32>
        %add3A_461 = arith.addi %get3A_459, %add3A_460 : vector<16xi32>
        %mul3A_462 = arith.constant 128 : i32
        %mul3A_463 = arith.muli %scan3A_437, %mul3A_462 : i32
        %add3A_464 = arith.constant 16 : i32
        %add3A_465 = arith.addi %mul3A_463, %add3A_464 : i32
        %swap3A_466 = arith.index_cast %add3A_465 : i32 to index
        %swap3A_467 = tpu.vector_load %arg18[%swap3A_466] {strides = array<i32>} : memref<4096xi32, #tpu.memory_space<vmem>>, vector<16xi32>,
        tpu.vector_store %arg18[%swap3A_466], %add3A_461 {strides = array<i32>} : memref<4096xi32, #tpu.memory_space<vmem>>, vector<16xi32>,
        %get3A_468 = arith.constant 32 : index
        %get3A_469 = tpu.vector_load %arg17[%get3A_468] {strides = array<i32>} : memref<128xi32, #tpu.memory_space<vmem>>, vector<16xi32>,
        %add3A_470 = vector.broadcast %add3A_447 : i32 to vector<16xi32>
        %add3A_471 = arith.addi %get3A_469, %add3A_470 : vector<16xi32>
        %mul3A_472 = arith.constant 128 : i32
        %mul3A_473 = arith.muli %scan3A_437, %mul3A_472 : i32
        %add3A_474 = arith.constant 32 : i32
        %add3A_475 = arith.addi %mul3A_473, %add3A_474 : i32
        %swap3A_476 = arith.index_cast %add3A_475 : i32 to index
        %swap3A_477 = tpu.vector_load %arg18[%swap3A_476] {strides = array<i32>} : memref<4096xi32, #tpu.memory_space<vmem>>, vector<16xi32>,
        tpu.vector_store %arg18[%swap3A_476], %add3A_471 {strides = array<i32>} : memref<4096xi32, #tpu.memory_space<vmem>>, vector<16xi32>,
        %get3A_478 = arith.constant 48 : index
        %get3A_479 = tpu.vector_load %arg17[%get3A_478] {strides = array<i32>} : memref<128xi32, #tpu.memory_space<vmem>>, vector<16xi32>,
        %add3A_480 = vector.broadcast %add3A_447 : i32 to vector<16xi32>
        %add3A_481 = arith.addi %get3A_479, %add3A_480 : vector<16xi32>
        %mul3A_482 = arith.constant 128 : i32
        %mul3A_483 = arith.muli %scan3A_437, %mul3A_482 : i32
        %add3A_484 = arith.constant 48 : i32
        %add3A_485 = arith.addi %mul3A_483, %add3A_484 : i32
        %swap3A_486 = arith.index_cast %add3A_485 : i32 to index
        %swap3A_487 = tpu.vector_load %arg18[%swap3A_486] {strides = array<i32>} : memref<4096xi32, #tpu.memory_space<vmem>>, vector<16xi32>,
        tpu.vector_store %arg18[%swap3A_486], %add3A_481 {strides = array<i32>} : memref<4096xi32, #tpu.memory_space<vmem>>, vector<16xi32>,
        %get3A_488 = arith.constant 64 : index
        %get3A_489 = tpu.vector_load %arg17[%get3A_488] {strides = array<i32>} : memref<128xi32, #tpu.memory_space<vmem>>, vector<16xi32>,
        %add3A_490 = vector.broadcast %add3A_447 : i32 to vector<16xi32>
        %add3A_491 = arith.addi %get3A_489, %add3A_490 : vector<16xi32>
        %mul3A_492 = arith.constant 128 : i32
        %mul3A_493 = arith.muli %scan3A_437, %mul3A_492 : i32
        %add3A_494 = arith.constant 64 : i32
        %add3A_495 = arith.addi %mul3A_493, %add3A_494 : i32
        %swap3A_496 = arith.index_cast %add3A_495 : i32 to index
        %swap3A_497 = tpu.vector_load %arg18[%swap3A_496] {strides = array<i32>} : memref<4096xi32, #tpu.memory_space<vmem>>, vector<16xi32>,
        tpu.vector_store %arg18[%swap3A_496], %add3A_491 {strides = array<i32>} : memref<4096xi32, #tpu.memory_space<vmem>>, vector<16xi32>,
        %get3A_498 = arith.constant 80 : index
        %get3A_499 = tpu.vector_load %arg17[%get3A_498] {strides = array<i32>} : memref<128xi32, #tpu.memory_space<vmem>>, vector<16xi32>,
        %add3A_500 = vector.broadcast %add3A_447 : i32 to vector<16xi32>
        %add3A_501 = arith.addi %get3A_499, %add3A_500 : vector<16xi32>
        %mul3A_502 = arith.constant 128 : i32
        %mul3A_503 = arith.muli %scan3A_437, %mul3A_502 : i32
        %add3A_504 = arith.constant 80 : i32
        %add3A_505 = arith.addi %mul3A_503, %add3A_504 : i32
        %swap3A_506 = arith.index_cast %add3A_505 : i32 to index
        %swap3A_507 = tpu.vector_load %arg18[%swap3A_506] {strides = array<i32>} : memref<4096xi32, #tpu.memory_space<vmem>>, vector<16xi32>,
        tpu.vector_store %arg18[%swap3A_506], %add3A_501 {strides = array<i32>} : memref<4096xi32, #tpu.memory_space<vmem>>, vector<16xi32>,
        %get3A_508 = arith.constant 96 : index
        %get3A_509 = tpu.vector_load %arg17[%get3A_508] {strides = array<i32>} : memref<128xi32, #tpu.memory_space<vmem>>, vector<16xi32>,
        %add3A_510 = vector.broadcast %add3A_447 : i32 to vector<16xi32>
        %add3A_511 = arith.addi %get3A_509, %add3A_510 : vector<16xi32>
        %mul3A_512 = arith.constant 128 : i32
        %mul3A_513 = arith.muli %scan3A_437, %mul3A_512 : i32
        %add3A_514 = arith.constant 96 : i32
        %add3A_515 = arith.addi %mul3A_513, %add3A_514 : i32
        %swap3A_516 = arith.index_cast %add3A_515 : i32 to index
        %swap3A_517 = tpu.vector_load %arg18[%swap3A_516] {strides = array<i32>} : memref<4096xi32, #tpu.memory_space<vmem>>, vector<16xi32>,
        tpu.vector_store %arg18[%swap3A_516], %add3A_511 {strides = array<i32>} : memref<4096xi32, #tpu.memory_space<vmem>>, vector<16xi32>,
        %get3A_518 = arith.constant 112 : index
        %get3A_519 = tpu.vector_load %arg17[%get3A_518] {strides = array<i32>} : memref<128xi32, #tpu.memory_space<vmem>>, vector<16xi32>,
        %add3A_520 = vector.broadcast %add3A_447 : i32 to vector<16xi32>
        %add3A_521 = arith.addi %get3A_519, %add3A_520 : vector<16xi32>
        %mul3A_522 = arith.constant 128 : i32
        %mul3A_523 = arith.muli %scan3A_437, %mul3A_522 : i32
        %add3A_524 = arith.constant 112 : i32
        %add3A_525 = arith.addi %mul3A_523, %add3A_524 : i32
        %swap3A_526 = arith.index_cast %add3A_525 : i32 to index
        %swap3A_527 = tpu.vector_load %arg18[%swap3A_526] {strides = array<i32>} : memref<4096xi32, #tpu.memory_space<vmem>>, vector<16xi32>,
        tpu.vector_store %arg18[%swap3A_526], %add3A_521 {strides = array<i32>} : memref<4096xi32, #tpu.memory_space<vmem>>, vector<16xi32>,
        %scan3A_528 = arith.constant 0 : i32
        scf.yield %scan3A_528 : i32
      }
      %scan3A_271 = arith.constant 32 : i32
      %scan3A_272 = arith.constant 0 : i32
      %scan3A_273 = arith.constant 0 : i32
      %scan3A_274 = arith.constant 16 : i32
      %scan3A_275 = arith.addi %scan3A_273, %scan3A_274 : i32
      %scan3A_276 = arith.constant 1 : i32
      %scan3A_277 = scf.for %scan3A_437 = %scan3A_273 to %scan3A_275 step %scan3A_276 iter_args(%scan3A_438 = %scan3A_272) -> (i32)  : i32 {
        %shift_right_arithmetic3A_439 = arith.constant 3 : i32
        %shift_right_arithmetic3A_440 = arith.shrsi %scan3A_437, %shift_right_arithmetic3A_439 : i32
        %mul3A_441 = arith.constant 8388608 : i32
        %mul3A_442 = arith.muli %shift_right_arithmetic3A_440, %mul3A_441 : i32
        %and3A_443 = arith.constant 7 : i32
        %and3A_444 = arith.andi %scan3A_437, %and3A_443 : i32
        %mul3A_445 = arith.constant 128 : i32
        %mul3A_446 = arith.muli %and3A_444, %mul3A_445 : i32
        %add3A_447 = arith.addi %mul3A_442, %mul3A_446 : i32
        %get3A_448 = arith.constant 0 : index
        %get3A_449 = tpu.vector_load %arg17[%get3A_448] {strides = array<i32>} : memref<128xi32, #tpu.memory_space<vmem>>, vector<16xi32>,
        %add3A_450 = vector.broadcast %add3A_447 : i32 to vector<16xi32>
        %add3A_451 = arith.addi %get3A_449, %add3A_450 : vector<16xi32>
        %mul3A_452 = arith.constant 128 : i32
        %mul3A_453 = arith.muli %scan3A_437, %mul3A_452 : i32
        %add3A_454 = arith.constant 0 : i32
        %add3A_455 = arith.addi %mul3A_453, %add3A_454 : i32
        %swap3A_456 = arith.index_cast %add3A_455 : i32 to index
        %swap3A_457 = tpu.vector_load %arg19[%swap3A_456] {strides = array<i32>} : memref<2048xi32, #tpu.memory_space<vmem>>, vector<16xi32>,
        tpu.vector_store %arg19[%swap3A_456], %add3A_451 {strides = array<i32>} : memref<2048xi32, #tpu.memory_space<vmem>>, vector<16xi32>,
        %get3A_458 = arith.constant 16 : index
        %get3A_459 = tpu.vector_load %arg17[%get3A_458] {strides = array<i32>} : memref<128xi32, #tpu.memory_space<vmem>>, vector<16xi32>,
        %add3A_460 = vector.broadcast %add3A_447 : i32 to vector<16xi32>
        %add3A_461 = arith.addi %get3A_459, %add3A_460 : vector<16xi32>
        %mul3A_462 = arith.constant 128 : i32
        %mul3A_463 = arith.muli %scan3A_437, %mul3A_462 : i32
        %add3A_464 = arith.constant 16 : i32
        %add3A_465 = arith.addi %mul3A_463, %add3A_464 : i32
        %swap3A_466 = arith.index_cast %add3A_465 : i32 to index
        %swap3A_467 = tpu.vector_load %arg19[%swap3A_466] {strides = array<i32>} : memref<2048xi32, #tpu.memory_space<vmem>>, vector<16xi32>,
        tpu.vector_store %arg19[%swap3A_466], %add3A_461 {strides = array<i32>} : memref<2048xi32, #tpu.memory_space<vmem>>, vector<16xi32>,
        %get3A_468 = arith.constant 32 : index
        %get3A_469 = tpu.vector_load %arg17[%get3A_468] {strides = array<i32>} : memref<128xi32, #tpu.memory_space<vmem>>, vector<16xi32>,
        %add3A_470 = vector.broadcast %add3A_447 : i32 to vector<16xi32>
        %add3A_471 = arith.addi %get3A_469, %add3A_470 : vector<16xi32>
        %mul3A_472 = arith.constant 128 : i32
        %mul3A_473 = arith.muli %scan3A_437, %mul3A_472 : i32
        %add3A_474 = arith.constant 32 : i32
        %add3A_475 = arith.addi %mul3A_473, %add3A_474 : i32
        %swap3A_476 = arith.index_cast %add3A_475 : i32 to index
        %swap3A_477 = tpu.vector_load %arg19[%swap3A_476] {strides = array<i32>} : memref<2048xi32, #tpu.memory_space<vmem>>, vector<16xi32>,
        tpu.vector_store %arg19[%swap3A_476], %add3A_471 {strides = array<i32>} : memref<2048xi32, #tpu.memory_space<vmem>>, vector<16xi32>,
        %get3A_478 = arith.constant 48 : index
        %get3A_479 = tpu.vector_load %arg17[%get3A_478] {strides = array<i32>} : memref<128xi32, #tpu.memory_space<vmem>>, vector<16xi32>,
        %add3A_480 = vector.broadcast %add3A_447 : i32 to vector<16xi32>
        %add3A_481 = arith.addi %get3A_479, %add3A_480 : vector<16xi32>
        %mul3A_482 = arith.constant 128 : i32
        %mul3A_483 = arith.muli %scan3A_437, %mul3A_482 : i32
        %add3A_484 = arith.constant 48 : i32
        %add3A_485 = arith.addi %mul3A_483, %add3A_484 : i32
        %swap3A_486 = arith.index_cast %add3A_485 : i32 to index
        %swap3A_487 = tpu.vector_load %arg19[%swap3A_486] {strides = array<i32>} : memref<2048xi32, #tpu.memory_space<vmem>>, vector<16xi32>,
        tpu.vector_store %arg19[%swap3A_486], %add3A_481 {strides = array<i32>} : memref<2048xi32, #tpu.memory_space<vmem>>, vector<16xi32>,
        %get3A_488 = arith.constant 64 : index
        %get3A_489 = tpu.vector_load %arg17[%get3A_488] {strides = array<i32>} : memref<128xi32, #tpu.memory_space<vmem>>, vector<16xi32>,
        %add3A_490 = vector.broadcast %add3A_447 : i32 to vector<16xi32>
        %add3A_491 = arith.addi %get3A_489, %add3A_490 : vector<16xi32>
        %mul3A_492 = arith.constant 128 : i32
        %mul3A_493 = arith.muli %scan3A_437, %mul3A_492 : i32
        %add3A_494 = arith.constant 64 : i32
        %add3A_495 = arith.addi %mul3A_493, %add3A_494 : i32
        %swap3A_496 = arith.index_cast %add3A_495 : i32 to index
        %swap3A_497 = tpu.vector_load %arg19[%swap3A_496] {strides = array<i32>} : memref<2048xi32, #tpu.memory_space<vmem>>, vector<16xi32>,
        tpu.vector_store %arg19[%swap3A_496], %add3A_491 {strides = array<i32>} : memref<2048xi32, #tpu.memory_space<vmem>>, vector<16xi32>,
        %get3A_498 = arith.constant 80 : index
        %get3A_499 = tpu.vector_load %arg17[%get3A_498] {strides = array<i32>} : memref<128xi32, #tpu.memory_space<vmem>>, vector<16xi32>,
        %add3A_500 = vector.broadcast %add3A_447 : i32 to vector<16xi32>
        %add3A_501 = arith.addi %get3A_499, %add3A_500 : vector<16xi32>
        %mul3A_502 = arith.constant 128 : i32
        %mul3A_503 = arith.muli %scan3A_437, %mul3A_502 : i32
        %add3A_504 = arith.constant 80 : i32
        %add3A_505 = arith.addi %mul3A_503, %add3A_504 : i32
        %swap3A_506 = arith.index_cast %add3A_505 : i32 to index
        %swap3A_507 = tpu.vector_load %arg19[%swap3A_506] {strides = array<i32>} : memref<2048xi32, #tpu.memory_space<vmem>>, vector<16xi32>,
        tpu.vector_store %arg19[%swap3A_506], %add3A_501 {strides = array<i32>} : memref<2048xi32, #tpu.memory_space<vmem>>, vector<16xi32>,
        %get3A_508 = arith.constant 96 : index
        %get3A_509 = tpu.vector_load %arg17[%get3A_508] {strides = array<i32>} : memref<128xi32, #tpu.memory_space<vmem>>, vector<16xi32>,
        %add3A_510 = vector.broadcast %add3A_447 : i32 to vector<16xi32>
        %add3A_511 = arith.addi %get3A_509, %add3A_510 : vector<16xi32>
        %mul3A_512 = arith.constant 128 : i32
        %mul3A_513 = arith.muli %scan3A_437, %mul3A_512 : i32
        %add3A_514 = arith.constant 96 : i32
        %add3A_515 = arith.addi %mul3A_513, %add3A_514 : i32
        %swap3A_516 = arith.index_cast %add3A_515 : i32 to index
        %swap3A_517 = tpu.vector_load %arg19[%swap3A_516] {strides = array<i32>} : memref<2048xi32, #tpu.memory_space<vmem>>, vector<16xi32>,
        tpu.vector_store %arg19[%swap3A_516], %add3A_511 {strides = array<i32>} : memref<2048xi32, #tpu.memory_space<vmem>>, vector<16xi32>,
        %get3A_518 = arith.constant 112 : index
        %get3A_519 = tpu.vector_load %arg17[%get3A_518] {strides = array<i32>} : memref<128xi32, #tpu.memory_space<vmem>>, vector<16xi32>,
        %add3A_520 = vector.broadcast %add3A_447 : i32 to vector<16xi32>
        %add3A_521 = arith.addi %get3A_519, %add3A_520 : vector<16xi32>
        %mul3A_522 = arith.constant 128 : i32
        %mul3A_523 = arith.muli %scan3A_437, %mul3A_522 : i32
        %add3A_524 = arith.constant 112 : i32
        %add3A_525 = arith.addi %mul3A_523, %add3A_524 : i32
        %swap3A_526 = arith.index_cast %add3A_525 : i32 to index
        %swap3A_527 = tpu.vector_load %arg19[%swap3A_526] {strides = array<i32>} : memref<2048xi32, #tpu.memory_space<vmem>>, vector<16xi32>,
        tpu.vector_store %arg19[%swap3A_526], %add3A_521 {strides = array<i32>} : memref<2048xi32, #tpu.memory_space<vmem>>, vector<16xi32>,
        %scan3A_528 = arith.constant 0 : i32
        scf.yield %scan3A_528 : i32
      }
      %scan3A_278 = arith.constant 16 : i32
      %dma_wait3A = arith.constant 0 : i32
      %dma_wait3A_279 = tpu.memref_slice %arg14[%while3A_125, %dma_wait3A] : memref<128x128xi32, #tpu.memory_space<vmem>> -> memref<1x128xi32, #tpu.memory_space<vmem>>
      %dma_wait3A_280 = tpu.memref_squeeze %dma_wait3A_279 : memref<1x128xi32, #tpu.memory_space<vmem>> -> memref<128xi32, #tpu.memory_space<vmem>>
      %dma_wait3A_281 = arith.constant 0 : i32
      %dma_wait3A_282 = arith.constant 0 : i32
      %dma_wait3A_283 = tpu.memref_slice %arg3[%dma_wait3A_281, %dma_wait3A_282] : memref<16384x128xi32, #tpu.memory_space<hbm>> -> memref<16384x128xi32, #tpu.memory_space<hbm>>
      tpu.wait_indirect_dma semaphore(%arg24 : memref<!tpu.dma_semaphore, #tpu.memory_space<semaphore_mem>>) src(%dma_wait3A_283 : memref<16384x128xi32, #tpu.memory_space<hbm>>) dst(%arg16 : memref<128x128xi32, #tpu.memory_space<vmem>>)
      %scan3A_284 = arith.constant 0 : i32
      %scan3A_285 = arith.constant 0 : i32
      %scan3A_286 = arith.constant 32 : i32
      %scan3A_287 = arith.addi %scan3A_285, %scan3A_286 : i32
      %scan3A_288 = arith.constant 1 : i32
      %scan3A_289 = scf.for %scan3A_437 = %scan3A_285 to %scan3A_287 step %scan3A_288 iter_args(%scan3A_438 = %scan3A_284) -> (i32)  : i32 {
        %broadcast_in_dim3A_439 = arith.constant 0 : i32
        %broadcast_in_dim3A_440 = vector.broadcast %broadcast_in_dim3A_439 : i32 to vector<16xi32>
        %add3A_441 = vector.broadcast %scan3A_437 : i32 to vector<16xi32>
        %add3A_442 = arith.addi %broadcast_in_dim3A_440, %add3A_441 : vector<16xi32>
        %iota3A_443 = tpu.iota {dimensions = array<i32: 0>} : vector<16xi32>
        %add3A_444 = arith.constant 0 : i32
        %add3A_445 = vector.broadcast %add3A_444 : i32 to vector<16xi32>
        %add3A_446 = arith.addi %add3A_445, %iota3A_443 : vector<16xi32>
        %gather3A_447 = tpu.vector_load_idx %arg16[%add3A_446, %add3A_442] : memref<128x128xi32, #tpu.memory_space<vmem>>[vector<16xi32>, vector<16xi32>], vector<16xi32>,
        %mul3A_448 = arith.constant 128 : i32
        %mul3A_449 = arith.muli %scan3A_437, %mul3A_448 : i32
        %add3A_450 = arith.constant 0 : i32
        %add3A_451 = arith.addi %mul3A_449, %add3A_450 : i32
        %swap3A_452 = arith.index_cast %add3A_451 : i32 to index
        %swap3A_453 = tpu.vector_load %arg20[%swap3A_452] {strides = array<i32>} : memref<4096xi32, #tpu.memory_space<vmem>>, vector<16xi32>,
        tpu.vector_store %arg20[%swap3A_452], %gather3A_447 {strides = array<i32>} : memref<4096xi32, #tpu.memory_space<vmem>>, vector<16xi32>,
        %iota3A_454 = tpu.iota {dimensions = array<i32: 0>} : vector<16xi32>
        %add3A_455 = arith.constant 16 : i32
        %add3A_456 = vector.broadcast %add3A_455 : i32 to vector<16xi32>
        %add3A_457 = arith.addi %add3A_456, %iota3A_454 : vector<16xi32>
        %gather3A_458 = tpu.vector_load_idx %arg16[%add3A_457, %add3A_442] : memref<128x128xi32, #tpu.memory_space<vmem>>[vector<16xi32>, vector<16xi32>], vector<16xi32>,
        %mul3A_459 = arith.constant 128 : i32
        %mul3A_460 = arith.muli %scan3A_437, %mul3A_459 : i32
        %add3A_461 = arith.constant 16 : i32
        %add3A_462 = arith.addi %mul3A_460, %add3A_461 : i32
        %swap3A_463 = arith.index_cast %add3A_462 : i32 to index
        %swap3A_464 = tpu.vector_load %arg20[%swap3A_463] {strides = array<i32>} : memref<4096xi32, #tpu.memory_space<vmem>>, vector<16xi32>,
        tpu.vector_store %arg20[%swap3A_463], %gather3A_458 {strides = array<i32>} : memref<4096xi32, #tpu.memory_space<vmem>>, vector<16xi32>,
        %iota3A_465 = tpu.iota {dimensions = array<i32: 0>} : vector<16xi32>
        %add3A_466 = arith.constant 32 : i32
        %add3A_467 = vector.broadcast %add3A_466 : i32 to vector<16xi32>
        %add3A_468 = arith.addi %add3A_467, %iota3A_465 : vector<16xi32>
        %gather3A_469 = tpu.vector_load_idx %arg16[%add3A_468, %add3A_442] : memref<128x128xi32, #tpu.memory_space<vmem>>[vector<16xi32>, vector<16xi32>], vector<16xi32>,
        %mul3A_470 = arith.constant 128 : i32
        %mul3A_471 = arith.muli %scan3A_437, %mul3A_470 : i32
        %add3A_472 = arith.constant 32 : i32
        %add3A_473 = arith.addi %mul3A_471, %add3A_472 : i32
        %swap3A_474 = arith.index_cast %add3A_473 : i32 to index
        %swap3A_475 = tpu.vector_load %arg20[%swap3A_474] {strides = array<i32>} : memref<4096xi32, #tpu.memory_space<vmem>>, vector<16xi32>,
        tpu.vector_store %arg20[%swap3A_474], %gather3A_469 {strides = array<i32>} : memref<4096xi32, #tpu.memory_space<vmem>>, vector<16xi32>,
        %iota3A_476 = tpu.iota {dimensions = array<i32: 0>} : vector<16xi32>
        %add3A_477 = arith.constant 48 : i32
        %add3A_478 = vector.broadcast %add3A_477 : i32 to vector<16xi32>
        %add3A_479 = arith.addi %add3A_478, %iota3A_476 : vector<16xi32>
        %gather3A_480 = tpu.vector_load_idx %arg16[%add3A_479, %add3A_442] : memref<128x128xi32, #tpu.memory_space<vmem>>[vector<16xi32>, vector<16xi32>], vector<16xi32>,
        %mul3A_481 = arith.constant 128 : i32
        %mul3A_482 = arith.muli %scan3A_437, %mul3A_481 : i32
        %add3A_483 = arith.constant 48 : i32
        %add3A_484 = arith.addi %mul3A_482, %add3A_483 : i32
        %swap3A_485 = arith.index_cast %add3A_484 : i32 to index
        %swap3A_486 = tpu.vector_load %arg20[%swap3A_485] {strides = array<i32>} : memref<4096xi32, #tpu.memory_space<vmem>>, vector<16xi32>,
        tpu.vector_store %arg20[%swap3A_485], %gather3A_480 {strides = array<i32>} : memref<4096xi32, #tpu.memory_space<vmem>>, vector<16xi32>,
        %iota3A_487 = tpu.iota {dimensions = array<i32: 0>} : vector<16xi32>
        %add3A_488 = arith.constant 64 : i32
        %add3A_489 = vector.broadcast %add3A_488 : i32 to vector<16xi32>
        %add3A_490 = arith.addi %add3A_489, %iota3A_487 : vector<16xi32>
        %gather3A_491 = tpu.vector_load_idx %arg16[%add3A_490, %add3A_442] : memref<128x128xi32, #tpu.memory_space<vmem>>[vector<16xi32>, vector<16xi32>], vector<16xi32>,
        %mul3A_492 = arith.constant 128 : i32
        %mul3A_493 = arith.muli %scan3A_437, %mul3A_492 : i32
        %add3A_494 = arith.constant 64 : i32
        %add3A_495 = arith.addi %mul3A_493, %add3A_494 : i32
        %swap3A_496 = arith.index_cast %add3A_495 : i32 to index
        %swap3A_497 = tpu.vector_load %arg20[%swap3A_496] {strides = array<i32>} : memref<4096xi32, #tpu.memory_space<vmem>>, vector<16xi32>,
        tpu.vector_store %arg20[%swap3A_496], %gather3A_491 {strides = array<i32>} : memref<4096xi32, #tpu.memory_space<vmem>>, vector<16xi32>,
        %iota3A_498 = tpu.iota {dimensions = array<i32: 0>} : vector<16xi32>
        %add3A_499 = arith.constant 80 : i32
        %add3A_500 = vector.broadcast %add3A_499 : i32 to vector<16xi32>
        %add3A_501 = arith.addi %add3A_500, %iota3A_498 : vector<16xi32>
        %gather3A_502 = tpu.vector_load_idx %arg16[%add3A_501, %add3A_442] : memref<128x128xi32, #tpu.memory_space<vmem>>[vector<16xi32>, vector<16xi32>], vector<16xi32>,
        %mul3A_503 = arith.constant 128 : i32
        %mul3A_504 = arith.muli %scan3A_437, %mul3A_503 : i32
        %add3A_505 = arith.constant 80 : i32
        %add3A_506 = arith.addi %mul3A_504, %add3A_505 : i32
        %swap3A_507 = arith.index_cast %add3A_506 : i32 to index
        %swap3A_508 = tpu.vector_load %arg20[%swap3A_507] {strides = array<i32>} : memref<4096xi32, #tpu.memory_space<vmem>>, vector<16xi32>,
        tpu.vector_store %arg20[%swap3A_507], %gather3A_502 {strides = array<i32>} : memref<4096xi32, #tpu.memory_space<vmem>>, vector<16xi32>,
        %iota3A_509 = tpu.iota {dimensions = array<i32: 0>} : vector<16xi32>
        %add3A_510 = arith.constant 96 : i32
        %add3A_511 = vector.broadcast %add3A_510 : i32 to vector<16xi32>
        %add3A_512 = arith.addi %add3A_511, %iota3A_509 : vector<16xi32>
        %gather3A_513 = tpu.vector_load_idx %arg16[%add3A_512, %add3A_442] : memref<128x128xi32, #tpu.memory_space<vmem>>[vector<16xi32>, vector<16xi32>], vector<16xi32>,
        %mul3A_514 = arith.constant 128 : i32
        %mul3A_515 = arith.muli %scan3A_437, %mul3A_514 : i32
        %add3A_516 = arith.constant 96 : i32
        %add3A_517 = arith.addi %mul3A_515, %add3A_516 : i32
        %swap3A_518 = arith.index_cast %add3A_517 : i32 to index
        %swap3A_519 = tpu.vector_load %arg20[%swap3A_518] {strides = array<i32>} : memref<4096xi32, #tpu.memory_space<vmem>>, vector<16xi32>,
        tpu.vector_store %arg20[%swap3A_518], %gather3A_513 {strides = array<i32>} : memref<4096xi32, #tpu.memory_space<vmem>>, vector<16xi32>,
        %iota3A_520 = tpu.iota {dimensions = array<i32: 0>} : vector<16xi32>
        %add3A_521 = arith.constant 112 : i32
        %add3A_522 = vector.broadcast %add3A_521 : i32 to vector<16xi32>
        %add3A_523 = arith.addi %add3A_522, %iota3A_520 : vector<16xi32>
        %gather3A_524 = tpu.vector_load_idx %arg16[%add3A_523, %add3A_442] : memref<128x128xi32, #tpu.memory_space<vmem>>[vector<16xi32>, vector<16xi32>], vector<16xi32>,
        %mul3A_525 = arith.constant 128 : i32
        %mul3A_526 = arith.muli %scan3A_437, %mul3A_525 : i32
        %add3A_527 = arith.constant 112 : i32
        %add3A_528 = arith.addi %mul3A_526, %add3A_527 : i32
        %swap3A_529 = arith.index_cast %add3A_528 : i32 to index
        %swap3A_530 = tpu.vector_load %arg20[%swap3A_529] {strides = array<i32>} : memref<4096xi32, #tpu.memory_space<vmem>>, vector<16xi32>,
        tpu.vector_store %arg20[%swap3A_529], %gather3A_524 {strides = array<i32>} : memref<4096xi32, #tpu.memory_space<vmem>>, vector<16xi32>,
        %scan3A_531 = arith.constant 0 : i32
        scf.yield %scan3A_531 : i32
      }
      %scan3A_290 = arith.constant 32 : i32
      %scan3A_291 = arith.constant 0 : i32
      %scan3A_292 = arith.constant 0 : i32
      %scan3A_293 = arith.constant 16 : i32
      %scan3A_294 = arith.addi %scan3A_292, %scan3A_293 : i32
      %scan3A_295 = arith.constant 1 : i32
      %scan3A_296 = scf.for %scan3A_437 = %scan3A_292 to %scan3A_294 step %scan3A_295 iter_args(%scan3A_438 = %scan3A_291) -> (i32)  : i32 {
        %broadcast_in_dim3A_439 = arith.constant 32 : i32
        %broadcast_in_dim3A_440 = vector.broadcast %broadcast_in_dim3A_439 : i32 to vector<16xi32>
        %add3A_441 = vector.broadcast %scan3A_437 : i32 to vector<16xi32>
        %add3A_442 = arith.addi %broadcast_in_dim3A_440, %add3A_441 : vector<16xi32>
        %iota3A_443 = tpu.iota {dimensions = array<i32: 0>} : vector<16xi32>
        %add3A_444 = arith.constant 0 : i32
        %add3A_445 = vector.broadcast %add3A_444 : i32 to vector<16xi32>
        %add3A_446 = arith.addi %add3A_445, %iota3A_443 : vector<16xi32>
        %gather3A_447 = tpu.vector_load_idx %arg16[%add3A_446, %add3A_442] : memref<128x128xi32, #tpu.memory_space<vmem>>[vector<16xi32>, vector<16xi32>], vector<16xi32>,
        %mul3A_448 = arith.constant 128 : i32
        %mul3A_449 = arith.muli %scan3A_437, %mul3A_448 : i32
        %add3A_450 = arith.constant 0 : i32
        %add3A_451 = arith.addi %mul3A_449, %add3A_450 : i32
        %swap3A_452 = arith.index_cast %add3A_451 : i32 to index
        %swap3A_453 = tpu.vector_load %arg21[%swap3A_452] {strides = array<i32>} : memref<2048xi32, #tpu.memory_space<vmem>>, vector<16xi32>,
        tpu.vector_store %arg21[%swap3A_452], %gather3A_447 {strides = array<i32>} : memref<2048xi32, #tpu.memory_space<vmem>>, vector<16xi32>,
        %iota3A_454 = tpu.iota {dimensions = array<i32: 0>} : vector<16xi32>
        %add3A_455 = arith.constant 16 : i32
        %add3A_456 = vector.broadcast %add3A_455 : i32 to vector<16xi32>
        %add3A_457 = arith.addi %add3A_456, %iota3A_454 : vector<16xi32>
        %gather3A_458 = tpu.vector_load_idx %arg16[%add3A_457, %add3A_442] : memref<128x128xi32, #tpu.memory_space<vmem>>[vector<16xi32>, vector<16xi32>], vector<16xi32>,
        %mul3A_459 = arith.constant 128 : i32
        %mul3A_460 = arith.muli %scan3A_437, %mul3A_459 : i32
        %add3A_461 = arith.constant 16 : i32
        %add3A_462 = arith.addi %mul3A_460, %add3A_461 : i32
        %swap3A_463 = arith.index_cast %add3A_462 : i32 to index
        %swap3A_464 = tpu.vector_load %arg21[%swap3A_463] {strides = array<i32>} : memref<2048xi32, #tpu.memory_space<vmem>>, vector<16xi32>,
        tpu.vector_store %arg21[%swap3A_463], %gather3A_458 {strides = array<i32>} : memref<2048xi32, #tpu.memory_space<vmem>>, vector<16xi32>,
        %iota3A_465 = tpu.iota {dimensions = array<i32: 0>} : vector<16xi32>
        %add3A_466 = arith.constant 32 : i32
        %add3A_467 = vector.broadcast %add3A_466 : i32 to vector<16xi32>
        %add3A_468 = arith.addi %add3A_467, %iota3A_465 : vector<16xi32>
        %gather3A_469 = tpu.vector_load_idx %arg16[%add3A_468, %add3A_442] : memref<128x128xi32, #tpu.memory_space<vmem>>[vector<16xi32>, vector<16xi32>], vector<16xi32>,
        %mul3A_470 = arith.constant 128 : i32
        %mul3A_471 = arith.muli %scan3A_437, %mul3A_470 : i32
        %add3A_472 = arith.constant 32 : i32
        %add3A_473 = arith.addi %mul3A_471, %add3A_472 : i32
        %swap3A_474 = arith.index_cast %add3A_473 : i32 to index
        %swap3A_475 = tpu.vector_load %arg21[%swap3A_474] {strides = array<i32>} : memref<2048xi32, #tpu.memory_space<vmem>>, vector<16xi32>,
        tpu.vector_store %arg21[%swap3A_474], %gather3A_469 {strides = array<i32>} : memref<2048xi32, #tpu.memory_space<vmem>>, vector<16xi32>,
        %iota3A_476 = tpu.iota {dimensions = array<i32: 0>} : vector<16xi32>
        %add3A_477 = arith.constant 48 : i32
        %add3A_478 = vector.broadcast %add3A_477 : i32 to vector<16xi32>
        %add3A_479 = arith.addi %add3A_478, %iota3A_476 : vector<16xi32>
        %gather3A_480 = tpu.vector_load_idx %arg16[%add3A_479, %add3A_442] : memref<128x128xi32, #tpu.memory_space<vmem>>[vector<16xi32>, vector<16xi32>], vector<16xi32>,
        %mul3A_481 = arith.constant 128 : i32
        %mul3A_482 = arith.muli %scan3A_437, %mul3A_481 : i32
        %add3A_483 = arith.constant 48 : i32
        %add3A_484 = arith.addi %mul3A_482, %add3A_483 : i32
        %swap3A_485 = arith.index_cast %add3A_484 : i32 to index
        %swap3A_486 = tpu.vector_load %arg21[%swap3A_485] {strides = array<i32>} : memref<2048xi32, #tpu.memory_space<vmem>>, vector<16xi32>,
        tpu.vector_store %arg21[%swap3A_485], %gather3A_480 {strides = array<i32>} : memref<2048xi32, #tpu.memory_space<vmem>>, vector<16xi32>,
        %iota3A_487 = tpu.iota {dimensions = array<i32: 0>} : vector<16xi32>
        %add3A_488 = arith.constant 64 : i32
        %add3A_489 = vector.broadcast %add3A_488 : i32 to vector<16xi32>
        %add3A_490 = arith.addi %add3A_489, %iota3A_487 : vector<16xi32>
        %gather3A_491 = tpu.vector_load_idx %arg16[%add3A_490, %add3A_442] : memref<128x128xi32, #tpu.memory_space<vmem>>[vector<16xi32>, vector<16xi32>], vector<16xi32>,
        %mul3A_492 = arith.constant 128 : i32
        %mul3A_493 = arith.muli %scan3A_437, %mul3A_492 : i32
        %add3A_494 = arith.constant 64 : i32
        %add3A_495 = arith.addi %mul3A_493, %add3A_494 : i32
        %swap3A_496 = arith.index_cast %add3A_495 : i32 to index
        %swap3A_497 = tpu.vector_load %arg21[%swap3A_496] {strides = array<i32>} : memref<2048xi32, #tpu.memory_space<vmem>>, vector<16xi32>,
        tpu.vector_store %arg21[%swap3A_496], %gather3A_491 {strides = array<i32>} : memref<2048xi32, #tpu.memory_space<vmem>>, vector<16xi32>,
        %iota3A_498 = tpu.iota {dimensions = array<i32: 0>} : vector<16xi32>
        %add3A_499 = arith.constant 80 : i32
        %add3A_500 = vector.broadcast %add3A_499 : i32 to vector<16xi32>
        %add3A_501 = arith.addi %add3A_500, %iota3A_498 : vector<16xi32>
        %gather3A_502 = tpu.vector_load_idx %arg16[%add3A_501, %add3A_442] : memref<128x128xi32, #tpu.memory_space<vmem>>[vector<16xi32>, vector<16xi32>], vector<16xi32>,
        %mul3A_503 = arith.constant 128 : i32
        %mul3A_504 = arith.muli %scan3A_437, %mul3A_503 : i32
        %add3A_505 = arith.constant 80 : i32
        %add3A_506 = arith.addi %mul3A_504, %add3A_505 : i32
        %swap3A_507 = arith.index_cast %add3A_506 : i32 to index
        %swap3A_508 = tpu.vector_load %arg21[%swap3A_507] {strides = array<i32>} : memref<2048xi32, #tpu.memory_space<vmem>>, vector<16xi32>,
        tpu.vector_store %arg21[%swap3A_507], %gather3A_502 {strides = array<i32>} : memref<2048xi32, #tpu.memory_space<vmem>>, vector<16xi32>,
        %iota3A_509 = tpu.iota {dimensions = array<i32: 0>} : vector<16xi32>
        %add3A_510 = arith.constant 96 : i32
        %add3A_511 = vector.broadcast %add3A_510 : i32 to vector<16xi32>
        %add3A_512 = arith.addi %add3A_511, %iota3A_509 : vector<16xi32>
        %gather3A_513 = tpu.vector_load_idx %arg16[%add3A_512, %add3A_442] : memref<128x128xi32, #tpu.memory_space<vmem>>[vector<16xi32>, vector<16xi32>], vector<16xi32>,
        %mul3A_514 = arith.constant 128 : i32
        %mul3A_515 = arith.muli %scan3A_437, %mul3A_514 : i32
        %add3A_516 = arith.constant 96 : i32
        %add3A_517 = arith.addi %mul3A_515, %add3A_516 : i32
        %swap3A_518 = arith.index_cast %add3A_517 : i32 to index
        %swap3A_519 = tpu.vector_load %arg21[%swap3A_518] {strides = array<i32>} : memref<2048xi32, #tpu.memory_space<vmem>>, vector<16xi32>,
        tpu.vector_store %arg21[%swap3A_518], %gather3A_513 {strides = array<i32>} : memref<2048xi32, #tpu.memory_space<vmem>>, vector<16xi32>,
        %iota3A_520 = tpu.iota {dimensions = array<i32: 0>} : vector<16xi32>
        %add3A_521 = arith.constant 112 : i32
        %add3A_522 = vector.broadcast %add3A_521 : i32 to vector<16xi32>
        %add3A_523 = arith.addi %add3A_522, %iota3A_520 : vector<16xi32>
        %gather3A_524 = tpu.vector_load_idx %arg16[%add3A_523, %add3A_442] : memref<128x128xi32, #tpu.memory_space<vmem>>[vector<16xi32>, vector<16xi32>], vector<16xi32>,
        %mul3A_525 = arith.constant 128 : i32
        %mul3A_526 = arith.muli %scan3A_437, %mul3A_525 : i32
        %add3A_527 = arith.constant 112 : i32
        %add3A_528 = arith.addi %mul3A_526, %add3A_527 : i32
        %swap3A_529 = arith.index_cast %add3A_528 : i32 to index
        %swap3A_530 = tpu.vector_load %arg21[%swap3A_529] {strides = array<i32>} : memref<2048xi32, #tpu.memory_space<vmem>>, vector<16xi32>,
        tpu.vector_store %arg21[%swap3A_529], %gather3A_524 {strides = array<i32>} : memref<2048xi32, #tpu.memory_space<vmem>>, vector<16xi32>,
        %scan3A_531 = arith.constant 0 : i32
        scf.yield %scan3A_531 : i32
      }
      %scan3A_297 = arith.constant 16 : i32
      %iota3A = tpu.iota {dimensions = array<i32: 0>} : vector<16xi32>
      %add3A_298 = arith.constant 0 : i32
      %add3A_299 = vector.broadcast %add3A_298 : i32 to vector<16xi32>
      %add3A_300 = arith.addi %add3A_299, %iota3A : vector<16xi32>
      %broadcast_in_dim3A_301 = arith.constant 48 : i32
      %broadcast_in_dim3A_302 = vector.broadcast %broadcast_in_dim3A_301 : i32 to vector<16xi32>
      %gather3A = tpu.vector_load_idx %arg16[%add3A_300, %broadcast_in_dim3A_302] : memref<128x128xi32, #tpu.memory_space<vmem>>[vector<16xi32>, vector<16xi32>], vector<16xi32>,
      %swap3A_303 = arith.constant 0 : index
      %swap3A_304 = tpu.vector_load %arg22[%swap3A_303] {strides = array<i32>} : memref<128xi32, #tpu.memory_space<vmem>>, vector<16xi32>,
      tpu.vector_store %arg22[%swap3A_303], %gather3A {strides = array<i32>} : memref<128xi32, #tpu.memory_space<vmem>>, vector<16xi32>,
      %broadcast_in_dim3A_305 = arith.constant 49 : i32
      %broadcast_in_dim3A_306 = vector.broadcast %broadcast_in_dim3A_305 : i32 to vector<16xi32>
      %gather3A_307 = tpu.vector_load_idx %arg16[%add3A_300, %broadcast_in_dim3A_306] : memref<128x128xi32, #tpu.memory_space<vmem>>[vector<16xi32>, vector<16xi32>], vector<16xi32>,
      %swap3A_308 = arith.constant 0 : index
      %swap3A_309 = tpu.vector_load %arg23[%swap3A_308] {strides = array<i32>} : memref<128xi32, #tpu.memory_space<vmem>>, vector<16xi32>,
      tpu.vector_store %arg23[%swap3A_308], %gather3A_307 {strides = array<i32>} : memref<128xi32, #tpu.memory_space<vmem>>, vector<16xi32>,
      %iota3A_310 = tpu.iota {dimensions = array<i32: 0>} : vector<16xi32>
      %add3A_311 = arith.constant 16 : i32
      %add3A_312 = vector.broadcast %add3A_311 : i32 to vector<16xi32>
      %add3A_313 = arith.addi %add3A_312, %iota3A_310 : vector<16xi32>
      %broadcast_in_dim3A_314 = arith.constant 48 : i32
      %broadcast_in_dim3A_315 = vector.broadcast %broadcast_in_dim3A_314 : i32 to vector<16xi32>
      %gather3A_316 = tpu.vector_load_idx %arg16[%add3A_313, %broadcast_in_dim3A_315] : memref<128x128xi32, #tpu.memory_space<vmem>>[vector<16xi32>, vector<16xi32>], vector<16xi32>,
      %swap3A_317 = arith.constant 16 : index
      %swap3A_318 = tpu.vector_load %arg22[%swap3A_317] {strides = array<i32>} : memref<128xi32, #tpu.memory_space<vmem>>, vector<16xi32>,
      tpu.vector_store %arg22[%swap3A_317], %gather3A_316 {strides = array<i32>} : memref<128xi32, #tpu.memory_space<vmem>>, vector<16xi32>,
      %broadcast_in_dim3A_319 = arith.constant 49 : i32
      %broadcast_in_dim3A_320 = vector.broadcast %broadcast_in_dim3A_319 : i32 to vector<16xi32>
      %gather3A_321 = tpu.vector_load_idx %arg16[%add3A_313, %broadcast_in_dim3A_320] : memref<128x128xi32, #tpu.memory_space<vmem>>[vector<16xi32>, vector<16xi32>], vector<16xi32>,
      %swap3A_322 = arith.constant 16 : index
      %swap3A_323 = tpu.vector_load %arg23[%swap3A_322] {strides = array<i32>} : memref<128xi32, #tpu.memory_space<vmem>>, vector<16xi32>,
      tpu.vector_store %arg23[%swap3A_322], %gather3A_321 {strides = array<i32>} : memref<128xi32, #tpu.memory_space<vmem>>, vector<16xi32>,
      %iota3A_324 = tpu.iota {dimensions = array<i32: 0>} : vector<16xi32>
      %add3A_325 = arith.constant 32 : i32
      %add3A_326 = vector.broadcast %add3A_325 : i32 to vector<16xi32>
      %add3A_327 = arith.addi %add3A_326, %iota3A_324 : vector<16xi32>
      %broadcast_in_dim3A_328 = arith.constant 48 : i32
      %broadcast_in_dim3A_329 = vector.broadcast %broadcast_in_dim3A_328 : i32 to vector<16xi32>
      %gather3A_330 = tpu.vector_load_idx %arg16[%add3A_327, %broadcast_in_dim3A_329] : memref<128x128xi32, #tpu.memory_space<vmem>>[vector<16xi32>, vector<16xi32>], vector<16xi32>,
      %swap3A_331 = arith.constant 32 : index
      %swap3A_332 = tpu.vector_load %arg22[%swap3A_331] {strides = array<i32>} : memref<128xi32, #tpu.memory_space<vmem>>, vector<16xi32>,
      tpu.vector_store %arg22[%swap3A_331], %gather3A_330 {strides = array<i32>} : memref<128xi32, #tpu.memory_space<vmem>>, vector<16xi32>,
      %broadcast_in_dim3A_333 = arith.constant 49 : i32
      %broadcast_in_dim3A_334 = vector.broadcast %broadcast_in_dim3A_333 : i32 to vector<16xi32>
      %gather3A_335 = tpu.vector_load_idx %arg16[%add3A_327, %broadcast_in_dim3A_334] : memref<128x128xi32, #tpu.memory_space<vmem>>[vector<16xi32>, vector<16xi32>], vector<16xi32>,
      %swap3A_336 = arith.constant 32 : index
      %swap3A_337 = tpu.vector_load %arg23[%swap3A_336] {strides = array<i32>} : memref<128xi32, #tpu.memory_space<vmem>>, vector<16xi32>,
      tpu.vector_store %arg23[%swap3A_336], %gather3A_335 {strides = array<i32>} : memref<128xi32, #tpu.memory_space<vmem>>, vector<16xi32>,
      %iota3A_338 = tpu.iota {dimensions = array<i32: 0>} : vector<16xi32>
      %add3A_339 = arith.constant 48 : i32
      %add3A_340 = vector.broadcast %add3A_339 : i32 to vector<16xi32>
      %add3A_341 = arith.addi %add3A_340, %iota3A_338 : vector<16xi32>
      %broadcast_in_dim3A_342 = arith.constant 48 : i32
      %broadcast_in_dim3A_343 = vector.broadcast %broadcast_in_dim3A_342 : i32 to vector<16xi32>
      %gather3A_344 = tpu.vector_load_idx %arg16[%add3A_341, %broadcast_in_dim3A_343] : memref<128x128xi32, #tpu.memory_space<vmem>>[vector<16xi32>, vector<16xi32>], vector<16xi32>,
      %swap3A_345 = arith.constant 48 : index
      %swap3A_346 = tpu.vector_load %arg22[%swap3A_345] {strides = array<i32>} : memref<128xi32, #tpu.memory_space<vmem>>, vector<16xi32>,
      tpu.vector_store %arg22[%swap3A_345], %gather3A_344 {strides = array<i32>} : memref<128xi32, #tpu.memory_space<vmem>>, vector<16xi32>,
      %broadcast_in_dim3A_347 = arith.constant 49 : i32
      %broadcast_in_dim3A_348 = vector.broadcast %broadcast_in_dim3A_347 : i32 to vector<16xi32>
      %gather3A_349 = tpu.vector_load_idx %arg16[%add3A_341, %broadcast_in_dim3A_348] : memref<128x128xi32, #tpu.memory_space<vmem>>[vector<16xi32>, vector<16xi32>], vector<16xi32>,
      %swap3A_350 = arith.constant 48 : index
      %swap3A_351 = tpu.vector_load %arg23[%swap3A_350] {strides = array<i32>} : memref<128xi32, #tpu.memory_space<vmem>>, vector<16xi32>,
      tpu.vector_store %arg23[%swap3A_350], %gather3A_349 {strides = array<i32>} : memref<128xi32, #tpu.memory_space<vmem>>, vector<16xi32>,
      %iota3A_352 = tpu.iota {dimensions = array<i32: 0>} : vector<16xi32>
      %add3A_353 = arith.constant 64 : i32
      %add3A_354 = vector.broadcast %add3A_353 : i32 to vector<16xi32>
      %add3A_355 = arith.addi %add3A_354, %iota3A_352 : vector<16xi32>
      %broadcast_in_dim3A_356 = arith.constant 48 : i32
      %broadcast_in_dim3A_357 = vector.broadcast %broadcast_in_dim3A_356 : i32 to vector<16xi32>
      %gather3A_358 = tpu.vector_load_idx %arg16[%add3A_355, %broadcast_in_dim3A_357] : memref<128x128xi32, #tpu.memory_space<vmem>>[vector<16xi32>, vector<16xi32>], vector<16xi32>,
      %swap3A_359 = arith.constant 64 : index
      %swap3A_360 = tpu.vector_load %arg22[%swap3A_359] {strides = array<i32>} : memref<128xi32, #tpu.memory_space<vmem>>, vector<16xi32>,
      tpu.vector_store %arg22[%swap3A_359], %gather3A_358 {strides = array<i32>} : memref<128xi32, #tpu.memory_space<vmem>>, vector<16xi32>,
      %broadcast_in_dim3A_361 = arith.constant 49 : i32
      %broadcast_in_dim3A_362 = vector.broadcast %broadcast_in_dim3A_361 : i32 to vector<16xi32>
      %gather3A_363 = tpu.vector_load_idx %arg16[%add3A_355, %broadcast_in_dim3A_362] : memref<128x128xi32, #tpu.memory_space<vmem>>[vector<16xi32>, vector<16xi32>], vector<16xi32>,
      %swap3A_364 = arith.constant 64 : index
      %swap3A_365 = tpu.vector_load %arg23[%swap3A_364] {strides = array<i32>} : memref<128xi32, #tpu.memory_space<vmem>>, vector<16xi32>,
      tpu.vector_store %arg23[%swap3A_364], %gather3A_363 {strides = array<i32>} : memref<128xi32, #tpu.memory_space<vmem>>, vector<16xi32>,
      %iota3A_366 = tpu.iota {dimensions = array<i32: 0>} : vector<16xi32>
      %add3A_367 = arith.constant 80 : i32
      %add3A_368 = vector.broadcast %add3A_367 : i32 to vector<16xi32>
      %add3A_369 = arith.addi %add3A_368, %iota3A_366 : vector<16xi32>
      %broadcast_in_dim3A_370 = arith.constant 48 : i32
      %broadcast_in_dim3A_371 = vector.broadcast %broadcast_in_dim3A_370 : i32 to vector<16xi32>
      %gather3A_372 = tpu.vector_load_idx %arg16[%add3A_369, %broadcast_in_dim3A_371] : memref<128x128xi32, #tpu.memory_space<vmem>>[vector<16xi32>, vector<16xi32>], vector<16xi32>,
      %swap3A_373 = arith.constant 80 : index
      %swap3A_374 = tpu.vector_load %arg22[%swap3A_373] {strides = array<i32>} : memref<128xi32, #tpu.memory_space<vmem>>, vector<16xi32>,
      tpu.vector_store %arg22[%swap3A_373], %gather3A_372 {strides = array<i32>} : memref<128xi32, #tpu.memory_space<vmem>>, vector<16xi32>,
      %broadcast_in_dim3A_375 = arith.constant 49 : i32
      %broadcast_in_dim3A_376 = vector.broadcast %broadcast_in_dim3A_375 : i32 to vector<16xi32>
      %gather3A_377 = tpu.vector_load_idx %arg16[%add3A_369, %broadcast_in_dim3A_376] : memref<128x128xi32, #tpu.memory_space<vmem>>[vector<16xi32>, vector<16xi32>], vector<16xi32>,
      %swap3A_378 = arith.constant 80 : index
      %swap3A_379 = tpu.vector_load %arg23[%swap3A_378] {strides = array<i32>} : memref<128xi32, #tpu.memory_space<vmem>>, vector<16xi32>,
      tpu.vector_store %arg23[%swap3A_378], %gather3A_377 {strides = array<i32>} : memref<128xi32, #tpu.memory_space<vmem>>, vector<16xi32>,
      %iota3A_380 = tpu.iota {dimensions = array<i32: 0>} : vector<16xi32>
      %add3A_381 = arith.constant 96 : i32
      %add3A_382 = vector.broadcast %add3A_381 : i32 to vector<16xi32>
      %add3A_383 = arith.addi %add3A_382, %iota3A_380 : vector<16xi32>
      %broadcast_in_dim3A_384 = arith.constant 48 : i32
      %broadcast_in_dim3A_385 = vector.broadcast %broadcast_in_dim3A_384 : i32 to vector<16xi32>
      %gather3A_386 = tpu.vector_load_idx %arg16[%add3A_383, %broadcast_in_dim3A_385] : memref<128x128xi32, #tpu.memory_space<vmem>>[vector<16xi32>, vector<16xi32>], vector<16xi32>,
      %swap3A_387 = arith.constant 96 : index
      %swap3A_388 = tpu.vector_load %arg22[%swap3A_387] {strides = array<i32>} : memref<128xi32, #tpu.memory_space<vmem>>, vector<16xi32>,
      tpu.vector_store %arg22[%swap3A_387], %gather3A_386 {strides = array<i32>} : memref<128xi32, #tpu.memory_space<vmem>>, vector<16xi32>,
      %broadcast_in_dim3A_389 = arith.constant 49 : i32
      %broadcast_in_dim3A_390 = vector.broadcast %broadcast_in_dim3A_389 : i32 to vector<16xi32>
      %gather3A_391 = tpu.vector_load_idx %arg16[%add3A_383, %broadcast_in_dim3A_390] : memref<128x128xi32, #tpu.memory_space<vmem>>[vector<16xi32>, vector<16xi32>], vector<16xi32>,
      %swap3A_392 = arith.constant 96 : index
      %swap3A_393 = tpu.vector_load %arg23[%swap3A_392] {strides = array<i32>} : memref<128xi32, #tpu.memory_space<vmem>>, vector<16xi32>,
      tpu.vector_store %arg23[%swap3A_392], %gather3A_391 {strides = array<i32>} : memref<128xi32, #tpu.memory_space<vmem>>, vector<16xi32>,
      %iota3A_394 = tpu.iota {dimensions = array<i32: 0>} : vector<16xi32>
      %add3A_395 = arith.constant 112 : i32
      %add3A_396 = vector.broadcast %add3A_395 : i32 to vector<16xi32>
      %add3A_397 = arith.addi %add3A_396, %iota3A_394 : vector<16xi32>
      %broadcast_in_dim3A_398 = arith.constant 48 : i32
      %broadcast_in_dim3A_399 = vector.broadcast %broadcast_in_dim3A_398 : i32 to vector<16xi32>
      %gather3A_400 = tpu.vector_load_idx %arg16[%add3A_397, %broadcast_in_dim3A_399] : memref<128x128xi32, #tpu.memory_space<vmem>>[vector<16xi32>, vector<16xi32>], vector<16xi32>,
      %swap3A_401 = arith.constant 112 : index
      %swap3A_402 = tpu.vector_load %arg22[%swap3A_401] {strides = array<i32>} : memref<128xi32, #tpu.memory_space<vmem>>, vector<16xi32>,
      tpu.vector_store %arg22[%swap3A_401], %gather3A_400 {strides = array<i32>} : memref<128xi32, #tpu.memory_space<vmem>>, vector<16xi32>,
      %broadcast_in_dim3A_403 = arith.constant 49 : i32
      %broadcast_in_dim3A_404 = vector.broadcast %broadcast_in_dim3A_403 : i32 to vector<16xi32>
      %gather3A_405 = tpu.vector_load_idx %arg16[%add3A_397, %broadcast_in_dim3A_404] : memref<128x128xi32, #tpu.memory_space<vmem>>[vector<16xi32>, vector<16xi32>], vector<16xi32>,
      %swap3A_406 = arith.constant 112 : index
      %swap3A_407 = tpu.vector_load %arg23[%swap3A_406] {strides = array<i32>} : memref<128xi32, #tpu.memory_space<vmem>>, vector<16xi32>,
      tpu.vector_store %arg23[%swap3A_406], %gather3A_405 {strides = array<i32>} : memref<128xi32, #tpu.memory_space<vmem>>, vector<16xi32>,
      %dma_start3A_408 = arith.constant 0 : i32
      %dma_start3A_409 = tpu.memref_slice %arg4[%dma_start3A_408] : memref<33554432xi32, #tpu.memory_space<hbm>> -> memref<33554432xi32, #tpu.memory_space<hbm>>
      tpu.enqueue_indirect_dma source(%arg20 : memref<4096xi32, #tpu.memory_space<vmem>>) target(%dma_start3A_409 : memref<33554432xi32, #tpu.memory_space<hbm>>) offsets(%arg18 : memref<4096xi32, #tpu.memory_space<vmem>>) semaphore(%arg24 : memref<!tpu.dma_semaphore, #tpu.memory_space<semaphore_mem>>)
      %dma_start3A_410 = arith.constant 0 : i32
      %dma_start3A_411 = tpu.memref_slice %arg6[%dma_start3A_410] : memref<16777216xi32, #tpu.memory_space<hbm>> -> memref<16777216xi32, #tpu.memory_space<hbm>>
      tpu.enqueue_indirect_dma source(%arg21 : memref<2048xi32, #tpu.memory_space<vmem>>) target(%dma_start3A_411 : memref<16777216xi32, #tpu.memory_space<hbm>>) offsets(%arg19 : memref<2048xi32, #tpu.memory_space<vmem>>) semaphore(%arg25 : memref<!tpu.dma_semaphore, #tpu.memory_space<semaphore_mem>>)
      %dma_start3A_412 = arith.constant 0 : i32
      %dma_start3A_413 = tpu.memref_slice %arg13[%while3A_125, %dma_start3A_412] : memref<128x128xi32, #tpu.memory_space<vmem>> -> memref<1x128xi32, #tpu.memory_space<vmem>>
      %dma_start3A_414 = tpu.memref_squeeze %dma_start3A_413 : memref<1x128xi32, #tpu.memory_space<vmem>> -> memref<128xi32, #tpu.memory_space<vmem>>
      %dma_start3A_415 = arith.constant 0 : i32
      %dma_start3A_416 = tpu.memref_slice %arg5[%dma_start3A_415] : memref<1048576xi32, #tpu.memory_space<hbm>> -> memref<1048576xi32, #tpu.memory_space<hbm>>
      tpu.enqueue_indirect_dma source(%arg22 : memref<128xi32, #tpu.memory_space<vmem>>) target(%dma_start3A_416 : memref<1048576xi32, #tpu.memory_space<hbm>>) offsets(%dma_start3A_414 : memref<128xi32, #tpu.memory_space<vmem>>) semaphore(%arg26 : memref<!tpu.dma_semaphore, #tpu.memory_space<semaphore_mem>>)
      %dma_start3A_417 = arith.constant 0 : i32
      %dma_start3A_418 = tpu.memref_slice %arg13[%while3A_125, %dma_start3A_417] : memref<128x128xi32, #tpu.memory_space<vmem>> -> memref<1x128xi32, #tpu.memory_space<vmem>>
      %dma_start3A_419 = tpu.memref_squeeze %dma_start3A_418 : memref<1x128xi32, #tpu.memory_space<vmem>> -> memref<128xi32, #tpu.memory_space<vmem>>
      %dma_start3A_420 = arith.constant 0 : i32
      %dma_start3A_421 = tpu.memref_slice %arg7[%dma_start3A_420] : memref<1048576xi32, #tpu.memory_space<hbm>> -> memref<1048576xi32, #tpu.memory_space<hbm>>
      tpu.enqueue_indirect_dma source(%arg23 : memref<128xi32, #tpu.memory_space<vmem>>) target(%dma_start3A_421 : memref<1048576xi32, #tpu.memory_space<hbm>>) offsets(%dma_start3A_419 : memref<128xi32, #tpu.memory_space<vmem>>) semaphore(%arg27 : memref<!tpu.dma_semaphore, #tpu.memory_space<semaphore_mem>>)
      %dma_wait3A_422 = arith.constant 0 : i32
      %dma_wait3A_423 = tpu.memref_slice %arg4[%dma_wait3A_422] : memref<33554432xi32, #tpu.memory_space<hbm>> -> memref<33554432xi32, #tpu.memory_space<hbm>>
      tpu.wait_indirect_dma semaphore(%arg24 : memref<!tpu.dma_semaphore, #tpu.memory_space<semaphore_mem>>) src(%arg20 : memref<4096xi32, #tpu.memory_space<vmem>>) dst(%dma_wait3A_423 : memref<33554432xi32, #tpu.memory_space<hbm>>)
      %dma_wait3A_424 = arith.constant 0 : i32
      %dma_wait3A_425 = tpu.memref_slice %arg6[%dma_wait3A_424] : memref<16777216xi32, #tpu.memory_space<hbm>> -> memref<16777216xi32, #tpu.memory_space<hbm>>
      tpu.wait_indirect_dma semaphore(%arg25 : memref<!tpu.dma_semaphore, #tpu.memory_space<semaphore_mem>>) src(%arg21 : memref<2048xi32, #tpu.memory_space<vmem>>) dst(%dma_wait3A_425 : memref<16777216xi32, #tpu.memory_space<hbm>>)
      %dma_wait3A_426 = arith.constant 0 : i32
      %dma_wait3A_427 = tpu.memref_slice %arg13[%while3A_125, %dma_wait3A_426] : memref<128x128xi32, #tpu.memory_space<vmem>> -> memref<1x128xi32, #tpu.memory_space<vmem>>
      %dma_wait3A_428 = tpu.memref_squeeze %dma_wait3A_427 : memref<1x128xi32, #tpu.memory_space<vmem>> -> memref<128xi32, #tpu.memory_space<vmem>>
      %dma_wait3A_429 = arith.constant 0 : i32
      %dma_wait3A_430 = tpu.memref_slice %arg5[%dma_wait3A_429] : memref<1048576xi32, #tpu.memory_space<hbm>> -> memref<1048576xi32, #tpu.memory_space<hbm>>
      tpu.wait_indirect_dma semaphore(%arg26 : memref<!tpu.dma_semaphore, #tpu.memory_space<semaphore_mem>>) src(%arg22 : memref<128xi32, #tpu.memory_space<vmem>>) dst(%dma_wait3A_430 : memref<1048576xi32, #tpu.memory_space<hbm>>)
      %dma_wait3A_431 = arith.constant 0 : i32
      %dma_wait3A_432 = tpu.memref_slice %arg13[%while3A_125, %dma_wait3A_431] : memref<128x128xi32, #tpu.memory_space<vmem>> -> memref<1x128xi32, #tpu.memory_space<vmem>>
      %dma_wait3A_433 = tpu.memref_squeeze %dma_wait3A_432 : memref<1x128xi32, #tpu.memory_space<vmem>> -> memref<128xi32, #tpu.memory_space<vmem>>
      %dma_wait3A_434 = arith.constant 0 : i32
      %dma_wait3A_435 = tpu.memref_slice %arg7[%dma_wait3A_434] : memref<1048576xi32, #tpu.memory_space<hbm>> -> memref<1048576xi32, #tpu.memory_space<hbm>>
      tpu.wait_indirect_dma semaphore(%arg27 : memref<!tpu.dma_semaphore, #tpu.memory_space<semaphore_mem>>) src(%arg23 : memref<128xi32, #tpu.memory_space<vmem>>) dst(%dma_wait3A_435 : memref<1048576xi32, #tpu.memory_space<hbm>>)
      %while3A_436 = arith.constant 0 : i32
      scf.yield %while3A_436 : i32
    }
    return
  }
}

module attributes {stable_mosaic.version = 14 : i64} {
  func.func @_norm_body(%arg0: i32, %arg1: memref<32x16384xf32, #tpu.memory_space<vmem>>, %arg2: memref<1x16384xf32, #tpu.memory_space<vmem>>, %arg3: memref<32x16384xf32, #tpu.memory_space<vmem>>, %arg4: memref<1x16384xf32, #tpu.memory_space<vmem>>, %arg5: memref<1x1xf32, #tpu.memory_space<vmem>>) attributes {dimension_semantics = [#tpu.dimension_semantics<arbitrary>], iteration_bounds = array<i64: 1>, scalar_prefetch = 0 : i64, scratch_operands = 0 : i64, tpu.core_type = #tpu.core_type<tc>, window_params = [{pipeline_mode = #tpu.pipeline_mode<synchronous>, transform_indices = @transform_0, window_bounds = array<i64: 32, 16384>}, {pipeline_mode = #tpu.pipeline_mode<synchronous>, transform_indices = @transform_1, window_bounds = array<i64: 1, 16384>}, {pipeline_mode = #tpu.pipeline_mode<synchronous>, transform_indices = @transform_2, window_bounds = array<i64: 32, 16384>}, {pipeline_mode = #tpu.pipeline_mode<synchronous>, transform_indices = @transform_3, window_bounds = array<i64: 1, 16384>}, {pipeline_mode = #tpu.pipeline_mode<synchronous>, transform_indices = @transform_4, window_bounds = array<i64: 1, 1>}]} {
    %get3A = arith.constant 0 : index
    %get3A_0 = arith.constant 0 : index
    %get3A_1 = vector.load %arg1[%get3A, %get3A_0] : memref<32x16384xf32, #tpu.memory_space<vmem>>, vector<32x16384xf32>
    %reduce_max3A = arith.constant dense<0xFF800000> : vector<16384xf32>
    %reduce_max3A_2 = vector.multi_reduction <maximumf>, %get3A_1, %reduce_max3A [0] : vector<32x16384xf32> to vector<16384xf32>
    %broadcast_in_dim3A = vector.shape_cast %reduce_max3A_2 : vector<16384xf32> to vector<1x16384xf32>
    %sub3A = vector.broadcast %broadcast_in_dim3A : vector<1x16384xf32> to vector<32x16384xf32>
    %sub3A_3 = arith.subf %get3A_1, %sub3A : vector<32x16384xf32>
    %exp3A = math.exp %sub3A_3 : vector<32x16384xf32>
    %reduce_sum3A = arith.constant dense<0.000000e+00> : vector<16384xf32>
    %reduce_sum3A_4 = vector.multi_reduction <add>, %exp3A, %reduce_sum3A [0] : vector<32x16384xf32> to vector<16384xf32>
    %broadcast_in_dim3A_5 = vector.shape_cast %reduce_sum3A_4 : vector<16384xf32> to vector<1x16384xf32>
    %log3A = math.log %broadcast_in_dim3A_5 : vector<1x16384xf32>
    %add3A = arith.addf %log3A, %broadcast_in_dim3A : vector<1x16384xf32>
    %sub3A_6 = vector.broadcast %add3A : vector<1x16384xf32> to vector<32x16384xf32>
    %sub3A_7 = arith.subf %get3A_1, %sub3A_6 : vector<32x16384xf32>
    %swap3A = arith.constant 0 : index
    %swap3A_8 = arith.constant 0 : index
    %swap3A_9 = vector.load %arg3[%swap3A, %swap3A_8] : memref<32x16384xf32, #tpu.memory_space<vmem>>, vector<32x16384xf32>
    tpu.vector_store %arg3[%swap3A, %swap3A_8], %sub3A_7 {strides = array<i32>} : memref<32x16384xf32, #tpu.memory_space<vmem>>, vector<32x16384xf32>,
    %get3A_10 = arith.constant 0 : index
    %get3A_11 = arith.constant 0 : index
    %get3A_12 = vector.load %arg2[%get3A_10, %get3A_11] : memref<1x16384xf32, #tpu.memory_space<vmem>>, vector<1x16384xf32>
    %reduce_max3A_13 = vector.shape_cast %get3A_12 : vector<1x16384xf32> to vector<1x1x16384xf32>
    %reduce_max3A_14 = arith.constant dense<0xFF800000> : vector<1xf32>
    %reduce_max3A_15 = vector.multi_reduction <maximumf>, %reduce_max3A_13, %reduce_max3A_14 [1, 2] : vector<1x1x16384xf32> to vector<1xf32>
    %reduce_max3A_16 = vector.shape_cast %reduce_max3A_15 : vector<1xf32> to vector<1x1x1xf32>
    %reduce_max3A_17 = vector.extract %reduce_max3A_16[0, 0, 0] : f32 from vector<1x1x1xf32>
    %sub3A_18 = vector.broadcast %reduce_max3A_17 : f32 to vector<1x16384xf32>
    %sub3A_19 = arith.subf %get3A_12, %sub3A_18 : vector<1x16384xf32>
    %exp3A_20 = math.exp %sub3A_19 : vector<1x16384xf32>
    %reduce_sum3A_21 = vector.shape_cast %exp3A_20 : vector<1x16384xf32> to vector<1x1x16384xf32>
    %reduce_sum3A_22 = arith.constant dense<0.000000e+00> : vector<1xf32>
    %reduce_sum3A_23 = vector.multi_reduction <add>, %reduce_sum3A_21, %reduce_sum3A_22 [1, 2] : vector<1x1x16384xf32> to vector<1xf32>
    %reduce_sum3A_24 = vector.shape_cast %reduce_sum3A_23 : vector<1xf32> to vector<1x1x1xf32>
    %reduce_sum3A_25 = vector.extract %reduce_sum3A_24[0, 0, 0] : f32 from vector<1x1x1xf32>
    %log3A_26 = math.log %reduce_sum3A_25 : f32
    %add3A_27 = arith.addf %log3A_26, %reduce_max3A_17 : f32
    %sub3A_28 = vector.broadcast %add3A_27 : f32 to vector<1x16384xf32>
    %sub3A_29 = arith.subf %get3A_12, %sub3A_28 : vector<1x16384xf32>
    %swap3A_30 = arith.constant 0 : index
    %swap3A_31 = arith.constant 0 : index
    %swap3A_32 = vector.load %arg4[%swap3A_30, %swap3A_31] : memref<1x16384xf32, #tpu.memory_space<vmem>>, vector<1x16384xf32>
    tpu.vector_store %arg4[%swap3A_30, %swap3A_31], %sub3A_29 {strides = array<i32>} : memref<1x16384xf32, #tpu.memory_space<vmem>>, vector<1x16384xf32>,
    %exp3A_33 = math.exp %sub3A_7 : vector<32x16384xf32>
    %mul3A = arith.mulf %exp3A_33, %sub3A_7 : vector<32x16384xf32>
    %reduce_sum3A_34 = arith.constant dense<0.000000e+00> : vector<16384xf32>
    %reduce_sum3A_35 = vector.multi_reduction <add>, %mul3A, %reduce_sum3A_34 [0] : vector<32x16384xf32> to vector<16384xf32>
    %broadcast_in_dim3A_36 = vector.shape_cast %reduce_sum3A_35 : vector<16384xf32> to vector<1x16384xf32>
    %neg3A = arith.constant 0.000000e+00 : f32
    %neg3A_37 = vector.broadcast %neg3A : f32 to vector<1x16384xf32>
    %neg3A_38 = arith.subf %neg3A_37, %broadcast_in_dim3A_36 : vector<1x16384xf32>
    %exp3A_39 = math.exp %sub3A_29 : vector<1x16384xf32>
    %mul3A_40 = arith.mulf %neg3A_38, %exp3A_39 : vector<1x16384xf32>
    %reduce_sum3A_41 = vector.shape_cast %mul3A_40 : vector<1x16384xf32> to vector<1x1x16384xf32>
    %reduce_sum3A_42 = arith.constant dense<0.000000e+00> : vector<1xf32>
    %reduce_sum3A_43 = vector.multi_reduction <add>, %reduce_sum3A_41, %reduce_sum3A_42 [1, 2] : vector<1x1x16384xf32> to vector<1xf32>
    %reduce_sum3A_44 = vector.shape_cast %reduce_sum3A_43 : vector<1xf32> to vector<1x1x1xf32>
    %reduce_sum3A_45 = vector.extract %reduce_sum3A_44[0, 0, 0] : f32 from vector<1x1x1xf32>
    %reshape3A = vector.broadcast %reduce_sum3A_45 : f32 to vector<1x1xf32>
    %swap3A_46 = arith.constant 0 : index
    %swap3A_47 = arith.constant 0 : index
    %swap3A_48 = vector.load %arg5[%swap3A_46, %swap3A_47] : memref<1x1xf32, #tpu.memory_space<vmem>>, vector<1x1xf32>
    tpu.vector_store %arg5[%swap3A_46, %swap3A_47], %reshape3A {strides = array<i32>} : memref<1x1xf32, #tpu.memory_space<vmem>>, vector<1x1xf32>,
    return
  }
  func.func @transform_0(%arg0: i32) -> (i32, i32) {
    %c0_i32 = arith.constant 0 : i32
    %c0_i32_0 = arith.constant 0 : i32
    %c0_i32_1 = arith.constant 0 : i32
    return %c0_i32, %c0_i32_0 : i32, i32
  }
  func.func @transform_1(%arg0: i32) -> (i32, i32) {
    %c0_i32 = arith.constant 0 : i32
    %c0_i32_0 = arith.constant 0 : i32
    %c0_i32_1 = arith.constant 0 : i32
    return %c0_i32, %c0_i32_0 : i32, i32
  }
  func.func @transform_2(%arg0: i32) -> (i32, i32) {
    %c0_i32 = arith.constant 0 : i32
    %c0_i32_0 = arith.constant 0 : i32
    %c0_i32_1 = arith.constant 0 : i32
    return %c0_i32, %c0_i32_0 : i32, i32
  }
  func.func @transform_3(%arg0: i32) -> (i32, i32) {
    %c0_i32 = arith.constant 0 : i32
    %c0_i32_0 = arith.constant 0 : i32
    %c0_i32_1 = arith.constant 0 : i32
    return %c0_i32, %c0_i32_0 : i32, i32
  }
  func.func @transform_4(%arg0: i32) -> (i32, i32) {
    %c0_i32 = arith.constant 0 : i32
    %c0_i32_0 = arith.constant 0 : i32
    %c0_i32_1 = arith.constant 0 : i32
    return %c0_i32, %c0_i32_0 : i32, i32
  }
}

module attributes {stable_mosaic.version = 14 : i64} {
  func.func @_copy_body(%arg0: i32, %arg1: memref<4096x128xi32, #tpu.memory_space<vmem>>, %arg2: memref<128x128xi32, #tpu.memory_space<vmem>>, %arg3: memref<2048x128xi32, #tpu.memory_space<vmem>>, %arg4: memref<128x128xi32, #tpu.memory_space<vmem>>, %arg5: memref<4096x128xi32, #tpu.memory_space<vmem>>, %arg6: memref<128x128xi32, #tpu.memory_space<vmem>>, %arg7: memref<2048x128xi32, #tpu.memory_space<vmem>>, %arg8: memref<128x128xi32, #tpu.memory_space<vmem>>) attributes {dimension_semantics = [#tpu.dimension_semantics<arbitrary>], iteration_bounds = array<i64: 64>, scalar_prefetch = 0 : i64, scratch_operands = 0 : i64, tpu.core_type = #tpu.core_type<tc>, window_params = [{transform_indices = @transform_0, window_bounds = array<i64: 4096, 128>}, {transform_indices = @transform_1, window_bounds = array<i64: 128, 128>}, {transform_indices = @transform_2, window_bounds = array<i64: 2048, 128>}, {transform_indices = @transform_3, window_bounds = array<i64: 128, 128>}, {transform_indices = @transform_4, window_bounds = array<i64: 4096, 128>}, {transform_indices = @transform_5, window_bounds = array<i64: 128, 128>}, {transform_indices = @transform_6, window_bounds = array<i64: 2048, 128>}, {transform_indices = @transform_7, window_bounds = array<i64: 128, 128>}]} {
    %get3A = arith.constant 0 : index
    %get3A_0 = arith.constant 0 : index
    %get3A_1 = vector.load %arg1[%get3A, %get3A_0] : memref<4096x128xi32, #tpu.memory_space<vmem>>, vector<4096x128xi32>
    %swap3A = arith.constant 0 : index
    %swap3A_2 = arith.constant 0 : index
    %swap3A_3 = vector.load %arg5[%swap3A, %swap3A_2] : memref<4096x128xi32, #tpu.memory_space<vmem>>, vector<4096x128xi32>
    tpu.vector_store %arg5[%swap3A, %swap3A_2], %get3A_1 {strides = array<i32>} : memref<4096x128xi32, #tpu.memory_space<vmem>>, vector<4096x128xi32>,
    %get3A_4 = arith.constant 0 : index
    %get3A_5 = arith.constant 0 : index
    %get3A_6 = vector.load %arg2[%get3A_4, %get3A_5] : memref<128x128xi32, #tpu.memory_space<vmem>>, vector<128x128xi32>
    %swap3A_7 = arith.constant 0 : index
    %swap3A_8 = arith.constant 0 : index
    %swap3A_9 = vector.load %arg6[%swap3A_7, %swap3A_8] : memref<128x128xi32, #tpu.memory_space<vmem>>, vector<128x128xi32>
    tpu.vector_store %arg6[%swap3A_7, %swap3A_8], %get3A_6 {strides = array<i32>} : memref<128x128xi32, #tpu.memory_space<vmem>>, vector<128x128xi32>,
    %get3A_10 = arith.constant 0 : index
    %get3A_11 = arith.constant 0 : index
    %get3A_12 = vector.load %arg3[%get3A_10, %get3A_11] : memref<2048x128xi32, #tpu.memory_space<vmem>>, vector<2048x128xi32>
    %swap3A_13 = arith.constant 0 : index
    %swap3A_14 = arith.constant 0 : index
    %swap3A_15 = vector.load %arg7[%swap3A_13, %swap3A_14] : memref<2048x128xi32, #tpu.memory_space<vmem>>, vector<2048x128xi32>
    tpu.vector_store %arg7[%swap3A_13, %swap3A_14], %get3A_12 {strides = array<i32>} : memref<2048x128xi32, #tpu.memory_space<vmem>>, vector<2048x128xi32>,
    %get3A_16 = arith.constant 0 : index
    %get3A_17 = arith.constant 0 : index
    %get3A_18 = vector.load %arg4[%get3A_16, %get3A_17] : memref<128x128xi32, #tpu.memory_space<vmem>>, vector<128x128xi32>
    %swap3A_19 = arith.constant 0 : index
    %swap3A_20 = arith.constant 0 : index
    %swap3A_21 = vector.load %arg8[%swap3A_19, %swap3A_20] : memref<128x128xi32, #tpu.memory_space<vmem>>, vector<128x128xi32>
    tpu.vector_store %arg8[%swap3A_19, %swap3A_20], %get3A_18 {strides = array<i32>} : memref<128x128xi32, #tpu.memory_space<vmem>>, vector<128x128xi32>,
    return
  }
  func.func @transform_0(%arg0: i32) -> (i32, i32) {
    %c0_i32 = arith.constant 0 : i32
    %c0_i32_0 = arith.constant 0 : i32
    return %arg0, %c0_i32 : i32, i32
  }
  func.func @transform_1(%arg0: i32) -> (i32, i32) {
    %c0_i32 = arith.constant 0 : i32
    %c0_i32_0 = arith.constant 0 : i32
    return %arg0, %c0_i32 : i32, i32
  }
  func.func @transform_2(%arg0: i32) -> (i32, i32) {
    %c0_i32 = arith.constant 0 : i32
    %c0_i32_0 = arith.constant 0 : i32
    return %arg0, %c0_i32 : i32, i32
  }
  func.func @transform_3(%arg0: i32) -> (i32, i32) {
    %c0_i32 = arith.constant 0 : i32
    %c0_i32_0 = arith.constant 0 : i32
    return %arg0, %c0_i32 : i32, i32
  }
  func.func @transform_4(%arg0: i32) -> (i32, i32) {
    %c0_i32 = arith.constant 0 : i32
    %c0_i32_0 = arith.constant 0 : i32
    return %arg0, %c0_i32 : i32, i32
  }
  func.func @transform_5(%arg0: i32) -> (i32, i32) {
    %c0_i32 = arith.constant 0 : i32
    %c0_i32_0 = arith.constant 0 : i32
    return %arg0, %c0_i32 : i32, i32
  }
  func.func @transform_6(%arg0: i32) -> (i32, i32) {
    %c0_i32 = arith.constant 0 : i32
    %c0_i32_0 = arith.constant 0 : i32
    return %arg0, %c0_i32 : i32, i32
  }
  func.func @transform_7(%arg0: i32) -> (i32, i32) {
    %c0_i32 = arith.constant 0 : i32
    %c0_i32_0 = arith.constant 0 : i32
    return %arg0, %c0_i32 : i32, i32
  }
}

</mosaic_0001>

<sc_bundles>
// kernel: kernel.5.cloned.1.call-start
scs
__scs_entry_jumppad:
0x0: {  	(pc) =	sbr.rel $0x88, $3  }
0x1: {  	(tag) =	ssettag $0x0;
	lr =	simm.s32 $0x1  }
0x2: {  	[smem:$0x3F98] =	sst lr;
	_ =	strace $0xD0000000  }
0x3: {  	_ = 	snop  }
0x4: {  	_ = 	snop  }
0x5: {  	_ = 	snop  }
0x6: {  	_ = 	snop  }
0x7: {  	_ = 	snop  }
__scs_overlays_trampoline_lowered:
0x8: {  	[smem:$0x3FA7] =	sst s0  }
0x9: {  	[smem:$0x3FA8] =	sst s1  }
0xa: {  	[smem:$0x3FA9] =	sst s2  }
0xb: {  	[smem:$0x3FAA] =	sst s3  }
0xc: {  	[smem:$0x3FAB] =	sst s4  }
0xd: {  	[smem:$0x3FAC] =	sst s5  }
0xe: {  	[smem:$0x3FAD] =	sst s6  }
0xf: {  	[smem:$0x3FAE] =	sst s7  }
0x10: {  	[smem:$0x3FAF] =	sst s8  }
0x11: {  	[smem:$0x3FB0] =	sst s9;
	s0 =	simm.s32 @!p0 $0x0  }
0x12: {  	s1 =	sld [smem:$0x3F96];
	s0 =	simm.s32 @p0 $0x1  }
0x13: {  	[smem:$0x3FB1] =	sst s0;
	s0 =	simm.s32 @!p1 $0x0  }
0x14: {  	s2 =	sld [smem:$0x3F95];
	s0 =	simm.s32 @p1 $0x1  }
0x15: {  	[smem:$0x3FB2] =	sst s0;
	s0 =	simm.s32 @!p2 $0x0  }
0x16: {  	s3 =	sld [smem:$0x3FDB];
	s0 =	simm.s32 @p2 $0x1  }
0x17: {  	s4 =	simm.s32 $0x1BF5;
	[smem:$0x3FB4] =	sst s0  }
0x18: {  	s0 =	sld [smem:$0x3F97];
	_ =	swait.ge [sflag:s4], $0x0  }
0x19: {  	s7 =	sld [smem:$0x3F98]  }
0x1a: {  	s8 =	sadd.s32 $0xFFFFE003, lr  }
0x1b: {  	s9 =	sadd.s32 $0xFFFFFEF7, lr;
	s5 =	simm.s32 $0xFFFFFFFF;
	p2 =	slt.u32 s8, $0xFFFFF086  }
0x1c: {  	p1 =	slt.u32 s9, $0xF7A;
	s5 =	simm.s32 @!p2 $0x0  }
0x1d: {  	s5 =	simm.s32 @p1 $0x1;
	p0 =	seq.s32 s7, s2  }
0x1e: {  	s7 =	smul.u32 @!p0 $0xF7A, s2;
	p2 =	seq.s32 @!p0 s5, $0x0  }
0x1f: {  	s9 =	smul.u32 $0xF7A, s1;
	s8 =	simm.s32 @!p0 $0x1BF5;
	p2 =	por !p2, p0  }
0x20: {  	[sflag:s8] =	ssyncset.s32 @!p0 $0xFFFFF086;
	s6 =	sadd.s32 @!p0 s3, s7;
	s7 =	simm.s32 @!p0 $0x108  }
0x21: {  	s3 =	sadd.s32 s3, s9;
	s6 =	sadd.s32 @!p0 $0x88, s6;
	s7 =	simm.s32 @p2 $0x1082  }
0x22: {  	[simem:s7], [sflag:s8] =	dma.local @!p0 [hbm:s6], $0xF7A  }
0x23: {  	s9 =	sor.u32 $0xD0000000, s2;
	s6 =	simm.s32 $0x108;
	_ =	swait.ge @!p0 [sflag:s8], $0x0  }
0x24: {  	s3 =	sadd.s32 $0x88, s3;
	s6 =	simm.s32 @!p1 $0x1082;
	[sflag:s4] =	ssyncset.s32 $0xFFFFF086  }
0x25: {  	[simem:s6], [sflag:s4] =	dma.local [hbm:s3], $0xF7A  }
0x26: {  	[smem:$0x3F98] =	sst s1;
	(tag) =	ssettag s2;
	_ =	strace s9  }
0x27: {  	s1 =	sld [smem:$0x3FA8]  }
0x28: {  	s2 =	sld [smem:$0x3FA9]  }
0x29: {  	s4 =	sld [smem:$0x3FAB]  }
0x2a: {  	p0 =	seq.s32 s5, $0x0;
	s5 =	sld [smem:$0x3FAC]  }
0x2b: {  	s6 =	sld [smem:$0x3FAD]  }
0x2c: {  	s7 =	sld [smem:$0x3FAE]  }
0x2d: {  	s3 =	simm.s32 $0x108;
	s8 =	sld [smem:$0x3FAF]  }
0x2e: {  	s3 =	simm.s32 @!p0 $0x1082;
	s9 =	sld [smem:$0x3FB0]  }
0x2f: {  	lr =	sadd.s32 s0, s3;
	s0 =	sld [smem:$0x3FA7]  }
0x30: {  	s3 =	sld [smem:$0x3FAA]  }
0x31: {  	[smem:$0x3FB3] =	sst s10  }
0x32: {  	s10 =	sld [smem:$0x3FB1];
	_ =	sdelay $0x3  }
0x33: {  	p0 =	seq.s32 s10, $0x1;
	s10 =	sld [smem:$0x3FB3];
	_ =	sdelay $0x3  }
0x34: {  	[smem:$0x3FB3] =	sst s10  }
0x35: {  	s10 =	sld [smem:$0x3FB2];
	_ =	sdelay $0x3  }
0x36: {  	p1 =	seq.s32 s10, $0x1;
	s10 =	sld [smem:$0x3FB3];
	_ =	sdelay $0x3  }
0x37: {  	[smem:$0x3FB3] =	sst s10  }
0x38: {  	s10 =	sld [smem:$0x3FB4]  }
0x39: {  	_ = 	snop;
	(pc) =	sbr.ind lr, $3  }
0x3a: {  	_ = 	snop  }
0x3b: {  	_ = 	snop  }
0x3c: {  	p2 =	seq.s32 s10, $0x1;
	s10 =	sld [smem:$0x3FB3]  }
0x3d: {  	_ =	shalt  }
0x3e: {  	_ =	shalt  }
0x3f: {  	_ =	shalt  }
0x40: {  	_ =	shalt  }
0x41: {  	_ =	shalt  }
0x42: {  	_ =	shalt  }
0x43: {  	_ =	shalt  }
0x44: {  	_ =	shalt  }
0x45: {  	_ =	shalt  }
0x46: {  	_ =	shalt  }
0x47: {  	_ =	shalt  }
0x48: {  	_ =	shalt  }
0x49: {  	_ =	shalt  }
0x4a: {  	_ =	shalt  }
0x4b: {  	_ =	shalt  }
0x4c: {  	_ =	shalt  }
0x4d: {  	_ =	shalt  }
0x4e: {  	_ =	shalt  }
0x4f: {  	_ =	shalt  }
0x50: {  	_ =	shalt  }
0x51: {  	_ =	shalt  }
0x52: {  	_ =	shalt  }
0x53: {  	_ =	shalt  }
0x54: {  	_ =	shalt  }
0x55: {  	_ =	shalt  }
0x56: {  	_ =	shalt  }
0x57: {  	_ =	shalt  }
0x58: {  	_ =	shalt  }
0x59: {  	_ =	shalt  }
0x5a: {  	_ =	shalt  }
0x5b: {  	_ =	shalt  }
0x5c: {  	_ =	shalt  }
0x5d: {  	_ =	shalt  }
0x5e: {  	_ =	shalt  }
0x5f: {  	_ =	shalt  }
0x60: {  	_ =	shalt  }
0x61: {  	_ =	shalt  }
0x62: {  	_ =	shalt  }
0x63: {  	_ =	shalt  }
0x64: {  	_ =	shalt  }
0x65: {  	_ =	shalt  }
0x66: {  	_ =	shalt  }
0x67: {  	_ =	shalt  }
0x68: {  	_ =	shalt  }
0x69: {  	_ =	shalt  }
0x6a: {  	_ =	shalt  }
0x6b: {  	_ =	shalt  }
0x6c: {  	_ =	shalt  }
0x6d: {  	_ =	shalt  }
0x6e: {  	_ =	shalt  }
0x6f: {  	_ =	shalt  }
0x70: {  	_ =	shalt  }
0x71: {  	_ =	shalt  }
0x72: {  	_ =	shalt  }
0x73: {  	_ =	shalt  }
0x74: {  	_ =	shalt  }
0x75: {  	_ =	shalt  }
0x76: {  	_ =	shalt  }
0x77: {  	_ =	shalt  }
0x78: {  	_ =	shalt  }
0x79: {  	_ =	shalt  }
0x7a: {  	_ =	shalt  }
0x7b: {  	_ =	shalt  }
0x7c: {  	_ =	shalt  }
0x7d: {  	_ =	shalt  }
0x7e: {  	_ =	shalt  }
0x7f: {  	_ =	shalt  }
0x80: {  	_ =	shalt  }
0x81: {  	_ =	shalt  }
0x82: {  	_ =	shalt  }
0x83: {  	_ =	shalt  }
0x84: {  	_ =	shalt  }
0x85: {  	_ =	shalt  }
0x86: {  	_ =	shalt  }
0x87: {  	_ =	shalt  }
.Lfunc_end0:
.L_simem_size_0:
called_computation_lowered:
.L_overlay_start_0:
0x88: {  	s2 =	sld [smem:$0x3FD9]  }
0x89: {  	s3 =	sld [smem:$0x3FFE];
	_ =	sdelay $0x1  }
0x8a: {  	s1 =	srdreg.scid  }
0x8b: {  	s0 =	sand.u32 $0x1, s1  }
0x8c: {  	s14 =	sshll.u32 s0, $0xA;
	s2 =	sadd.s32 s3, s2  }
0x8d: {  	s2 =	sadd.s32 s2, s14  }
0x8e: {  	[smem:$0x3FBF] =	sst s2  }
0x8f: {  	_ = 	snop  }
0x90: {  	s2 =	sld [smem:$0x3FD0];
	_ =	sdelay $0x2  }
0x91: {  	s4 =	simm.s32 $0xA;
	s5 =	simm.s32 $0x10;
	s15 =	sld [smem:$0x3FC5]  }
0x92: {  	[smem:s5], [sflag:s4] =	dma.local [hbm:s2], $0x1  }
0x93: {  	_ =	swait.eq [sflag:s4], $0x1  }
0x94: {  	s16 =	sld [smem:$0x11];
	[sflag:s4] =	ssyncset.done $0x0  }
0x95: {  	s17 =	sld [smem:$0x12];
	[sflag:s4] =	ssyncadd.s32 $0xFFFFFFFF  }
0x96: {  	s18 =	sld [smem:$0x13];
	(tm) =	ssettm $0x1  }
0x97: {  	s6 =	sld [smem:$0x3FFB];
	_ =	sdelay $0x3  }
0x98: {  	_ =	strace s6  }
0x99: {  	s6 =	sld [smem:$0x3FFC];
	_ =	sdelay $0x3  }
0x9a: {  	_ =	strace s6  }
0x9b: {  	s6 =	sld [smem:$0x3FFD];
	_ =	sdelay $0x3  }
0x9c: {  	_ =	strace s6  }
0x9d: {  	_ =	strace $0x8FFFFFFF  }
0x9e: {  	s19 =	sld [smem:$0x3FDB];
	_ =	sdelay $0x1  }
0x9f: {  	s7 =	simm.s32 $_scs_section_size  }
0xa0: {  	s8 =	simm.s32 $_size__tile_overlayer_lowered;
	s9 =	simm.s32 $_tile_overlayer_lowered  }
0xa1: {  	s22 =	simm.s32 $0x1BFF;
	s21 =	sshll.u32 s9, $0x1;
	s6 =	sadd.s32 s7, s19  }
0xa2: {  	s10 =	simm.s32 $0x0;
	s20 =	sshll.u32 s8, $0x1;
	s8 =	sadd.s32 s21, s6  }
0xa3: {  	[timem:s10], [sflag:s22] =	dma.local [hbm:s8], s20  }
0xa4: {  	_ =	swait.ge [sflag:s22], s20  }
0xa5: {  	s7 =	ssub.s32 $0x0, s20;
	[sflag:s22] =	ssyncset.done $0x0  }
0xa6: {  	[sflag:s22] =	ssyncadd.s32 s7;
	_ =	sdelay $0x1  }
0xa7: {  	s23 =	simm.s32 $0x1B8B  }
0xa8: {  	_ =	swait.ge [sflag:s23], $0x1  }
0xa9: {  	[sflag:s23] =	ssyncset.done $0x0  }
0xaa: {  	s25 =	simm.s32 $0x1B8E;
	s24 =	sld [smem:$0x3FFE];
	[sflag:s23] =	ssyncadd.s32 $0xFFFFFFFF  }
0xab: {  	s26 =	simm.s32 $execute0_lowered;
	[smem:$0x3FD2] =	sst s25  }
0xac: {  	s8 =	sshll.u32 s26, $0x1;
	_ =	strace $0x80000046;
	[dreg:$0x1] =	wrdreg $0xFFFFFFFF  }
0xad: {  	s28 =	simm.s32 $_size_execute0_lowered;
	s6 =	sadd.s32 s6, s8;
	[dreg:$0x0] =	wrdreg $0x0  }
0xae: {  	s8 =	sshll.u32 s28, $0x1;
	[dreg:$0x2] =	wrdreg s6  }
0xaf: {  	[dreg:$0x3] =	wrdreg s8  }
0xb0: {  	[dreg:$0x4] =	wrdreg $0xC0  }
0xb1: {  	_ =	task [dreg:s10], $0x5FFFF  }
0xb2: {  	[dreg:$0x1] =	wrdreg $0xFFFFFFFF  }
0xb3: {  	[dreg:$0x0] =	wrdreg $0x60  }
0xb4: {  	[dreg:$0x2] =	wrdreg s15  }
0xb5: {  	[dreg:$0x3] =	wrdreg s24  }
0xb6: {  	[dreg:$0x4] =	wrdreg s16  }
0xb7: {  	[dreg:$0x5] =	wrdreg s17  }
0xb8: {  	[dreg:$0x6] =	wrdreg s18  }
0xb9: {  	[dreg:$0x7] =	wrdreg $0x9  }
0xba: {  	_ =	task.clear_ibuf [dreg:s10], $0x8FFFF;
	_ =	strace $0x90000046  }
0xbb: {  	s29 =	simm.s32 $0x9;
	_ =	strace $0x80000048  }
0xbc: {  	_ =	swait.ge [sflag:s29], $0x1  }
0xbd: {  	[sflag:s29] =	ssyncadd.s32 $0xFFFFFFFF  }
0xbe: {  	_ =	strace $0x90000048  }
0xbf: {  	_ =	sfence  }
0xc0: {  	s30 =	sld [smem:$0x0];
	_ =	sdelay $0x2  }
0xc1: {  	s31 =	sshll.u32 s1, $0xD;
	s1 =	sshrl.u32 s1, $0x2  }
0xc2: {  	s3 =	sand.u32 $0x4000, s31;
	s1 =	sadd.s32 s1, s30  }
0xc3: {  	s0 =	sor.u32 s3, s0;
	s1 =	sshll.u32 s1, $0x11  }
0xc4: {  	s0 =	sor.u32 s1, s0  }
0xc5: {  	s0 =	sadd.s32 $0x8F2B, s0  }
0xc6: {  	[sflag:s0] =	ssyncadd.remote.s32 $0x1  }
0xc7: {  	_ =	sfence.sel $0xFFFF  }
0xc8: {  	[dreg:$0x0] =	wrdreg $0xFFFFFFFF;
	(pc) =	sbr.abs _section_cstart, $3  }
0xc9: {  	[dreg:$0x1] =	wrdreg $0xFFFFFFFF  }
0xca: {  	_ =	task.clear_ibuf [dreg:s10], $0x2FFFF;
	_ =	strace $0x9FFFFFFF  }
0xcb: {  	(tm) =	ssettm $0x7FFFFFFF  }
tec
execute0_lowered:
.L_overlay_start_1:
0x0: {  	(tag) =	ssettag $0x1  }
0x1: {  	s0 =	rddreg [dreg:$0x1];
	s1 =	srdreg.scid;
	v0 =	vlaneseq.u32  }
0x2: {  	s2 =	stileid.u32;
	_ =	strace $0x80000047;
	s11 =	simm.s32 $0x4000;
	v2 =	vmul.u32 $0x80, v0  }
0x3: {  	v4 =	vimm.s32 $0x0;
	s12 =	simm.s32 $0x8000;
	s13 =	simm.s32 $0x1;
	s14 =	simm.s32 $0xC000  }
0x4: {  	v5 =	vimm.s32 $0x3FFF;
	v6 =	vimm.s32 $0xFFFFFFFF;
	s15 =	simm.s32 $0x80;
	s16 =	simm.s32 $0x14000;
	s17 =	simm.s32 $0x1000;
	v7 =	vor.u32 $0x800, v2  }
0x5: {  	s18 =	simm.s32 $0x18080;
	s19 =	simm.s32 $0x19880;
	s20 =	simm.s32 $0x800;
	v8 =	vor.u32 $0x1000, v2;
	v9 =	vor.u32 $0x1800, v2;
	v10 =	vor.u32 $0x2000, v2  }
0x6: {  	s21 =	simm.s32 $0x19080;
	s22 =	simm.s32 $0x1A880;
	s23 =	simm.s32 $0x1B080;
	v11 =	vor.u32 $0x2800, v2;
	v12 =	vor.u32 $0x3000, v2;
	v13 =	vor.u32 $0x3800, v2  }
0x7: {  	s24 =	simm.s32 $0x1B100;
	s25 =	simm.s32 $0x2;
	s1 =	sand.u32 $0x1, s1;
	v14 =	vor.u32 $0x30, v2;
	v15 =	vor.u32 $0x31, v2;
	v16 =	vor.u32 $0x830, v2  }
.Ltmp0:
0x8: {  	s3 =	sshll.u32 s1, $0xF;
	s1 =	ssub.s32 $0x2, s1;
	v17 =	vor.u32 $0x831, v2;
	v18 =	vor.u32 $0x1030, v2;
	v19 =	vor.u32 $0x1031, v2;
	(pc) =	sbr.rel .LBB2_1-.Ltmp0, $4  }
0x9: {  	s26 =	simm.s32 $0x3;
	s2 =	sshll.u32 s2, $0x10;
	s30 =	sshrl.u32 s1, $0x1;
	v20 =	vor.u32 $0x1830, v2;
	v21 =	vor.u32 $0x1831, v2;
	v22 =	vor.u32 $0x2030, v2  }
0xa: {  	s6 =	sadd.s32 $0x1E00, s0;
	s2 =	sor.u32 s3, s2;
	v23 =	vor.u32 $0x2031, v2;
	v24 =	vor.u32 $0x2830, v2;
	v25 =	vor.u32 $0x2831, v2;
	s31 =	ssub.s32 s1, s30  }
0xb: {  	s7 =	sadd.s32 $0x81E00, s0;
	v26 =	vor.u32 $0x3030, v2;
	v27 =	vor.u32 $0x3031, v2;
	v28 =	vor.u32 $0x3830, v2;
	s3 =	sadd.s32 $0x8000, s2;
	s0 =	smax.u32 s31, $0x1  }
0xc: {  	s28 =	simm.s32 $0x4;
	v29 =	vor.u32 $0x3831, v2;
	v1 =	vmov s2;
	s1 =	simm.s32 $0x0;
	v3 =	vmov s3;
	[dreg:$0x6] =	wrdreg s0  }
.LBB2_34:
0xd: {  	s1 =	rddreg [dreg:$0x7]  }
0xe: {  	s0 =	rddreg [dreg:$0x6];
	s1 =	sadd.s32 $0x1, s1  }
0xf: {  	p0 =	sne.s32 s1, s0  }
.Ltmp1:
0x10: {  	_ = 	snop;
	(pc) =	sbr.rel @!p0 .LBB2_35-.Ltmp1, $1  }
0x11: {  	_ =	sdelay $0x3  }
.LBB2_1:
0x12: {  	[dreg:$0x7] =	wrdreg s1  }
0x13: {  	s0 =	rddreg [dreg:$0x0];
	s30 =	simm.s32 $0x0;
	s31 =	simm.s32 $0x5  }
0x14: {  	[tilespmem:s30], [sflag:$0x5] =	stream.linear.gather [hbm4b:s0+s30], $0x4000, $0x38;
	[tilespmem:$0x1B180] =	vst v63  }
0x15: {  	_ =	swait.ge [sflag:s31], $0x4000  }
0x16: {  	[sflag:s31] =	ssyncset.done $0x0  }
0x17: {  	[sflag:s31] =	ssyncadd.s32 $0xFFFFC000  }
0x18: {  	v30 =	vld [tilespmem:s30+$0x0];
	_ =	sdelay $0x4  }
0x19: {  	vm0 =	vge.s32 v30, v1;
	vm1 =	vlt.s32 v30, v3  }
0x1a: {  	vm0 =	vmand vm0, vm1  }
0x1b: {  	v31 =	vsel vm0, $0x1, v4  }
0x1c: {  	(xrf0) =	vadd.scan.msk.s32 $0xffff, v31;
	_ =	sdelay $0x2  }
0x1d: {  	v31 =	vmov s30  }
0x1e: {  	v31 =	vadd.s32 $0xFFFFFFFF, v31  }
0x1f: {  	v31 =	vbroadcast v31, $0x0  }
0x20: {  	v32, _, _ =	vpop (xrf0)  }
0x21: {  	v31 =	vadd.s32 v31, v32;
	(v2sf) =	vpush v32, $0xF;
	_ =	sdelay $0x4  }
0x22: {  	[tilespmem:v31+s11+$0x0] =	vst.idx.msk vm0, v30;
	v30 =	vor.u32 s30, v0  }
0x23: {  	s0 =	simm.s32 $0x10;
	[tilespmem:v31+s12+$0x0] =	vst.idx.msk vm0, v30  }
0x24: {  	s2 =	simm.s32 $0x20;
	s1 =	simm.s32 $0x0;
	s3 =	simm.s32 $0x10;
	v30 =	vld [tilespmem:s0+$0x0]  }
.LBB2_2:
0x25: {  	p0 =	sne.s32 s2, $0x3FF0;
	_ =	sdelay $0x3  }
0x26: {  	vm0 =	vge.s32 v30, v1;
	vm1 =	vlt.s32 v30, v3  }
0x27: {  	vm0 =	vmand vm0, vm1  }
0x28: {  	v31 =	vsel vm0, $0x1, v4  }
0x29: {  	(xrf0) =	vadd.scan.msk.s32 $0xffff, v31;
	s4 =	spop (v2sf)  }
0x2a: {  	s1 =	sadd.s32 s1, s4  }
0x2b: {  	v31 =	vmov s1  }
0x2c: {  	v31 =	vadd.s32 $0xFFFFFFFF, v31  }
0x2d: {  	v31 =	vbroadcast v31, $0x0;
	_ =	sdelay $0x1  }
0x2e: {  	v32, _, _ =	vpop (xrf0)  }
0x2f: {  	v31 =	vadd.s32 v31, v32;
	(v2sf) =	vpush v32, $0xF;
	_ =	sdelay $0x2  }
.Ltmp2:
0x30: {  	(pc) =	sbr.rel @p0 .LBB2_2-.Ltmp2, $4  }
0x31: {  	_ = 	snop  }
0x32: {  	v32 =	vor.u32 s0, v0;
	s0 =	smov.u32 s2;
	[tilespmem:v31+s11+$0x0] =	vst.idx.msk vm0, v30  }
0x33: {  	s3 =	sadd.s32 $0x10, s3;
	[tilespmem:v31+s12+$0x0] =	vst.idx.msk vm0, v32  }
0x34: {  	s2 =	sadd.s32 $0x10, s2;
	v30 =	vld [tilespmem:s3+$0x0]  }
0x35: {  	_ =	sdelay $0x3  }
0x36: {  	vm0 =	vge.s32 v30, v1;
	vm1 =	vlt.s32 v30, v3  }
0x37: {  	vm0 =	vmand vm0, vm1  }
0x38: {  	v31 =	vsel vm0, $0x1, v4  }
0x39: {  	(xrf0) =	vadd.scan.msk.s32 $0xffff, v31;
	_ =	sdelay $0x5  }
0x3a: {  	v31, _, _ =	vpop (xrf0)  }
0x3b: {  	(v2sf) =	vpush v31, $0xF;
	_ =	sdelay $0x8  }
0x3c: {  	s2 =	spop (v2sf)  }
0x3d: {  	s1 =	sadd.s32 s1, s2  }
0x3e: {  	v32 =	vmov s1  }
0x3f: {  	v32 =	vadd.s32 $0xFFFFFFFF, v32  }
0x40: {  	v32 =	vbroadcast v32, $0x0;
	_ =	sdelay $0x1  }
0x41: {  	v31 =	vadd.s32 v32, v31;
	s10 =	spop (v2sf)  }
0x42: {  	s1 =	sadd.s32 s1, s10  }
0x43: {  	s2 =	sadd.s32 $0x7F, s1  }
0x44: {  	s3 =	sand.u32 $0x7F, s2  }
0x45: {  	s29 =	sshra.s32 s2, $0x1F;
	p1 =	slt.s32 s2, $0x1;
	p0 =	sne.s32 s3, $0x0  }
0x46: {  	v63 =	vor.u32 s0, v0;
	[tilespmem:v31+s11+$0x0] =	vst.idx.msk vm0, v30;
	s30 =	sshrl.u32 s29, $0x19;
	p0 =	por !p1, !p0  }
0x47: {  	[tilespmem:v31+s12+$0x0] =	vst.idx.msk vm0, v63;
	s0 =	sadd.s32 s30, s2;
	s2 =	simm.s32 $0x1;
	p0 =	por !p0, !p0  }
0x48: {  	v30 =	vld [tilespmem:$0x3FF0];
	s0 =	sshrl.u32 s0, $0x7;
	s2 =	simm.s32 @!p0 $0x0  }
0x49: {  	s0 =	ssub.s32 s0, s2  }
0x4a: {  	s31 =	sadd.s32 $0x0, s1;
	s0 =	sshll.u32 s0, $0x7  }
0x4b: {  	v31 =	vadd.s32 s31, v0;
	v32 =	vmov s0  }
0x4c: {  	vm0 =	vlt.s32 v31, v32  }
0x4d: {  	v30 =	vbroadcast v30, $0xF;
	s2 =	simm.s32 $0x10;
	vm1 =	vmmov vm0  }
.LBB2_4:
0x4e: {  	p0 =	sne.s32 s2, $0x70  }
.Ltmp3:
0x4f: {  	_ = 	snop;
	(pc) =	sbr.rel @p0 .LBB2_4-.Ltmp3, $4  }
0x50: {  	s3 =	sadd.s32 s2, s1  }
0x51: {  	v33 =	vadd.s32 s3, v0  }
0x52: {  	[tilespmem:v31+s11+$0x0] =	vst.idx.msk vm0, v30;
	vm0 =	vlt.s32 v33, v32  }
0x53: {  	s2 =	sadd.s32 $0x10, s2;
	[tilespmem:v31+s12+$0x0] =	vst.idx.msk vm1, v5;
	v31 =	vmov v33;
	vm1 =	vmmov vm0  }
0x54: {  	_ =	sdelay $0x4  }
0x55: {  	[tilespmem:v31+s11+$0x0] =	vst.idx.msk vm0, v30  }
0x56: {  	s3 =	simm.s32 $0x40;
	s2 =	simm.s32 $0x0;
	[tilespmem:v31+s12+$0x0] =	vst.idx.msk vm1, v5  }
.LBB2_6:
0x57: {  	p0 =	sne.s32 s3, $0x1FFC0;
	[tilespmem:s2+$0xC000] =	vst v6;
	s2 =	smov.u32 s3;
	s3 =	sadd.s32 $0x40, s3  }
.Ltmp4:
0x58: {  	(pc) =	sbr.rel @p0 .LBB2_6-.Ltmp4, $2  }
0x59: {  	_ =	sdelay $0x2  }
0x5a: {  	s2 =	sshra.s32 s2, $0x2  }
0x5b: {  	s3 =	sadd.s32 $0xF, s1  }
0x5c: {  	s4 =	sand.u32 $0xF, s3  }
0x5d: {  	s31 =	sshra.s32 s3, $0x1F;
	p1 =	slt.s32 s3, $0x1;
	p0 =	sne.s32 s4, $0x0  }
0x5e: {  	s4 =	sshrl.u32 s31, $0x1C;
	p0 =	por !p1, !p0  }
0x5f: {  	s3 =	sadd.s32 s4, s3;
	s4 =	simm.s32 $0x1;
	p0 =	por !p0, !p0  }
0x60: {  	s3 =	sshra.s32 s3, $0x4;
	s4 =	simm.s32 @!p0 $0x0  }
0x61: {  	s30 =	ssub.s32 s3, s4  }
0x62: {  	[tilespmem:s2+$0xC000] =	vst v6;
	v31 =	vmov s1;
	p0 =	slt.s32 s30, $0x1  }
.LBB2_8:
.Ltmp5:
0x63: {  	(pc) =	sbr.rel @p0 .LBB2_24-.Ltmp5, $1  }
0x64: {  	_ =	sdelay $0x3  }
0x65: {  	p3 =	seq.s32 s30, $0x1  }
.Ltmp6:
0x66: {  	_ = 	snop;
	(pc) =	sbr.rel @p3 .LBB2_10-.Ltmp6, $3  }
0x67: {  	_ =	sdelay $0x1  }
0x68: {  	s8 =	simm.s32 $0x4000;
	s1 =	simm.s32 $0x8000;
	s31 =	simm.s32 $0x0  }
0x69: {  	s3 =	sadd.s32 $0xFFFFFFFF, s30;
	p1 =	por $0x0, $0x0;
	p2 =	por $0x0, $0x0  }
0x6a: {  	v32 =	vld [tilespmem:s8+$0x0]  }
0x6b: {  	p3 =	seq.s32 s3, $0x1  }
.Ltmp7:
0x6c: {  	_ = 	snop;
	(pc) =	sbr.rel @p3 .LBB2_15-.Ltmp7, $4  }
0x6d: {  	_ = 	snop  }
0x6e: {  	v33 =	vor.u32 s31, v0  }
0x6f: {  	vm0 =	vlt.s32 v33, v31;
	v32 =	vsub.s32 v32, v1  }
0x70: {  	s2 =	sadd.s32 $0xFFFFFFFF, s3;
	p1 =	por $0x1, $0x1;
	v32 =	vnsel vm0, $0x0, v32  }
0x71: {  	_ =	sdelay $0x4  }
0x72: {  	v33 =	vld.idx.msk [tilespmem:v32+s14+$0x0], vm0  }
0x73: {  	v34 =	vld [tilespmem:s1+$0x0];
	_ =	sdelay $0x4  }
0x74: {  	vm1 =	vgt.s32 v34, v33  }
0x75: {  	vm0 =	vmand vm0, vm1  }
0x76: {  	v61 =	vsel vm0, $0x1, v4  }
0x77: {  	(xrf0) =	vadd.scan.msk.s32 $0xffff, v61;
	_ =	sdelay $0x3  }
0x78: {  	s9 =	simm.s32 $0x4010;
	[tilespmem:v32+s14+$0x0] =	vst.idx.msk vm0, v34  }
0x79: {  	v32 =	vld [tilespmem:s9+$0x0]  }
0x7a: {  	p3 =	seq.s32 s2, $0x1;
	v63, _, _ =	vpop (xrf0)  }
.Ltmp8:
0x7b: {  	(v2sf) =	vpush v63, $0xF;
	(pc) =	sbr.rel @p3 .LBB2_17-.Ltmp8, $4  }
0x7c: {  	s29 =	simm.s32 $0x10  }
0x7d: {  	v62 =	vor.u32 s29, v0  }
0x7e: {  	s4 =	sadd.s32 $0xFFFFFFFF, s2;
	vm0 =	vlt.s32 v62, v31;
	v32 =	vsub.s32 v32, v1  }
0x7f: {  	p2 =	por $0x1, $0x1;
	s2 =	simm.s32 $0x8000;
	s10 =	simm.s32 $0x0;
	v32 =	vnsel vm0, $0x0, v32  }
.LBB2_18:
0x80: {  	p3 =	seq.s32 s4, $0x1;
	_ =	sdelay $0x3  }
0x81: {  	s2 =	sadd.s32 $0x10, s2;
	v33 =	vld.idx.msk [tilespmem:v32+s14+$0x0], vm0  }
0x82: {  	v34 =	vld [tilespmem:s2+$0x0];
	_ =	sdelay $0x4  }
0x83: {  	vm1 =	vgt.s32 v34, v33;
	s5 =	spop (v2sf)  }
0x84: {  	vm0 =	vmand vm0, vm1;
	s10 =	sadd.s32 s10, s5  }
0x85: {  	v33 =	vsel vm0, $0x1, v4  }
0x86: {  	(xrf0) =	vadd.scan.msk.s32 $0xffff, v33;
	_ =	sdelay $0x3  }
0x87: {  	s9 =	sadd.s32 $0x10, s9;
	[tilespmem:v32+s14+$0x0] =	vst.idx.msk vm0, v34  }
0x88: {  	v32 =	vld [tilespmem:s9+$0x0]  }
0x89: {  	v33, _, _ =	vpop (xrf0)  }
.Ltmp9:
0x8a: {  	(v2sf) =	vpush v33, $0xF;
	(pc) =	sbr.rel @!p3 .LBB2_18-.Ltmp9, $4  }
0x8b: {  	s29 =	sadd.s32 $0x10, s29  }
0x8c: {  	v33 =	vor.u32 s29, v0  }
0x8d: {  	vm0 =	vlt.s32 v33, v31;
	v32 =	vsub.s32 v32, v1  }
0x8e: {  	s4 =	sadd.s32 $0xFFFFFFFF, s4;
	v32 =	vnsel vm0, $0x0, v32  }
.LBB2_19:
0x8f: {  	_ =	sdelay $0x3  }
0x90: {  	s2 =	sadd.s32 @p2 $0x10, s2;
	s4 =	simm.s32 $0x8000  }
0x91: {  	v33 =	vld.idx.msk @p1 [tilespmem:v32+s14+$0x0], vm0;
	s4 =	smov.u32 @p2 s2  }
0x92: {  	v34 =	vld @p1 [tilespmem:s4+$0x0];
	_ =	sdelay $0x4  }
0x93: {  	vm1 =	vgt.s32 @p1 v34, v33  }
0x94: {  	vm0 =	vmand @p1 vm0, vm1;
	_ =	sdelay $0x4  }
0x95: {  	s2 =	sadd.s32 @p1 $0x10, s9  }
0x96: {  	s8 =	smov.u32 @p1 s2;
	[tilespmem:v32+s14+$0x0] =	vst.idx.msk @p1 vm0, v34  }
0x97: {  	v32 =	vld [tilespmem:s8+$0x0];
	_ =	sdelay $0x1  }
0x98: {  	s5 =	simm.s32 $0x0;
	s2 =	sadd.s32 @p1 $0x10, s29  }
0x99: {  	s5 =	smov.u32 @p1 s2  }
0x9a: {  	v61 =	vor.u32 s5, v0  }
0x9b: {  	vm14 =	vlt.s32 v61, v31;
	v32 =	vsub.s32 v32, v1  }
0x9c: {  	v32 =	vnsel vm14, $0x0, v32;
	_ =	sdelay $0x1  }
0x9d: {  	s2 =	sadd.s32 @p1 $0x10, s4  }
0x9e: {  	s1 =	smov.u32 @p1 s2  }
0x9f: {  	v34 =	vld [tilespmem:s1+$0x0]  }
0xa0: {  	v33 =	vld.idx.msk [tilespmem:v32+s14+$0x0], vm14;
	_ =	sdelay $0x4  }
0xa1: {  	v35 =	vsel @p1 vm0, $0x1, v4;
	vm15 =	vgt.s32 v34, v33  }
0xa2: {  	(xrf0) =	vadd.scan.msk.s32 @p1 $0xffff, v35;
	vm0 =	vmand vm14, vm15  }
0xa3: {  	v62 =	vsel vm0, $0x1, v4  }
0xa4: {  	(xrf0) =	vadd.scan.msk.s32 $0xffff, v62;
	_ =	sdelay $0x3  }
0xa5: {  	v33, _, _ =	vpop @p1 (xrf0)  }
0xa6: {  	(v2sf) =	vpush @p1 v33, $0xF  }
0xa7: {  	v63, _, _ =	vpop (xrf0)  }
0xa8: {  	(v2sf) =	vpush v63, $0xF;
	_ =	sdelay $0xa  }
0xa9: {  	s1 =	spop @p2 (v2sf)  }
0xaa: {  	s2 =	simm.s32 $0x0;
	s1 =	sadd.s32 @p2 s10, s1  }
0xab: {  	s2 =	smov.u32 @p2 s1;
	s4 =	spop @p1 (v2sf)  }
0xac: {  	s1 =	sadd.s32 @p1 s2, s4  }
0xad: {  	s31 =	smov.u32 @p1 s1;
	s29 =	spop (v2sf)  }
0xae: {  	[tilespmem:v32+s14+$0x0] =	vst.idx.msk vm0, v34;
	s1 =	sadd.s32 s31, s29  }
0xaf: {  	p1 =	slt.s32 s1, $0x1  }
.Ltmp10:
0xb0: {  	_ = 	snop;
	(pc) =	sbr.rel @!p1 .LBB2_8-.Ltmp10, $4  }
.Ltmp11:
0xb1: {  	_ = 	snop;
	(pc) =	sbr.rel @p1 .LBB2_12-.Ltmp11, $4  }
0xb2: {  	_ = 	snop  }
0xb3: {  	_ = 	snop  }
0xb4: {  	_ = 	snop  }
0xb5: {  	_ = 	snop  }
.LBB2_10:
.Ltmp12:
0xb6: {  	(pc) =	sbr.rel .LBB2_19-.Ltmp12, $3  }
0xb7: {  	_ =	sdelay $0x1  }
0xb8: {  	s2 =	simm.s32 $0x8000  }
0xb9: {  	s10 =	simm.s32 $0x0;
	s9 =	simm.s32 $0x4000;
	s29 =	simm.s32 $0x0  }
.LBB2_15:
.Ltmp13:
0xba: {  	(pc) =	sbr.rel .LBB2_19-.Ltmp13, $3  }
0xbb: {  	_ =	sdelay $0x1  }
0xbc: {  	s2 =	simm.s32 $0x8000  }
0xbd: {  	s10 =	simm.s32 $0x0;
	s9 =	simm.s32 $0x4000;
	s29 =	simm.s32 $0x0  }
.LBB2_17:
.Ltmp14:
0xbe: {  	(pc) =	sbr.rel .LBB2_19-.Ltmp14, $2  }
0xbf: {  	_ =	sdelay $0x2  }
0xc0: {  	s2 =	simm.s32 $0x8000;
	s10 =	simm.s32 $0x0  }
.LBB2_12:
0xc1: {  	p1 =	sne.s32 s30, $0x1  }
.Ltmp15:
0xc2: {  	_ = 	snop;
	(pc) =	sbr.rel @!p1 .LBB2_13-.Ltmp15, $3  }
0xc3: {  	_ =	sdelay $0x1  }
0xc4: {  	s8 =	simm.s32 $0x4000  }
0xc5: {  	s1 =	simm.s32 $0x8000;
	s9 =	simm.s32 $0x0;
	p0 =	por $0x0, $0x0;
	v32 =	vld [tilespmem:s8+$0x0]  }
0xc6: {  	_ =	sdelay $0x2  }
0xc7: {  	v33 =	vor.u32 s9, v0  }
0xc8: {  	vm0 =	vlt.s32 v33, v31;
	v61 =	vsub.s32 v32, v1  }
0xc9: {  	v33 =	vnsel vm0, $0x0, v61;
	_ =	sdelay $0x3  }
0xca: {  	v34 =	vld [tilespmem:s1+$0x0]  }
0xcb: {  	v33 =	vld.idx.msk [tilespmem:v33+s14+$0x0], vm0;
	_ =	sdelay $0x4  }
0xcc: {  	vm1 =	vne.s32 v33, v34  }
0xcd: {  	p1 =	sne.s32 s3, $0x1;
	vm0 =	vmand vm0, vm1  }
.Ltmp16:
0xce: {  	v62 =	vsel vm0, v30, v32;
	(pc) =	sbr.rel @!p1 .LBB2_21-.Ltmp16, $4  }
0xcf: {  	v63 =	vsel vm0, $0x3FFF, v34;
	[tilespmem:s8+$0x0] =	vst v62  }
0xd0: {  	s8 =	simm.s32 $0x4010;
	[tilespmem:s1+$0x0] =	vst v63  }
0xd1: {  	s4 =	sadd.s32 $0xFFFFFFFF, s3;
	v32 =	vld [tilespmem:s8+$0x0]  }
0xd2: {  	p0 =	por $0x1, $0x1;
	s3 =	simm.s32 $0x0;
	s2 =	simm.s32 $0x8000  }
.LBB2_22:
0xd3: {  	p1 =	sne.s32 s4, $0x1  }
0xd4: {  	s3 =	sadd.s32 $0x10, s3  }
0xd5: {  	v33 =	vor.u32 s3, v0  }
0xd6: {  	vm0 =	vlt.s32 v33, v31;
	v33 =	vsub.s32 v32, v1  }
0xd7: {  	v33 =	vnsel vm0, $0x0, v33;
	_ =	sdelay $0x4  }
0xd8: {  	s2 =	sadd.s32 $0x10, s2;
	v33 =	vld.idx.msk [tilespmem:v33+s14+$0x0], vm0  }
0xd9: {  	v34 =	vld [tilespmem:s2+$0x0];
	_ =	sdelay $0x4  }
0xda: {  	vm1 =	vne.s32 v33, v34  }
0xdb: {  	vm0 =	vmand vm0, vm1  }
.Ltmp17:
0xdc: {  	v32 =	vsel vm0, v30, v32;
	v33 =	vsel vm0, $0x3FFF, v34;
	(pc) =	sbr.rel @p1 .LBB2_22-.Ltmp17, $4  }
0xdd: {  	[tilespmem:s8+$0x0] =	vst v32  }
0xde: {  	s8 =	sadd.s32 $0x10, s8;
	[tilespmem:s2+$0x0] =	vst v33  }
0xdf: {  	v32 =	vld [tilespmem:s8+$0x0]  }
0xe0: {  	s4 =	sadd.s32 $0xFFFFFFFF, s4  }
.LBB2_23:
0xe1: {  	s3 =	sadd.s32 @p0 $0x10, s3  }
0xe2: {  	s9 =	smov.u32 @p0 s3  }
0xe3: {  	v33 =	vor.u32 s9, v0  }
0xe4: {  	vm0 =	vlt.s32 v33, v31;
	v31 =	vsub.s32 v32, v1  }
0xe5: {  	v31 =	vnsel vm0, $0x0, v31;
	_ =	sdelay $0x1  }
0xe6: {  	s2 =	sadd.s32 @p0 $0x10, s2  }
0xe7: {  	s1 =	smov.u32 @p0 s2  }
0xe8: {  	v63 =	vld [tilespmem:s1+$0x0]  }
0xe9: {  	v31 =	vld.idx.msk [tilespmem:v31+s14+$0x0], vm0;
	_ =	sdelay $0x4  }
0xea: {  	vm1 =	vne.s32 v31, v63  }
0xeb: {  	vm0 =	vmand vm0, vm1  }
0xec: {  	v30 =	vsel vm0, v30, v32  }
0xed: {  	v31 =	vsel vm0, $0x3FFF, v63;
	[tilespmem:s8+$0x0] =	vst v30  }
0xee: {  	[tilespmem:s1+$0x0] =	vst v31  }
.LBB2_24:
0xef: {  	s30 =	sshra.s32 s0, $0x7  }
0xf0: {  	p0 =	slt.s32 s30, $0x1  }
.Ltmp18:
0xf1: {  	_ = 	snop;
	(pc) =	sbr.rel @p0 .LBB2_34-.Ltmp18, $2  }
0xf2: {  	_ =	sdelay $0x2  }
0xf3: {  	s31 =	simm.s32 $0x0;
	s3 =	simm.s32 $0x0  }
.LBB2_25:
0xf4: {  	s0 =	sshll.u32 s3, $0x7  }
0xf5: {  	s1 =	sadd.s32 $0x8000, s0  }
0xf6: {  	[tilespmem:s16], [sflag:$0x1] =	stream.indirect.gather [hbm4b:s6+s15], $0x80, s1, s15, $0xb8;
	[tilespmem:$0x1B180] =	vst v63  }
0xf7: {  	v30 =	vld [tilespmem:s0+$0x4000];
	_ =	sdelay $0x4  }
0xf8: {  	v31 =	vshll.u32 v30, $0x3  }
0xf9: {  	v30 =	vand.u32 $0x7F, v30;
	v31 =	vand.u32 $0xFFFFFC00, v31  }
0xfa: {  	v30 =	vor.u32 v30, v31  }
0xfb: {  	[tilespmem:$0x18000] =	vst v30  }
0xfc: {  	v30 =	vld [tilespmem:s0+$0x4010];
	_ =	sdelay $0x4  }
0xfd: {  	v31 =	vshll.u32 v30, $0x3  }
0xfe: {  	v30 =	vand.u32 $0x7F, v30;
	v31 =	vand.u32 $0xFFFFFC00, v31  }
0xff: {  	v30 =	vor.u32 v30, v31  }
0x100: {  	[tilespmem:$0x18010] =	vst v30  }
0x101: {  	v30 =	vld [tilespmem:s0+$0x4020];
	_ =	sdelay $0x4  }
0x102: {  	v31 =	vshll.u32 v30, $0x3  }
0x103: {  	v30 =	vand.u32 $0x7F, v30;
	v31 =	vand.u32 $0xFFFFFC00, v31  }
0x104: {  	v30 =	vor.u32 v30, v31  }
0x105: {  	[tilespmem:$0x18020] =	vst v30  }
0x106: {  	v30 =	vld [tilespmem:s0+$0x4030];
	_ =	sdelay $0x4  }
0x107: {  	v31 =	vshll.u32 v30, $0x3  }
0x108: {  	v30 =	vand.u32 $0x7F, v30;
	v31 =	vand.u32 $0xFFFFFC00, v31  }
0x109: {  	v30 =	vor.u32 v30, v31  }
0x10a: {  	[tilespmem:$0x18030] =	vst v30  }
0x10b: {  	v30 =	vld [tilespmem:s0+$0x4040];
	_ =	sdelay $0x4  }
0x10c: {  	v31 =	vshll.u32 v30, $0x3  }
0x10d: {  	v30 =	vand.u32 $0x7F, v30;
	v31 =	vand.u32 $0xFFFFFC00, v31  }
0x10e: {  	v30 =	vor.u32 v30, v31  }
0x10f: {  	[tilespmem:$0x18040] =	vst v30  }
0x110: {  	v30 =	vld [tilespmem:s0+$0x4050];
	_ =	sdelay $0x4  }
0x111: {  	v31 =	vshll.u32 v30, $0x3  }
0x112: {  	v30 =	vand.u32 $0x7F, v30;
	v31 =	vand.u32 $0xFFFFFC00, v31  }
0x113: {  	v30 =	vor.u32 v30, v31  }
0x114: {  	[tilespmem:$0x18050] =	vst v30  }
0x115: {  	v30 =	vld [tilespmem:s0+$0x4060];
	_ =	sdelay $0x4  }
0x116: {  	v31 =	vshll.u32 v30, $0x3  }
0x117: {  	v30 =	vand.u32 $0x7F, v30;
	v31 =	vand.u32 $0xFFFFFC00, v31  }
0x118: {  	v30 =	vor.u32 v30, v31  }
0x119: {  	[tilespmem:$0x18060] =	vst v30  }
0x11a: {  	v30 =	vld [tilespmem:s0+$0x4070];
	_ =	sdelay $0x2  }
0x11b: {  	v31 =	vld [tilespmem:$0x18000];
	_ =	sdelay $0x1  }
0x11c: {  	v32 =	vshll.u32 v30, $0x3  }
0x11d: {  	s29 =	sand.u32 $0x1800000, s31;
	s2 =	sand.u32 $0x380, s31;
	v30 =	vand.u32 $0x7F, v30;
	v32 =	vand.u32 $0xFFFFFC00, v32  }
0x11e: {  	s2 =	sor.u32 s2, s29;
	v30 =	vor.u32 v30, v32  }
0x11f: {  	s1 =	simm.s32 $0x180C0;
	[tilespmem:$0x18070] =	vst v30;
	v30 =	vadd.s32 s2, v31  }
0x120: {  	[tilespmem:s1+$0xFFFFFFC0] =	vst v30  }
0x121: {  	v30 =	vld [tilespmem:$0x18010];
	_ =	sdelay $0x4  }
0x122: {  	v30 =	vadd.s32 s2, v30  }
0x123: {  	[tilespmem:s1+$0xFFFFFFD0] =	vst v30  }
0x124: {  	v30 =	vld [tilespmem:$0x18020];
	_ =	sdelay $0x4  }
0x125: {  	v30 =	vadd.s32 s2, v30  }
0x126: {  	[tilespmem:s1+$0xFFFFFFE0] =	vst v30  }
0x127: {  	v30 =	vld [tilespmem:$0x18030];
	_ =	sdelay $0x4  }
0x128: {  	v30 =	vadd.s32 s2, v30  }
0x129: {  	[tilespmem:s1+$0xFFFFFFF0] =	vst v30  }
0x12a: {  	v30 =	vld [tilespmem:$0x18040];
	_ =	sdelay $0x4  }
0x12b: {  	v30 =	vadd.s32 s2, v30  }
0x12c: {  	[tilespmem:s1+$0x0] =	vst v30  }
0x12d: {  	v30 =	vld [tilespmem:$0x18050];
	_ =	sdelay $0x4  }
0x12e: {  	v30 =	vadd.s32 s2, v30  }
0x12f: {  	[tilespmem:s1+$0x10] =	vst v30  }
0x130: {  	v30 =	vld [tilespmem:$0x18060];
	_ =	sdelay $0x4  }
0x131: {  	v30 =	vadd.s32 s2, v30  }
0x132: {  	[tilespmem:s1+$0x20] =	vst v30  }
0x133: {  	v30 =	vld [tilespmem:$0x18070];
	_ =	sdelay $0x4  }
0x134: {  	v30 =	vadd.s32 s2, v30  }
0x135: {  	s8 =	simm.s32 $0x100000;
	[tilespmem:s1+$0x30] =	vst v30  }
0x136: {  	s9 =	simm.s32 $0x200000;
	s10 =	simm.s32 $0x0;
	s0 =	sadd.s32 $0x4000, s0;
	v30 =	vld [tilespmem:$0x18000]  }
.LBB2_26:
0x137: {  	p0 =	sne.s32 s9, $0x1F00000  }
0x138: {  	s10 =	sadd.s32 $0x80, s10  }
0x139: {  	s2 =	sand.u32 $0x1800000, s8;
	s8 =	smov.u32 s9;
	s4 =	sand.u32 $0x380, s10  }
0x13a: {  	s29 =	sor.u32 s4, s2  }
0x13b: {  	s1 =	sadd.s32 $0x80, s1;
	v30 =	vadd.s32 s29, v30  }
0x13c: {  	[tilespmem:s1+$0xFFFFFFC0] =	vst v30  }
0x13d: {  	v30 =	vld [tilespmem:$0x18010];
	_ =	sdelay $0x4  }
0x13e: {  	v30 =	vadd.s32 s29, v30  }
0x13f: {  	[tilespmem:s1+$0xFFFFFFD0] =	vst v30  }
0x140: {  	v30 =	vld [tilespmem:$0x18020];
	_ =	sdelay $0x4  }
0x141: {  	v30 =	vadd.s32 s29, v30  }
0x142: {  	[tilespmem:s1+$0xFFFFFFE0] =	vst v30  }
0x143: {  	v30 =	vld [tilespmem:$0x18030];
	_ =	sdelay $0x4  }
0x144: {  	v30 =	vadd.s32 s29, v30  }
0x145: {  	[tilespmem:s1+$0xFFFFFFF0] =	vst v30  }
0x146: {  	v30 =	vld [tilespmem:$0x18040];
	_ =	sdelay $0x4  }
0x147: {  	v30 =	vadd.s32 s29, v30  }
0x148: {  	[tilespmem:s1+$0x0] =	vst v30  }
0x149: {  	v30 =	vld [tilespmem:$0x18050];
	_ =	sdelay $0x4  }
0x14a: {  	v30 =	vadd.s32 s29, v30  }
0x14b: {  	[tilespmem:s1+$0x10] =	vst v30  }
0x14c: {  	v30 =	vld [tilespmem:$0x18060];
	_ =	sdelay $0x4  }
0x14d: {  	v30 =	vadd.s32 s29, v30  }
0x14e: {  	[tilespmem:s1+$0x20] =	vst v30  }
0x14f: {  	v30 =	vld [tilespmem:$0x18070];
	_ =	sdelay $0x2  }
.Ltmp19:
0x150: {  	(pc) =	sbr.rel @p0 .LBB2_26-.Ltmp19, $4  }
0x151: {  	_ = 	snop  }
0x152: {  	v30 =	vadd.s32 s29, v30  }
0x153: {  	[tilespmem:s1+$0x30] =	vst v30  }
0x154: {  	s9 =	sadd.s32 $0x100000, s9;
	v30 =	vld [tilespmem:$0x18000]  }
0x155: {  	_ = 	snop  }
0x156: {  	s2 =	sadd.s32 $0x80, s10  }
0x157: {  	s4 =	sand.u32 $0x1800000, s8;
	s2 =	sand.u32 $0x380, s2  }
0x158: {  	s2 =	sor.u32 s2, s4  }
0x159: {  	s1 =	sadd.s32 $0x80, s1;
	v30 =	vadd.s32 s2, v30  }
0x15a: {  	[tilespmem:s1+$0xFFFFFFC0] =	vst v30  }
0x15b: {  	v30 =	vld [tilespmem:$0x18010];
	_ =	sdelay $0x4  }
0x15c: {  	v30 =	vadd.s32 s2, v30  }
0x15d: {  	[tilespmem:s1+$0xFFFFFFD0] =	vst v30  }
0x15e: {  	v30 =	vld [tilespmem:$0x18020];
	_ =	sdelay $0x4  }
0x15f: {  	v30 =	vadd.s32 s2, v30  }
0x160: {  	[tilespmem:s1+$0xFFFFFFE0] =	vst v30  }
0x161: {  	v30 =	vld [tilespmem:$0x18030];
	_ =	sdelay $0x4  }
0x162: {  	v30 =	vadd.s32 s2, v30  }
0x163: {  	[tilespmem:s1+$0xFFFFFFF0] =	vst v30  }
0x164: {  	v30 =	vld [tilespmem:$0x18040];
	_ =	sdelay $0x4  }
0x165: {  	v30 =	vadd.s32 s2, v30  }
0x166: {  	[tilespmem:s1+$0x0] =	vst v30  }
0x167: {  	v30 =	vld [tilespmem:$0x18050];
	_ =	sdelay $0x4  }
0x168: {  	v30 =	vadd.s32 s2, v30  }
0x169: {  	[tilespmem:s1+$0x10] =	vst v30  }
0x16a: {  	v30 =	vld [tilespmem:$0x18060];
	_ =	sdelay $0x4  }
0x16b: {  	v30 =	vadd.s32 s2, v30  }
0x16c: {  	[tilespmem:s1+$0x20] =	vst v30  }
0x16d: {  	v30 =	vld [tilespmem:$0x18070];
	_ =	sdelay $0x4  }
0x16e: {  	v30 =	vadd.s32 s2, v30  }
0x16f: {  	[tilespmem:s1+$0x30] =	vst v30  }
0x170: {  	v30 =	vld [tilespmem:$0x18000];
	_ =	sdelay $0x1  }
0x171: {  	s8 =	simm.s32 $0x0  }
0x172: {  	s10 =	sand.u32 $0x800000, s8;
	s29 =	sand.u32 $0x380, s8  }
0x173: {  	s2 =	sor.u32 s29, s10  }
0x174: {  	s1 =	simm.s32 $0x190C0;
	v30 =	vadd.s32 s2, v30  }
0x175: {  	[tilespmem:s1+$0xFFFFFFC0] =	vst v30  }
0x176: {  	v30 =	vld [tilespmem:$0x18010];
	_ =	sdelay $0x4  }
0x177: {  	v30 =	vadd.s32 s2, v30  }
0x178: {  	[tilespmem:s1+$0xFFFFFFD0] =	vst v30  }
0x179: {  	v30 =	vld [tilespmem:$0x18020];
	_ =	sdelay $0x4  }
0x17a: {  	v30 =	vadd.s32 s2, v30  }
0x17b: {  	[tilespmem:s1+$0xFFFFFFE0] =	vst v30  }
0x17c: {  	v30 =	vld [tilespmem:$0x18030];
	_ =	sdelay $0x4  }
0x17d: {  	v30 =	vadd.s32 s2, v30  }
0x17e: {  	[tilespmem:s1+$0xFFFFFFF0] =	vst v30  }
0x17f: {  	v30 =	vld [tilespmem:$0x18040];
	_ =	sdelay $0x4  }
0x180: {  	v30 =	vadd.s32 s2, v30  }
0x181: {  	[tilespmem:s1+$0x0] =	vst v30  }
0x182: {  	v30 =	vld [tilespmem:$0x18050];
	_ =	sdelay $0x4  }
0x183: {  	v30 =	vadd.s32 s2, v30  }
0x184: {  	[tilespmem:s1+$0x10] =	vst v30  }
0x185: {  	v30 =	vld [tilespmem:$0x18060];
	_ =	sdelay $0x4  }
0x186: {  	v30 =	vadd.s32 s2, v30  }
0x187: {  	[tilespmem:s1+$0x20] =	vst v30  }
0x188: {  	v30 =	vld [tilespmem:$0x18070];
	_ =	sdelay $0x4  }
0x189: {  	v30 =	vadd.s32 s2, v30  }
0x18a: {  	[tilespmem:s1+$0x30] =	vst v30  }
0x18b: {  	s9 =	simm.s32 $0x200000;
	s10 =	simm.s32 $0x100000;
	v30 =	vld [tilespmem:$0x18000]  }
.LBB2_28:
0x18c: {  	p0 =	sne.s32 s9, $0xF00000  }
0x18d: {  	s8 =	sadd.s32 $0x80, s8  }
0x18e: {  	s2 =	sand.u32 $0x800000, s10;
	s10 =	smov.u32 s9;
	s4 =	sand.u32 $0x380, s8  }
0x18f: {  	s29 =	sor.u32 s4, s2  }
0x190: {  	s1 =	sadd.s32 $0x80, s1;
	v30 =	vadd.s32 s29, v30  }
0x191: {  	[tilespmem:s1+$0xFFFFFFC0] =	vst v30  }
0x192: {  	v30 =	vld [tilespmem:$0x18010];
	_ =	sdelay $0x4  }
0x193: {  	v30 =	vadd.s32 s29, v30  }
0x194: {  	[tilespmem:s1+$0xFFFFFFD0] =	vst v30  }
0x195: {  	v30 =	vld [tilespmem:$0x18020];
	_ =	sdelay $0x4  }
0x196: {  	v30 =	vadd.s32 s29, v30  }
0x197: {  	[tilespmem:s1+$0xFFFFFFE0] =	vst v30  }
0x198: {  	v30 =	vld [tilespmem:$0x18030];
	_ =	sdelay $0x4  }
0x199: {  	v30 =	vadd.s32 s29, v30  }
0x19a: {  	[tilespmem:s1+$0xFFFFFFF0] =	vst v30  }
0x19b: {  	v30 =	vld [tilespmem:$0x18040];
	_ =	sdelay $0x4  }
0x19c: {  	v30 =	vadd.s32 s29, v30  }
0x19d: {  	[tilespmem:s1+$0x0] =	vst v30  }
0x19e: {  	v30 =	vld [tilespmem:$0x18050];
	_ =	sdelay $0x4  }
0x19f: {  	v30 =	vadd.s32 s29, v30  }
0x1a0: {  	[tilespmem:s1+$0x10] =	vst v30  }
0x1a1: {  	v30 =	vld [tilespmem:$0x18060];
	_ =	sdelay $0x4  }
0x1a2: {  	v30 =	vadd.s32 s29, v30  }
0x1a3: {  	[tilespmem:s1+$0x20] =	vst v30  }
0x1a4: {  	v30 =	vld [tilespmem:$0x18070];
	_ =	sdelay $0x2  }
.Ltmp20:
0x1a5: {  	(pc) =	sbr.rel @p0 .LBB2_28-.Ltmp20, $4  }
0x1a6: {  	_ = 	snop  }
0x1a7: {  	v30 =	vadd.s32 s29, v30  }
0x1a8: {  	[tilespmem:s1+$0x30] =	vst v30  }
0x1a9: {  	s9 =	sadd.s32 $0x100000, s9;
	v30 =	vld [tilespmem:$0x18000]  }
0x1aa: {  	_ = 	snop  }
0x1ab: {  	s2 =	sadd.s32 $0x80, s8  }
0x1ac: {  	s4 =	sand.u32 $0x800000, s10;
	s2 =	sand.u32 $0x380, s2  }
0x1ad: {  	s2 =	sor.u32 s2, s4  }
0x1ae: {  	s1 =	sadd.s32 $0x80, s1;
	v30 =	vadd.s32 s2, v30  }
0x1af: {  	[tilespmem:s1+$0xFFFFFFC0] =	vst v30  }
0x1b0: {  	v30 =	vld [tilespmem:$0x18010];
	_ =	sdelay $0x4  }
0x1b1: {  	v30 =	vadd.s32 s2, v30  }
0x1b2: {  	[tilespmem:s1+$0xFFFFFFD0] =	vst v30  }
0x1b3: {  	v30 =	vld [tilespmem:$0x18020];
	_ =	sdelay $0x4  }
0x1b4: {  	v30 =	vadd.s32 s2, v30  }
0x1b5: {  	[tilespmem:s1+$0xFFFFFFE0] =	vst v30  }
0x1b6: {  	v30 =	vld [tilespmem:$0x18030];
	_ =	sdelay $0x4  }
0x1b7: {  	v30 =	vadd.s32 s2, v30  }
0x1b8: {  	[tilespmem:s1+$0xFFFFFFF0] =	vst v30  }
0x1b9: {  	v30 =	vld [tilespmem:$0x18040];
	_ =	sdelay $0x4  }
0x1ba: {  	v30 =	vadd.s32 s2, v30  }
0x1bb: {  	[tilespmem:s1+$0x0] =	vst v30  }
0x1bc: {  	v30 =	vld [tilespmem:$0x18050];
	_ =	sdelay $0x4  }
0x1bd: {  	v30 =	vadd.s32 s2, v30  }
0x1be: {  	[tilespmem:s1+$0x10] =	vst v30  }
0x1bf: {  	v30 =	vld [tilespmem:$0x18060];
	_ =	sdelay $0x4  }
0x1c0: {  	v30 =	vadd.s32 s2, v30  }
0x1c1: {  	[tilespmem:s1+$0x20] =	vst v30  }
0x1c2: {  	s29 =	simm.s32 $0x0;
	v31 =	vld [tilespmem:$0x18070]  }
0x1c3: {  	v30 =	vmov s29  }
0x1c4: {  	v32 =	vand.u32 $0x1F, v30  }
0x1c5: {  	v33 =	vbroadcast v32, $0x0;
	_ =	sdelay $0x1  }
0x1c6: {  	v32 =	vor.u32 v2, v33;
	v31 =	vadd.s32 s2, v31  }
0x1c7: {  	[tilespmem:s1+$0x30] =	vst v31  }
0x1c8: {  	_ =	swait.ge [sflag:s13], $0x4000  }
0x1c9: {  	[sflag:s13] =	ssyncset.done $0x0  }
0x1ca: {  	[sflag:s13] =	ssyncadd.s32 $0xFFFFC000  }
0x1cb: {  	v31 =	vld.idx.msk [tilespmem:v32+s16+$0x0], $0xffff  }
0x1cc: {  	v58 =	vor.u32 v7, v33;
	_ =	sdelay $0x2  }
0x1cd: {  	s8 =	simm.s32 $0x198C0  }
0x1ce: {  	[tilespmem:s8+$0xFFFFFFC0] =	vst v31  }
0x1cf: {  	v31 =	vld.idx.msk [tilespmem:v58+s16+$0x0], $0xffff  }
0x1d0: {  	v59 =	vor.u32 v8, v33;
	_ =	sdelay $0x3  }
0x1d1: {  	[tilespmem:s8+$0xFFFFFFD0] =	vst v31  }
0x1d2: {  	v31 =	vld.idx.msk [tilespmem:v59+s16+$0x0], $0xffff  }
0x1d3: {  	v60 =	vor.u32 v9, v33;
	_ =	sdelay $0x3  }
0x1d4: {  	[tilespmem:s8+$0xFFFFFFE0] =	vst v31  }
0x1d5: {  	v31 =	vld.idx.msk [tilespmem:v60+s16+$0x0], $0xffff  }
0x1d6: {  	v61 =	vor.u32 v10, v33;
	_ =	sdelay $0x3  }
0x1d7: {  	[tilespmem:s8+$0xFFFFFFF0] =	vst v31  }
0x1d8: {  	v31 =	vld.idx.msk [tilespmem:v61+s16+$0x0], $0xffff  }
0x1d9: {  	v62 =	vor.u32 v11, v33;
	_ =	sdelay $0x3  }
0x1da: {  	[tilespmem:s8+$0x0] =	vst v31  }
0x1db: {  	v31 =	vld.idx.msk [tilespmem:v62+s16+$0x0], $0xffff  }
0x1dc: {  	v63 =	vor.u32 v12, v33;
	_ =	sdelay $0x3  }
0x1dd: {  	[tilespmem:s8+$0x10] =	vst v31  }
0x1de: {  	v32 =	vld.idx.msk [tilespmem:v63+s16+$0x0], $0xffff  }
0x1df: {  	v31 =	vor.u32 v13, v33;
	_ =	sdelay $0x1  }
0x1e0: {  	s1 =	simm.s32 $0x1  }
0x1e1: {  	s9 =	simm.s32 $0x2;
	v33 =	vmov s1  }
.LBB2_30:
0x1e2: {  	p0 =	sne.s32 s9, $0x1F;
	v33 =	vand.u32 $0x1F, v33;
	[tilespmem:s8+$0x20] =	vst v32  }
0x1e3: {  	v33 =	vbroadcast v33, $0x0;
	v31 =	vld.idx.msk [tilespmem:v31+s16+$0x0], $0xffff;
	_ =	sdelay $0x1  }
0x1e4: {  	v32 =	vor.u32 v2, v33;
	_ =	sdelay $0x3  }
0x1e5: {  	[tilespmem:s8+$0x30] =	vst v31  }
0x1e6: {  	v31 =	vld.idx.msk [tilespmem:v32+s16+$0x0], $0xffff;
	_ =	sdelay $0x1  }
0x1e7: {  	v32 =	vor.u32 v7, v33;
	_ =	sdelay $0x2  }
0x1e8: {  	s8 =	sadd.s32 $0x80, s8  }
0x1e9: {  	[tilespmem:s8+$0xFFFFFFC0] =	vst v31  }
0x1ea: {  	v31 =	vld.idx.msk [tilespmem:v32+s16+$0x0], $0xffff;
	_ =	sdelay $0x1  }
0x1eb: {  	v32 =	vor.u32 v8, v33;
	_ =	sdelay $0x3  }
0x1ec: {  	[tilespmem:s8+$0xFFFFFFD0] =	vst v31  }
0x1ed: {  	v31 =	vld.idx.msk [tilespmem:v32+s16+$0x0], $0xffff;
	_ =	sdelay $0x1  }
0x1ee: {  	v32 =	vor.u32 v9, v33;
	_ =	sdelay $0x3  }
0x1ef: {  	[tilespmem:s8+$0xFFFFFFE0] =	vst v31  }
0x1f0: {  	v31 =	vld.idx.msk [tilespmem:v32+s16+$0x0], $0xffff;
	_ =	sdelay $0x1  }
0x1f1: {  	v32 =	vor.u32 v10, v33;
	_ =	sdelay $0x3  }
0x1f2: {  	[tilespmem:s8+$0xFFFFFFF0] =	vst v31  }
0x1f3: {  	v31 =	vld.idx.msk [tilespmem:v32+s16+$0x0], $0xffff;
	_ =	sdelay $0x1  }
0x1f4: {  	v32 =	vor.u32 v11, v33;
	_ =	sdelay $0x3  }
0x1f5: {  	[tilespmem:s8+$0x0] =	vst v31  }
0x1f6: {  	v31 =	vld.idx.msk [tilespmem:v32+s16+$0x0], $0xffff;
	_ =	sdelay $0x1  }
0x1f7: {  	v32 =	vor.u32 v12, v33;
	_ =	sdelay $0x3  }
0x1f8: {  	[tilespmem:s8+$0x10] =	vst v31  }
0x1f9: {  	v32 =	vld.idx.msk [tilespmem:v32+s16+$0x0], $0xffff  }
.Ltmp21:
0x1fa: {  	(pc) =	sbr.rel @p0 .LBB2_30-.Ltmp21, $2  }
0x1fb: {  	v31 =	vor.u32 v13, v33;
	_ =	sdelay $0x2  }
0x1fc: {  	v33 =	vmov s9;
	s9 =	sadd.s32 $0x1, s9  }
0x1fd: {  	_ =	sdelay $0x1  }
0x1fe: {  	v33 =	vand.u32 $0x1F, v33  }
0x1ff: {  	[tilespmem:s8+$0x20] =	vst v32;
	v50 =	vbroadcast v33, $0x0  }
0x200: {  	v31 =	vld.idx.msk [tilespmem:v31+s16+$0x0], $0xffff  }
0x201: {  	v33 =	vor.u32 v2, v50;
	_ =	sdelay $0x3  }
0x202: {  	[tilespmem:s8+$0x30] =	vst v31  }
0x203: {  	v31 =	vld.idx.msk [tilespmem:v33+s16+$0x0], $0xffff  }
0x204: {  	v51 =	vor.u32 v7, v50;
	_ =	sdelay $0x2  }
0x205: {  	s2 =	sadd.s32 $0x80, s8  }
0x206: {  	[tilespmem:s2+$0xFFFFFFC0] =	vst v31  }
0x207: {  	v31 =	vld.idx.msk [tilespmem:v51+s16+$0x0], $0xffff  }
0x208: {  	v52 =	vor.u32 v8, v50;
	_ =	sdelay $0x3  }
0x209: {  	[tilespmem:s2+$0xFFFFFFD0] =	vst v31  }
0x20a: {  	v31 =	vld.idx.msk [tilespmem:v52+s16+$0x0], $0xffff  }
0x20b: {  	v53 =	vor.u32 v9, v50;
	_ =	sdelay $0x3  }
0x20c: {  	[tilespmem:s2+$0xFFFFFFE0] =	vst v31  }
0x20d: {  	v31 =	vld.idx.msk [tilespmem:v53+s16+$0x0], $0xffff  }
0x20e: {  	v54 =	vor.u32 v10, v50;
	_ =	sdelay $0x3  }
0x20f: {  	[tilespmem:s2+$0xFFFFFFF0] =	vst v31  }
0x210: {  	v31 =	vld.idx.msk [tilespmem:v54+s16+$0x0], $0xffff  }
0x211: {  	v55 =	vor.u32 v11, v50;
	_ =	sdelay $0x3  }
0x212: {  	[tilespmem:s2+$0x0] =	vst v31  }
0x213: {  	v31 =	vld.idx.msk [tilespmem:v55+s16+$0x0], $0xffff  }
0x214: {  	v56 =	vor.u32 v12, v50;
	_ =	sdelay $0x3  }
0x215: {  	[tilespmem:s2+$0x10] =	vst v31  }
0x216: {  	v31 =	vld.idx.msk [tilespmem:v56+s16+$0x0], $0xffff  }
0x217: {  	v32 =	vor.u32 v13, v50;
	_ =	sdelay $0x1  }
0x218: {  	v30 =	vadd.s32 $0x20, v30  }
0x219: {  	v30 =	vand.u32 $0x2F, v30  }
0x21a: {  	v30 =	vbroadcast v30, $0x0;
	[tilespmem:s2+$0x20] =	vst v31  }
0x21b: {  	v31 =	vld.idx.msk [tilespmem:v32+s16+$0x0], $0xffff  }
0x21c: {  	v57 =	vor.u32 v2, v30;
	_ =	sdelay $0x3  }
0x21d: {  	[tilespmem:s2+$0x30] =	vst v31  }
0x21e: {  	v31 =	vld.idx.msk [tilespmem:v57+s16+$0x0], $0xffff  }
0x21f: {  	v58 =	vor.u32 v7, v30;
	_ =	sdelay $0x2  }
0x220: {  	s8 =	simm.s32 $0x1A8C0  }
0x221: {  	[tilespmem:s8+$0xFFFFFFC0] =	vst v31  }
0x222: {  	v31 =	vld.idx.msk [tilespmem:v58+s16+$0x0], $0xffff  }
0x223: {  	v59 =	vor.u32 v8, v30;
	_ =	sdelay $0x3  }
0x224: {  	[tilespmem:s8+$0xFFFFFFD0] =	vst v31  }
0x225: {  	v31 =	vld.idx.msk [tilespmem:v59+s16+$0x0], $0xffff  }
0x226: {  	v60 =	vor.u32 v9, v30;
	_ =	sdelay $0x3  }
0x227: {  	[tilespmem:s8+$0xFFFFFFE0] =	vst v31  }
0x228: {  	v31 =	vld.idx.msk [tilespmem:v60+s16+$0x0], $0xffff  }
0x229: {  	v61 =	vor.u32 v10, v30;
	_ =	sdelay $0x3  }
0x22a: {  	[tilespmem:s8+$0xFFFFFFF0] =	vst v31  }
0x22b: {  	v31 =	vld.idx.msk [tilespmem:v61+s16+$0x0], $0xffff  }
0x22c: {  	v62 =	vor.u32 v11, v30;
	_ =	sdelay $0x3  }
0x22d: {  	[tilespmem:s8+$0x0] =	vst v31  }
0x22e: {  	v31 =	vld.idx.msk [tilespmem:v62+s16+$0x0], $0xffff  }
0x22f: {  	v63 =	vor.u32 v12, v30;
	_ =	sdelay $0x3  }
0x230: {  	[tilespmem:s8+$0x10] =	vst v31  }
0x231: {  	v31 =	vld.idx.msk [tilespmem:v63+s16+$0x0], $0xffff  }
0x232: {  	v30 =	vor.u32 v13, v30;
	_ =	sdelay $0x1  }
0x233: {  	v32 =	vmov s1;
	s1 =	simm.s32 $0x2  }
.LBB2_32:
0x234: {  	p0 =	sne.s32 s1, $0xF;
	v32 =	vadd.s32 $0x20, v32  }
0x235: {  	v32 =	vand.u32 $0x2F, v32;
	[tilespmem:s8+$0x20] =	vst v31  }
0x236: {  	v32 =	vbroadcast v32, $0x0;
	v30 =	vld.idx.msk [tilespmem:v30+s16+$0x0], $0xffff;
	_ =	sdelay $0x1  }
0x237: {  	v31 =	vor.u32 v2, v32;
	_ =	sdelay $0x3  }
0x238: {  	[tilespmem:s8+$0x30] =	vst v30  }
0x239: {  	v30 =	vld.idx.msk [tilespmem:v31+s16+$0x0], $0xffff;
	_ =	sdelay $0x1  }
0x23a: {  	v31 =	vor.u32 v7, v32;
	_ =	sdelay $0x2  }
0x23b: {  	s8 =	sadd.s32 $0x80, s8  }
0x23c: {  	[tilespmem:s8+$0xFFFFFFC0] =	vst v30  }
0x23d: {  	v30 =	vld.idx.msk [tilespmem:v31+s16+$0x0], $0xffff;
	_ =	sdelay $0x1  }
0x23e: {  	v31 =	vor.u32 v8, v32;
	_ =	sdelay $0x3  }
0x23f: {  	[tilespmem:s8+$0xFFFFFFD0] =	vst v30  }
0x240: {  	v30 =	vld.idx.msk [tilespmem:v31+s16+$0x0], $0xffff;
	_ =	sdelay $0x1  }
0x241: {  	v31 =	vor.u32 v9, v32;
	_ =	sdelay $0x3  }
0x242: {  	[tilespmem:s8+$0xFFFFFFE0] =	vst v30  }
0x243: {  	v30 =	vld.idx.msk [tilespmem:v31+s16+$0x0], $0xffff;
	_ =	sdelay $0x1  }
0x244: {  	v31 =	vor.u32 v10, v32;
	_ =	sdelay $0x3  }
0x245: {  	[tilespmem:s8+$0xFFFFFFF0] =	vst v30  }
0x246: {  	v30 =	vld.idx.msk [tilespmem:v31+s16+$0x0], $0xffff;
	_ =	sdelay $0x1  }
0x247: {  	v31 =	vor.u32 v11, v32;
	_ =	sdelay $0x3  }
0x248: {  	[tilespmem:s8+$0x0] =	vst v30  }
0x249: {  	v30 =	vld.idx.msk [tilespmem:v31+s16+$0x0], $0xffff;
	_ =	sdelay $0x1  }
0x24a: {  	v31 =	vor.u32 v12, v32;
	_ =	sdelay $0x3  }
0x24b: {  	[tilespmem:s8+$0x10] =	vst v30  }
.Ltmp22:
0x24c: {  	v31 =	vld.idx.msk [tilespmem:v31+s16+$0x0], $0xffff;
	(pc) =	sbr.rel @p0 .LBB2_32-.Ltmp22, $3  }
0x24d: {  	_ = 	snop  }
0x24e: {  	v30 =	vor.u32 v13, v32;
	_ =	sdelay $0x1  }
0x24f: {  	v32 =	vmov s1;
	s1 =	sadd.s32 $0x1, s1  }
0x250: {  	_ = 	snop  }
0x251: {  	v32 =	vadd.s32 $0x20, v32  }
0x252: {  	v32 =	vand.u32 $0x2F, v32  }
0x253: {  	[tilespmem:s8+$0x20] =	vst v31;
	v31 =	vbroadcast v32, $0x0  }
0x254: {  	v30 =	vld.idx.msk [tilespmem:v30+s16+$0x0], $0xffff  }
0x255: {  	v32 =	vor.u32 v2, v31;
	_ =	sdelay $0x3  }
0x256: {  	[tilespmem:s8+$0x30] =	vst v30  }
0x257: {  	v30 =	vld.idx.msk [tilespmem:v32+s16+$0x0], $0xffff  }
0x258: {  	v58 =	vor.u32 v7, v31;
	_ =	sdelay $0x2  }
0x259: {  	s1 =	sadd.s32 $0x80, s8  }
0x25a: {  	[tilespmem:s1+$0xFFFFFFC0] =	vst v30  }
0x25b: {  	v30 =	vld.idx.msk [tilespmem:v58+s16+$0x0], $0xffff  }
0x25c: {  	v59 =	vor.u32 v8, v31;
	_ =	sdelay $0x3  }
0x25d: {  	[tilespmem:s1+$0xFFFFFFD0] =	vst v30  }
0x25e: {  	v30 =	vld.idx.msk [tilespmem:v59+s16+$0x0], $0xffff  }
0x25f: {  	v60 =	vor.u32 v9, v31;
	_ =	sdelay $0x3  }
0x260: {  	[tilespmem:s1+$0xFFFFFFE0] =	vst v30  }
0x261: {  	v30 =	vld.idx.msk [tilespmem:v60+s16+$0x0], $0xffff  }
0x262: {  	v61 =	vor.u32 v10, v31;
	_ =	sdelay $0x3  }
0x263: {  	[tilespmem:s1+$0xFFFFFFF0] =	vst v30  }
0x264: {  	v30 =	vld.idx.msk [tilespmem:v61+s16+$0x0], $0xffff  }
0x265: {  	v62 =	vor.u32 v11, v31;
	_ =	sdelay $0x3  }
0x266: {  	[tilespmem:s1+$0x0] =	vst v30  }
0x267: {  	v30 =	vld.idx.msk [tilespmem:v62+s16+$0x0], $0xffff  }
0x268: {  	v63 =	vor.u32 v12, v31;
	_ =	sdelay $0x3  }
0x269: {  	[tilespmem:s1+$0x10] =	vst v30  }
0x26a: {  	v30 =	vld.idx.msk [tilespmem:v63+s16+$0x0], $0xffff  }
0x26b: {  	v31 =	vor.u32 v13, v31;
	_ =	sdelay $0x3  }
0x26c: {  	[tilespmem:s1+$0x20] =	vst v30  }
0x26d: {  	v30 =	vld.idx.msk [tilespmem:v31+s16+$0x0], $0xffff;
	_ =	sdelay $0x4  }
0x26e: {  	[tilespmem:s1+$0x30] =	vst v30  }
0x26f: {  	v30 =	vld.idx.msk [tilespmem:v14+s16+$0x0], $0xffff;
	_ =	sdelay $0x4  }
0x270: {  	[tilespmem:$0x1B080] =	vst v30  }
0x271: {  	v30 =	vld.idx.msk [tilespmem:v15+s16+$0x0], $0xffff;
	_ =	sdelay $0x4  }
0x272: {  	[tilespmem:$0x1B100] =	vst v30  }
0x273: {  	v30 =	vld.idx.msk [tilespmem:v16+s16+$0x0], $0xffff;
	_ =	sdelay $0x4  }
0x274: {  	[tilespmem:$0x1B090] =	vst v30  }
0x275: {  	v30 =	vld.idx.msk [tilespmem:v17+s16+$0x0], $0xffff;
	_ =	sdelay $0x4  }
0x276: {  	[tilespmem:$0x1B110] =	vst v30  }
0x277: {  	v30 =	vld.idx.msk [tilespmem:v18+s16+$0x0], $0xffff;
	_ =	sdelay $0x4  }
0x278: {  	[tilespmem:$0x1B0A0] =	vst v30  }
0x279: {  	v30 =	vld.idx.msk [tilespmem:v19+s16+$0x0], $0xffff;
	_ =	sdelay $0x4  }
0x27a: {  	[tilespmem:$0x1B120] =	vst v30  }
0x27b: {  	v30 =	vld.idx.msk [tilespmem:v20+s16+$0x0], $0xffff;
	_ =	sdelay $0x4  }
0x27c: {  	[tilespmem:$0x1B0B0] =	vst v30  }
0x27d: {  	v30 =	vld.idx.msk [tilespmem:v21+s16+$0x0], $0xffff;
	_ =	sdelay $0x4  }
0x27e: {  	[tilespmem:$0x1B130] =	vst v30  }
0x27f: {  	v30 =	vld.idx.msk [tilespmem:v22+s16+$0x0], $0xffff;
	_ =	sdelay $0x4  }
0x280: {  	[tilespmem:$0x1B0C0] =	vst v30  }
0x281: {  	v30 =	vld.idx.msk [tilespmem:v23+s16+$0x0], $0xffff;
	_ =	sdelay $0x4  }
0x282: {  	[tilespmem:$0x1B140] =	vst v30  }
0x283: {  	v30 =	vld.idx.msk [tilespmem:v24+s16+$0x0], $0xffff;
	_ =	sdelay $0x4  }
0x284: {  	[tilespmem:$0x1B0D0] =	vst v30  }
0x285: {  	v30 =	vld.idx.msk [tilespmem:v25+s16+$0x0], $0xffff;
	_ =	sdelay $0x4  }
0x286: {  	[tilespmem:$0x1B150] =	vst v30  }
0x287: {  	v30 =	vld.idx.msk [tilespmem:v26+s16+$0x0], $0xffff;
	_ =	sdelay $0x4  }
0x288: {  	[tilespmem:$0x1B0E0] =	vst v30  }
0x289: {  	v30 =	vld.idx.msk [tilespmem:v27+s16+$0x0], $0xffff;
	_ =	sdelay $0x4  }
0x28a: {  	[tilespmem:$0x1B160] =	vst v30  }
0x28b: {  	v30 =	vld.idx.msk [tilespmem:v28+s16+$0x0], $0xffff;
	_ =	sdelay $0x4  }
0x28c: {  	[tilespmem:$0x1B0F0] =	vst v30  }
0x28d: {  	v30 =	vld.idx.msk [tilespmem:v29+s16+$0x0], $0xffff;
	_ =	sdelay $0x4  }
0x28e: {  	[tilespmem:$0x1B170] =	vst v30  }
0x28f: {  	[hbm4b:s7+s17] =	stream.indirect.scatter [tilespmem:s19], [sflag:$0x1], $0x1, s18, s17, $0xb8;
	[tilespmem:$0x1B180] =	vst v63  }
0x290: {  	s9 =	rddreg [dreg:$0x3]  }
0x291: {  	[hbm4b:s9+s20] =	stream.indirect.scatter [tilespmem:s22], [sflag:$0x2], $0x1, s21, s20, $0xb8;
	[tilespmem:$0x1B180] =	vst v63  }
0x292: {  	s10 =	rddreg [dreg:$0x2]  }
0x293: {  	[hbm4b:s10+s15] =	stream.indirect.scatter [tilespmem:s23], [sflag:$0x3], $0x1, s0, s15, $0xb8;
	[tilespmem:$0x1B180] =	vst v63  }
0x294: {  	s29 =	rddreg [dreg:$0x4]  }
0x295: {  	[hbm4b:s29+s15] =	stream.indirect.scatter [tilespmem:s24], [sflag:$0x4], $0x1, s0, s15, $0xb8;
	[tilespmem:$0x1B180] =	vst v63  }
0x296: {  	_ =	swait.ge [sflag:s13], $0x1000  }
0x297: {  	[sflag:s13] =	ssyncset.done $0x0  }
0x298: {  	[sflag:s13] =	ssyncadd.s32 $0xFFFFF000  }
0x299: {  	_ =	swait.ge [sflag:s25], $0x800  }
0x29a: {  	[sflag:s25] =	ssyncset.done $0x0  }
0x29b: {  	s3 =	sadd.s32 $0x1, s3;
	[sflag:s25] =	ssyncadd.s32 $0xFFFFF800  }
0x29c: {  	p0 =	sne.s32 s3, s30;
	_ =	swait.ge [sflag:s26], $0x80  }
.Ltmp23:
0x29d: {  	[sflag:s26] =	ssyncset.done $0x0;
	(pc) =	sbr.rel @p0 .LBB2_25-.Ltmp23, $4  }
.Ltmp24:
0x29e: {  	[sflag:s26] =	ssyncadd.s32 $0xFFFFFF80;
	(pc) =	sbr.rel @!p0 .LBB2_34-.Ltmp24, $4  }
0x29f: {  	_ =	swait.ge [sflag:s28], $0x80  }
0x2a0: {  	[sflag:s28] =	ssyncset.done $0x0  }
0x2a1: {  	[sflag:s28] =	ssyncadd.s32 $0xFFFFFF80  }
0x2a2: {  	_ = 	snop  }
.LBB2_13:
.Ltmp25:
0x2a3: {  	(pc) =	sbr.rel .LBB2_23-.Ltmp25, $2  }
0x2a4: {  	_ =	sdelay $0x2  }
0x2a5: {  	s3 =	simm.s32 $0x0;
	s2 =	simm.s32 $0x8000  }
.LBB2_21:
.Ltmp26:
0x2a6: {  	(pc) =	sbr.rel .LBB2_23-.Ltmp26, $2  }
0x2a7: {  	_ =	sdelay $0x2  }
0x2a8: {  	s3 =	simm.s32 $0x0;
	s2 =	simm.s32 $0x8000  }
.LBB2_35:
0x2a9: {  	_ =	sfence.sel $0x180000  }
0x2aa: {  	[bflag:$0x0] =	sbarrier.arrive $0xFFFF  }
0x2ab: {  	_ =	strace $0x90000047  }
0x2ac: {  	s0 =	stileid.u32;
	[bflag:$0x2] =	sbarrier.arrive $0xFFFF  }
0x2ad: {  	p0 =	sne.s32 s0, $0x0;
	s0 =	rddreg [dreg:$0x5]  }
0x2ae: {  	s0 =	sadd.s32 @!p0 $0x100000, s0  }
0x2af: {  	[sflag:s0] =	ssyncadd.tile.s32 @!p0 $0x1;
	_ =	shalt  }
.Lfunc_end2:
_tile_overlayer_lowered:
.L_overlay_start_2:
0x2b0: {  	(tag) =	ssettag $0x2  }
0x2b1: {  	s0 =	rddreg [dreg:$0x0];
	s2 =	stileid.u32  }
0x2b2: {  	s1 =	rddreg [dreg:$0x1];
	p0 =	sne.s32 s2, $0x0  }
0x2b3: {  	s3 =	rddreg [dreg:$0x2];
	[bflag:$0x3] =	sbarrier.arrive $0xFFFF;
	s2 =	simm.s32 @!p0 $0x1C05  }
0x2b4: {  	[timem:s3], [sflag:s2] =	dma.local @!p0 [hbm:s0], s1  }
0x2b5: {  	s0 =	simm.s32 @!p0 $0x5  }
0x2b6: {  	_ =	swait.ge @!p0 [sflag:s0], s1  }
0x2b7: {  	s1 =	ssub.s32 @!p0 $0x0, s1;
	[sflag:s0] =	ssyncset.done @!p0 $0x0  }
0x2b8: {  	[sflag:s0] =	ssyncadd.s32 @!p0 s1  }
0x2b9: {  	[bflag:$0x3] =	sbarrier.arrive $0xFFFF  }
0x2ba: {  	_ =	shalt  }

</sc_bundles>
